<compile_context>
chip_gen: v7x
topology: tpu7x:2x2x1
jax: 0.10.2.dev20260603
libtpu: 0.0.44.dev20260713+nightly
codegen_flags: <defaults>
</compile_context>

<pallas_src>
import functools

import jax
import jax.numpy as jnp
from jax import lax
from jax.experimental import pallas as pl
from jax.experimental.pallas import tpu as pltpu
from jax.experimental.pallas import tpu_sc as plsc

N_TOKENS = 4096
D_MODEL = 2048
D_FF = 2048
N_TASKS = 8

TILE = 256
NT = N_TOKENS // TILE
NUM_ITEMS = NT + N_TASKS - 1


def _routing(tasks):
    t32 = tasks.astype(jnp.int32)
    oh = (t32[:, None] == jnp.arange(N_TASKS, dtype=jnp.int32)[None, :]
          ).astype(jnp.int16)
    counts = jnp.sum(oh.astype(jnp.int32), axis=0)
    offsets = jnp.concatenate([jnp.zeros((1,), jnp.int32),
                               jnp.cumsum(counts, dtype=jnp.int32)])
    pos = jnp.cumsum(oh, axis=0, dtype=jnp.int16)
    rank_within = jnp.sum(oh * pos, axis=1, dtype=jnp.int32) - 1
    inv_idx = offsets[t32] + rank_within
    sort_idx = jnp.zeros((N_TOKENS,), jnp.int32).at[inv_idx].set(
        jnp.arange(N_TOKENS, dtype=jnp.int32))
    tile_starts = jnp.arange(NT, dtype=jnp.int32) * TILE
    lo = jnp.sum(offsets[None, 1:N_TASKS] <= tile_starts[:, None], axis=1)
    hi = jnp.sum(offsets[None, 1:N_TASKS] <= (tile_starts + TILE - 1)[:, None],
                 axis=1)
    n_items = hi - lo + 1
    starts = jnp.concatenate(
        [jnp.zeros((1,), jnp.int32), jnp.cumsum(n_items, dtype=jnp.int32)])
    total = starts[NT]
    ii = jnp.arange(NUM_ITEMS, dtype=jnp.int32)
    t_of_i = jnp.clip(jnp.searchsorted(starts, ii, side="right") - 1, 0, NT - 1)
    e_of_i = jnp.clip(lo[t_of_i] + ii - starts[t_of_i], 0, N_TASKS - 1)
    pad = ii >= total
    tile_ids = jnp.where(pad, NT - 1, t_of_i)
    group_ids = jnp.where(pad, hi[NT - 1], e_of_i)
    run_start = jnp.concatenate(
        [jnp.ones((1,), jnp.int32),
         (group_ids[1:] != group_ids[:-1]).astype(jnp.int32)])
    parity = (jnp.cumsum(run_start) - 1) % 2
    later = (group_ids[None, :] != group_ids[:, None]) & (ii[None, :] > ii[:, None])
    has_nxt = jnp.any(later, axis=1).astype(jnp.int32)
    nxt_e = jnp.where(has_nxt == 1,
                      group_ids[jnp.argmax(later, axis=1)], group_ids)
    return (sort_idx, inv_idx, offsets, tile_ids, group_ids,
            parity.astype(jnp.int32), nxt_e.astype(jnp.int32), has_nxt)


def _mlp_item(ti_ref, gi_ref, off_ref, par_ref, nxt_ref, hn_ref,
              x_ref, w1_hbm, b1_ref, w2_hbm, b2_ref, out_ref,
              w1_scr, w2_scr, w1_sem, w2_sem):
    i = pl.program_id(0)
    e = gi_ref[i]
    t = ti_ref[i]
    p = par_ref[i]
    prev_e = gi_ref[jnp.maximum(i - 1, 0)]
    next_e = gi_ref[jnp.minimum(i + 1, NUM_ITEMS - 1)]
    is_first = jnp.logical_or(i == 0, e != prev_e)

    @pl.when(i == 0)
    def _load_first():
        pltpu.make_async_copy(w1_hbm.at[e], w1_scr.at[p], w1_sem).start()
        pltpu.make_async_copy(w2_hbm.at[e], w2_scr, w2_sem).start()

    @pl.when(is_first)
    def _wait_w1():
        pltpu.make_async_copy(w1_hbm.at[e], w1_scr.at[p], w1_sem).wait()

    @pl.when(is_first & (hn_ref[i] == 1))
    def _prefetch_w1():
        pltpu.make_async_copy(
            w1_hbm.at[nxt_ref[i]], w1_scr.at[1 - p], w1_sem).start()

    x = x_ref[...]
    h = jnp.dot(x, w1_scr[p], preferred_element_type=jnp.float32)
    h = jnp.maximum(h + b1_ref[pl.ds(e, 1), :], 0.0)

    @pl.when(is_first)
    def _wait_w2():
        pltpu.make_async_copy(w2_hbm.at[e], w2_scr, w2_sem).wait()

    y = jnp.dot(h, w2_scr[...], preferred_element_type=jnp.float32)
    y = y + b2_ref[pl.ds(e, 1), :]
    rows = t * TILE + lax.broadcasted_iota(jnp.int32, (TILE, 1), 0)
    mask = (rows >= off_ref[e]) & (rows < off_ref[e + 1])
    out_ref[...] = jnp.where(mask, y, out_ref[...])

    @pl.when(next_e != e)
    def _prefetch_w2():
        pltpu.make_async_copy(w2_hbm.at[next_e], w2_scr, w2_sem).start()


def _grouped_mlp(x_sorted, W1, b1, W2, b2, offsets, tile_ids, group_ids,
                 parity, nxt_e, has_nxt):
    grid_spec = pltpu.PrefetchScalarGridSpec(
        num_scalar_prefetch=6,
        grid=(NUM_ITEMS,),
        in_specs=[
            pl.BlockSpec((TILE, D_MODEL),
                         lambda i, ti, gi, off, par, nx, hn: (ti[i], 0)),
            pl.BlockSpec(memory_space=pltpu.MemorySpace.HBM),
            pl.BlockSpec((N_TASKS, D_FF),
                         lambda i, ti, gi, off, par, nx, hn: (0, 0)),
            pl.BlockSpec(memory_space=pltpu.MemorySpace.HBM),
            pl.BlockSpec((N_TASKS, D_MODEL),
                         lambda i, ti, gi, off, par, nx, hn: (0, 0)),
        ],
        out_specs=pl.BlockSpec((TILE, D_MODEL),
                               lambda i, ti, gi, off, par, nx, hn: (ti[i], 0)),
        scratch_shapes=[
            pltpu.VMEM((2, D_MODEL, D_FF), jnp.float32),
            pltpu.VMEM((D_FF, D_MODEL), jnp.float32),
            pltpu.SemaphoreType.DMA,
            pltpu.SemaphoreType.DMA,
        ],
    )
    return pl.pallas_call(
        _mlp_item,
        grid_spec=grid_spec,
        out_shape=jax.ShapeDtypeStruct((N_TOKENS, D_MODEL), jnp.float32),
        compiler_params=pltpu.CompilerParams(
            dimension_semantics=("arbitrary",),
            vmem_limit_bytes=63 * 1024 * 1024),
    )(tile_ids, group_ids, offsets, parity, nxt_e, has_nxt,
      x_sorted, W1, b1, W2, b2)


_NC = 2
_NS = 16
_NW = _NC * _NS
_BPW = N_TOKENS // _NW
_CH = 16
_NCH = _BPW // _CH


def _sc_gather_rows(table, idx):
    mesh = plsc.VectorSubcoreMesh(core_axis_name="c", subcore_axis_name="s")

    @functools.partial(
        pl.kernel, mesh=mesh,
        out_type=jax.ShapeDtypeStruct((N_TOKENS, D_MODEL), jnp.float32),
        scratch_types=[
            pltpu.VMEM((_BPW,), jnp.int32),
            pltpu.VMEM((2, _CH, D_MODEL), jnp.float32),
            pltpu.SemaphoreType.DMA,
            pltpu.SemaphoreType.DMA,
            pltpu.SemaphoreType.DMA,
            pltpu.SemaphoreType.DMA,
        ],
    )
    def gather_kernel(table_hbm, idx_hbm, out_hbm, idx_v, bufs, g0, g1, w0, w1):
        wid = lax.axis_index("s") * _NC + lax.axis_index("c")
        base = wid * _BPW
        pltpu.sync_copy(idx_hbm.at[pl.ds(base, _BPW)], idx_v)
        gs = (g0, g1)
        ws = (w0, w1)

        def g_copy(c):
            return pltpu.make_async_copy(
                table_hbm.at[idx_v.at[pl.ds(c * _CH, _CH)]],
                bufs.at[c % 2], gs[c % 2])

        def w_copy(c):
            return pltpu.make_async_copy(
                bufs.at[c % 2], out_hbm.at[pl.ds(base + c * _CH, _CH)],
                ws[c % 2])

        g_copy(0).start()
        for c in range(_NCH):
            if c + 1 < _NCH:
                if c >= 1:
                    w_copy(c - 1).wait()
                g_copy(c + 1).start()
            g_copy(c).wait()
            w_copy(c).start()
        w_copy(_NCH - 2).wait()
        w_copy(_NCH - 1).wait()

    return gather_kernel(table, idx)


def kernel(h_root, tasks, W1, b1, W2, b2):
    (sort_idx, inv_idx, offsets, tile_ids, group_ids,
     parity, nxt_e, has_nxt) = _routing(tasks)
    x_sorted = _sc_gather_rows(h_root, sort_idx)
    y_sorted = _grouped_mlp(x_sorted, W1, b1, W2, b2,
                            offsets, tile_ids, group_ids,
                            parity, nxt_e, has_nxt)
    return _sc_gather_rows(y_sorted, inv_idx)

# --- scband reference (transcript-rebuilt; emitter-appended) ---
"""Pipeline reference for scband-multi-main-task-connector-20023137534868 (READ-ONLY COPY).

The authoritative reference and input builder live on the scoring server;
editing this copy changes nothing except your own understanding.
"""

import jax, jax.numpy as jnp
import numpy as np

N_TOKENS = 4096
D_MODEL = 2048
D_FF = 2048
N_TASKS = 8


def setup_inputs(seed: int = 0) -> dict:
    key = jax.random.key(seed)
    k1, k2, k3, k4, k5, k6 = jax.random.split(key, 6)
    h_root = jax.random.normal(k1, (N_TOKENS, D_MODEL), dtype=jnp.float32)
    tasks = jax.random.randint(k2, (N_TOKENS,), 0, N_TASKS, dtype=jnp.int64)
    # Per-task two-layer MLP parameters (xavier-uniform init, matching _reset_params)
    lim1 = float(np.sqrt(6.0 / (D_MODEL + D_FF)))
    lim2 = float(np.sqrt(6.0 / (D_FF + D_MODEL)))
    W1 = jax.random.uniform(k3, (N_TASKS, D_MODEL, D_FF), dtype=jnp.float32, minval=-lim1, maxval=lim1)
    b1 = jnp.zeros((N_TASKS, D_FF), dtype=jnp.float32)
    W2 = jax.random.uniform(k4, (N_TASKS, D_FF, D_MODEL), dtype=jnp.float32, minval=-lim2, maxval=lim2)
    b2 = jnp.zeros((N_TASKS, D_MODEL), dtype=jnp.float32)
    return {"h_root": h_root, "tasks": tasks, "W1": W1, "b1": b1, "W2": W2, "b2": b2}


def reference(h_root, tasks, W1, b1, W2, b2):
    # Faithful translation of MultiMainTaskConnector.multi_tasking:
    # 1) partition batch rows by task id (batch_tree_dict / batch_hidden_dict)
    # 2) run each task's network on its stacked sub-batch
    # 3) scatter each task output back into original batch positions
    n_tasks = W1.shape[0]
    out = jnp.zeros((h_root.shape[0], W2.shape[2]), dtype=h_root.dtype)
    for e in range(n_tasks):
        mask = (tasks == e)[:, None]
        he = jnp.maximum(jnp.dot(h_root, W1[e]) + b1[e], 0.0)  # task network layer 1 + ReLU
        ye = jnp.dot(he, W2[e]) + b2[e]                        # task network layer 2
        out = jnp.where(mask, ye, out)                         # reassemble into original batch order
    return out

if __name__ == "__main__":
    import jax
    _d = setup_inputs()
    print(jax.jit(kernel)(*tuple(_d.values())))

</pallas_src>

<mosaic_0001>
#map = affine_map<(d0, d1) -> (0, 0)>
#map1 = affine_map<(d0, d1) -> (0)>
module attributes {stable_mosaic.version = 14 : i64} {
  func.func @gather_kernel(%arg0: i32, %arg1: i32, %arg2: memref<4096x2048xf32, #tpu.memory_space<hbm>>, %arg3: memref<4096xi32, #tpu.memory_space<hbm>>, %arg4: memref<4096x2048xf32, #tpu.memory_space<hbm>>, %arg5: memref<128xi32, #tpu.memory_space<vmem>>, %arg6: memref<2x16x2048xf32, #tpu.memory_space<vmem>>, %arg7: memref<!tpu.dma_semaphore, #tpu.memory_space<semaphore_mem>>, %arg8: memref<!tpu.dma_semaphore, #tpu.memory_space<semaphore_mem>>, %arg9: memref<!tpu.dma_semaphore, #tpu.memory_space<semaphore_mem>>, %arg10: memref<!tpu.dma_semaphore, #tpu.memory_space<semaphore_mem>>) attributes {dimension_semantics = [#tpu.dimension_semantics<core_parallel>, #tpu.dimension_semantics<subcore_parallel>], iteration_bounds = array<i64: 2, 16>, scalar_prefetch = 0 : i64, scratch_operands = 6 : i64, tpu.core_type = #tpu.core_type<sc_vector_subcore>, window_params = [{transform_indices = #map}, {transform_indices = #map1}, {transform_indices = #map}]} {
    %mul3A = arith.constant 2 : i32
    %mul3A_0 = arith.muli %arg1, %mul3A : i32
    %add3A = arith.addi %mul3A_0, %arg0 : i32
    %mul3A_1 = arith.constant 128 : i32
    %mul3A_2 = arith.muli %add3A, %mul3A_1 : i32
    "tpu.region"() ({
      %run_scoped3A = tpu.sem_alloc : memref<!tpu.dma_semaphore, #tpu.memory_space<semaphore_mem>>
      %dma_start3A_401 = tpu.memref_slice %arg3[%mul3A_2] : memref<4096xi32, #tpu.memory_space<hbm>> -> memref<128xi32, #tpu.memory_space<hbm>>
      %dma_start3A_402 = tpu.memref_slice %arg3[%mul3A_2] : memref<4096xi32, #tpu.memory_space<hbm>> -> memref<128xi32, #tpu.memory_space<hbm>>
      tpu.enqueue_dma source(%dma_start3A_402 : memref<128xi32, #tpu.memory_space<hbm>>) target(%arg5 : memref<128xi32, #tpu.memory_space<vmem>>) target_semaphore(%run_scoped3A : memref<!tpu.dma_semaphore, #tpu.memory_space<semaphore_mem>>)
      %dma_wait3A_403 = tpu.memref_slice %arg3[%mul3A_2] : memref<4096xi32, #tpu.memory_space<hbm>> -> memref<128xi32, #tpu.memory_space<hbm>>
      %dma_wait3A_404 = tpu.memref_slice %arg3[%mul3A_2] : memref<4096xi32, #tpu.memory_space<hbm>> -> memref<128xi32, #tpu.memory_space<hbm>>
      tpu.wait_dma2 semaphore(%run_scoped3A : memref<!tpu.dma_semaphore, #tpu.memory_space<semaphore_mem>>) src(%dma_wait3A_404 : memref<128xi32, #tpu.memory_space<hbm>>) dst(%arg5 : memref<128xi32, #tpu.memory_space<vmem>>)
      tpu.yield
    }) : () -> ()
    %dma_start3A = arith.constant 0 : i32
    %dma_start3A_3 = arith.constant 0 : i32
    %dma_start3A_4 = arith.constant 0 : i32
    %dma_start3A_5 = tpu.memref_slice %arg6[%dma_start3A, %dma_start3A_3, %dma_start3A_4] : memref<2x16x2048xf32, #tpu.memory_space<vmem>> -> memref<1x16x2048xf32, #tpu.memory_space<vmem>>
    %dma_start3A_6 = tpu.memref_squeeze %dma_start3A_5 : memref<1x16x2048xf32, #tpu.memory_space<vmem>> -> memref<16x2048xf32, #tpu.memory_space<vmem>>
    %dma_start3A_7 = arith.constant 0 : i32
    %dma_start3A_8 = tpu.memref_slice %arg5[%dma_start3A_7] : memref<128xi32, #tpu.memory_space<vmem>> -> memref<16xi32, #tpu.memory_space<vmem>>
    %dma_start3A_9 = arith.constant 0 : i32
    %dma_start3A_10 = arith.constant 0 : i32
    %dma_start3A_11 = tpu.memref_slice %arg2[%dma_start3A_9, %dma_start3A_10] : memref<4096x2048xf32, #tpu.memory_space<hbm>> -> memref<4096x2048xf32, #tpu.memory_space<hbm>>
    tpu.enqueue_indirect_dma source(%dma_start3A_11 : memref<4096x2048xf32, #tpu.memory_space<hbm>>) target(%dma_start3A_6 : memref<16x2048xf32, #tpu.memory_space<vmem>>) offsets(%dma_start3A_8 : memref<16xi32, #tpu.memory_space<vmem>>) semaphore(%arg7 : memref<!tpu.dma_semaphore, #tpu.memory_space<semaphore_mem>>)
    %dma_start3A_12 = arith.constant 1 : i32
    %dma_start3A_13 = arith.constant 0 : i32
    %dma_start3A_14 = arith.constant 0 : i32
    %dma_start3A_15 = tpu.memref_slice %arg6[%dma_start3A_12, %dma_start3A_13, %dma_start3A_14] : memref<2x16x2048xf32, #tpu.memory_space<vmem>> -> memref<1x16x2048xf32, #tpu.memory_space<vmem>>
    %dma_start3A_16 = tpu.memref_squeeze %dma_start3A_15 : memref<1x16x2048xf32, #tpu.memory_space<vmem>> -> memref<16x2048xf32, #tpu.memory_space<vmem>>
    %dma_start3A_17 = arith.constant 16 : i32
    %dma_start3A_18 = tpu.memref_slice %arg5[%dma_start3A_17] : memref<128xi32, #tpu.memory_space<vmem>> -> memref<16xi32, #tpu.memory_space<vmem>>
    %dma_start3A_19 = arith.constant 0 : i32
    %dma_start3A_20 = arith.constant 0 : i32
    %dma_start3A_21 = tpu.memref_slice %arg2[%dma_start3A_19, %dma_start3A_20] : memref<4096x2048xf32, #tpu.memory_space<hbm>> -> memref<4096x2048xf32, #tpu.memory_space<hbm>>
    tpu.enqueue_indirect_dma source(%dma_start3A_21 : memref<4096x2048xf32, #tpu.memory_space<hbm>>) target(%dma_start3A_16 : memref<16x2048xf32, #tpu.memory_space<vmem>>) offsets(%dma_start3A_18 : memref<16xi32, #tpu.memory_space<vmem>>) semaphore(%arg8 : memref<!tpu.dma_semaphore, #tpu.memory_space<semaphore_mem>>)
    %dma_wait3A = arith.constant 0 : i32
    %dma_wait3A_22 = arith.constant 0 : i32
    %dma_wait3A_23 = arith.constant 0 : i32
    %dma_wait3A_24 = tpu.memref_slice %arg6[%dma_wait3A, %dma_wait3A_22, %dma_wait3A_23] : memref<2x16x2048xf32, #tpu.memory_space<vmem>> -> memref<1x16x2048xf32, #tpu.memory_space<vmem>>
    %dma_wait3A_25 = tpu.memref_squeeze %dma_wait3A_24 : memref<1x16x2048xf32, #tpu.memory_space<vmem>> -> memref<16x2048xf32, #tpu.memory_space<vmem>>
    %dma_wait3A_26 = arith.constant 0 : i32
    %dma_wait3A_27 = tpu.memref_slice %arg5[%dma_wait3A_26] : memref<128xi32, #tpu.memory_space<vmem>> -> memref<16xi32, #tpu.memory_space<vmem>>
    %dma_wait3A_28 = arith.constant 0 : i32
    %dma_wait3A_29 = arith.constant 0 : i32
    %dma_wait3A_30 = tpu.memref_slice %arg2[%dma_wait3A_28, %dma_wait3A_29] : memref<4096x2048xf32, #tpu.memory_space<hbm>> -> memref<4096x2048xf32, #tpu.memory_space<hbm>>
    tpu.wait_indirect_dma semaphore(%arg7 : memref<!tpu.dma_semaphore, #tpu.memory_space<semaphore_mem>>) src(%dma_wait3A_30 : memref<4096x2048xf32, #tpu.memory_space<hbm>>) dst(%dma_wait3A_25 : memref<16x2048xf32, #tpu.memory_space<vmem>>)
    %add3A_31 = arith.constant 0 : i32
    %add3A_32 = arith.addi %mul3A_2, %add3A_31 : i32
    %dma_start3A_33 = arith.constant 0 : i32
    %dma_start3A_34 = arith.constant 0 : i32
    %dma_start3A_35 = arith.constant 0 : i32
    %dma_start3A_36 = tpu.memref_slice %arg6[%dma_start3A_33, %dma_start3A_34, %dma_start3A_35] : memref<2x16x2048xf32, #tpu.memory_space<vmem>> -> memref<1x16x2048xf32, #tpu.memory_space<vmem>>
    %dma_start3A_37 = tpu.memref_squeeze %dma_start3A_36 : memref<1x16x2048xf32, #tpu.memory_space<vmem>> -> memref<16x2048xf32, #tpu.memory_space<vmem>>
    %dma_start3A_38 = arith.constant 0 : i32
    %dma_start3A_39 = tpu.memref_slice %arg4[%add3A_32, %dma_start3A_38] : memref<4096x2048xf32, #tpu.memory_space<hbm>> -> memref<16x2048xf32, #tpu.memory_space<hbm>>
    %dma_start3A_40 = arith.constant 0 : i32
    %dma_start3A_41 = tpu.memref_slice %arg4[%add3A_32, %dma_start3A_40] : memref<4096x2048xf32, #tpu.memory_space<hbm>> -> memref<16x2048xf32, #tpu.memory_space<hbm>>
    %dma_start3A_42 = arith.constant 0 : i32
    %dma_start3A_43 = arith.constant 0 : i32
    %dma_start3A_44 = tpu.memref_slice %arg6[%dma_start3A_33, %dma_start3A_42, %dma_start3A_43] : memref<2x16x2048xf32, #tpu.memory_space<vmem>> -> memref<1x16x2048xf32, #tpu.memory_space<vmem>>
    %dma_start3A_45 = tpu.memref_squeeze %dma_start3A_44 : memref<1x16x2048xf32, #tpu.memory_space<vmem>> -> memref<16x2048xf32, #tpu.memory_space<vmem>>
    tpu.enqueue_dma source(%dma_start3A_45 : memref<16x2048xf32, #tpu.memory_space<vmem>>) target(%dma_start3A_41 : memref<16x2048xf32, #tpu.memory_space<hbm>>) target_semaphore(%arg9 : memref<!tpu.dma_semaphore, #tpu.memory_space<semaphore_mem>>)
    %add3A_46 = arith.constant 0 : i32
    %add3A_47 = arith.addi %mul3A_2, %add3A_46 : i32
    %dma_wait3A_48 = arith.constant 0 : i32
    %dma_wait3A_49 = arith.constant 0 : i32
    %dma_wait3A_50 = arith.constant 0 : i32
    %dma_wait3A_51 = tpu.memref_slice %arg6[%dma_wait3A_48, %dma_wait3A_49, %dma_wait3A_50] : memref<2x16x2048xf32, #tpu.memory_space<vmem>> -> memref<1x16x2048xf32, #tpu.memory_space<vmem>>
    %dma_wait3A_52 = tpu.memref_squeeze %dma_wait3A_51 : memref<1x16x2048xf32, #tpu.memory_space<vmem>> -> memref<16x2048xf32, #tpu.memory_space<vmem>>
    %dma_wait3A_53 = arith.constant 0 : i32
    %dma_wait3A_54 = tpu.memref_slice %arg4[%add3A_47, %dma_wait3A_53] : memref<4096x2048xf32, #tpu.memory_space<hbm>> -> memref<16x2048xf32, #tpu.memory_space<hbm>>
    %dma_wait3A_55 = arith.constant 0 : i32
    %dma_wait3A_56 = tpu.memref_slice %arg4[%add3A_47, %dma_wait3A_55] : memref<4096x2048xf32, #tpu.memory_space<hbm>> -> memref<16x2048xf32, #tpu.memory_space<hbm>>
    %dma_wait3A_57 = arith.constant 0 : i32
    %dma_wait3A_58 = arith.constant 0 : i32
    %dma_wait3A_59 = tpu.memref_slice %arg6[%dma_wait3A_48, %dma_wait3A_57, %dma_wait3A_58] : memref<2x16x2048xf32, #tpu.memory_space<vmem>> -> memref<1x16x2048xf32, #tpu.memory_space<vmem>>
    %dma_wait3A_60 = tpu.memref_squeeze %dma_wait3A_59 : memref<1x16x2048xf32, #tpu.memory_space<vmem>> -> memref<16x2048xf32, #tpu.memory_space<vmem>>
    tpu.wait_dma2 semaphore(%arg9 : memref<!tpu.dma_semaphore, #tpu.memory_space<semaphore_mem>>) src(%dma_wait3A_60 : memref<16x2048xf32, #tpu.memory_space<vmem>>) dst(%dma_wait3A_56 : memref<16x2048xf32, #tpu.memory_space<hbm>>)
    %dma_start3A_61 = arith.constant 0 : i32
    %dma_start3A_62 = arith.constant 0 : i32
    %dma_start3A_63 = arith.constant 0 : i32
    %dma_start3A_64 = tpu.memref_slice %arg6[%dma_start3A_61, %dma_start3A_62, %dma_start3A_63] : memref<2x16x2048xf32, #tpu.memory_space<vmem>> -> memref<1x16x2048xf32, #tpu.memory_space<vmem>>
    %dma_start3A_65 = tpu.memref_squeeze %dma_start3A_64 : memref<1x16x2048xf32, #tpu.memory_space<vmem>> -> memref<16x2048xf32, #tpu.memory_space<vmem>>
    %dma_start3A_66 = arith.constant 32 : i32
    %dma_start3A_67 = tpu.memref_slice %arg5[%dma_start3A_66] : memref<128xi32, #tpu.memory_space<vmem>> -> memref<16xi32, #tpu.memory_space<vmem>>
    %dma_start3A_68 = arith.constant 0 : i32
    %dma_start3A_69 = arith.constant 0 : i32
    %dma_start3A_70 = tpu.memref_slice %arg2[%dma_start3A_68, %dma_start3A_69] : memref<4096x2048xf32, #tpu.memory_space<hbm>> -> memref<4096x2048xf32, #tpu.memory_space<hbm>>
    tpu.enqueue_indirect_dma source(%dma_start3A_70 : memref<4096x2048xf32, #tpu.memory_space<hbm>>) target(%dma_start3A_65 : memref<16x2048xf32, #tpu.memory_space<vmem>>) offsets(%dma_start3A_67 : memref<16xi32, #tpu.memory_space<vmem>>) semaphore(%arg7 : memref<!tpu.dma_semaphore, #tpu.memory_space<semaphore_mem>>)
    %dma_wait3A_71 = arith.constant 1 : i32
    %dma_wait3A_72 = arith.constant 0 : i32
    %dma_wait3A_73 = arith.constant 0 : i32
    %dma_wait3A_74 = tpu.memref_slice %arg6[%dma_wait3A_71, %dma_wait3A_72, %dma_wait3A_73] : memref<2x16x2048xf32, #tpu.memory_space<vmem>> -> memref<1x16x2048xf32, #tpu.memory_space<vmem>>
    %dma_wait3A_75 = tpu.memref_squeeze %dma_wait3A_74 : memref<1x16x2048xf32, #tpu.memory_space<vmem>> -> memref<16x2048xf32, #tpu.memory_space<vmem>>
    %dma_wait3A_76 = arith.constant 16 : i32
    %dma_wait3A_77 = tpu.memref_slice %arg5[%dma_wait3A_76] : memref<128xi32, #tpu.memory_space<vmem>> -> memref<16xi32, #tpu.memory_space<vmem>>
    %dma_wait3A_78 = arith.constant 0 : i32
    %dma_wait3A_79 = arith.constant 0 : i32
    %dma_wait3A_80 = tpu.memref_slice %arg2[%dma_wait3A_78, %dma_wait3A_79] : memref<4096x2048xf32, #tpu.memory_space<hbm>> -> memref<4096x2048xf32, #tpu.memory_space<hbm>>
    tpu.wait_indirect_dma semaphore(%arg8 : memref<!tpu.dma_semaphore, #tpu.memory_space<semaphore_mem>>) src(%dma_wait3A_80 : memref<4096x2048xf32, #tpu.memory_space<hbm>>) dst(%dma_wait3A_75 : memref<16x2048xf32, #tpu.memory_space<vmem>>)
    %add3A_81 = arith.constant 16 : i32
    %add3A_82 = arith.addi %mul3A_2, %add3A_81 : i32
    %dma_start3A_83 = arith.constant 1 : i32
    %dma_start3A_84 = arith.constant 0 : i32
    %dma_start3A_85 = arith.constant 0 : i32
    %dma_start3A_86 = tpu.memref_slice %arg6[%dma_start3A_83, %dma_start3A_84, %dma_start3A_85] : memref<2x16x2048xf32, #tpu.memory_space<vmem>> -> memref<1x16x2048xf32, #tpu.memory_space<vmem>>
    %dma_start3A_87 = tpu.memref_squeeze %dma_start3A_86 : memref<1x16x2048xf32, #tpu.memory_space<vmem>> -> memref<16x2048xf32, #tpu.memory_space<vmem>>
    %dma_start3A_88 = arith.constant 0 : i32
    %dma_start3A_89 = tpu.memref_slice %arg4[%add3A_82, %dma_start3A_88] : memref<4096x2048xf32, #tpu.memory_space<hbm>> -> memref<16x2048xf32, #tpu.memory_space<hbm>>
    %dma_start3A_90 = arith.constant 0 : i32
    %dma_start3A_91 = tpu.memref_slice %arg4[%add3A_82, %dma_start3A_90] : memref<4096x2048xf32, #tpu.memory_space<hbm>> -> memref<16x2048xf32, #tpu.memory_space<hbm>>
    %dma_start3A_92 = arith.constant 0 : i32
    %dma_start3A_93 = arith.constant 0 : i32
    %dma_start3A_94 = tpu.memref_slice %arg6[%dma_start3A_83, %dma_start3A_92, %dma_start3A_93] : memref<2x16x2048xf32, #tpu.memory_space<vmem>> -> memref<1x16x2048xf32, #tpu.memory_space<vmem>>
    %dma_start3A_95 = tpu.memref_squeeze %dma_start3A_94 : memref<1x16x2048xf32, #tpu.memory_space<vmem>> -> memref<16x2048xf32, #tpu.memory_space<vmem>>
    tpu.enqueue_dma source(%dma_start3A_95 : memref<16x2048xf32, #tpu.memory_space<vmem>>) target(%dma_start3A_91 : memref<16x2048xf32, #tpu.memory_space<hbm>>) target_semaphore(%arg10 : memref<!tpu.dma_semaphore, #tpu.memory_space<semaphore_mem>>)
    %add3A_96 = arith.constant 16 : i32
    %add3A_97 = arith.addi %mul3A_2, %add3A_96 : i32
    %dma_wait3A_98 = arith.constant 1 : i32
    %dma_wait3A_99 = arith.constant 0 : i32
    %dma_wait3A_100 = arith.constant 0 : i32
    %dma_wait3A_101 = tpu.memref_slice %arg6[%dma_wait3A_98, %dma_wait3A_99, %dma_wait3A_100] : memref<2x16x2048xf32, #tpu.memory_space<vmem>> -> memref<1x16x2048xf32, #tpu.memory_space<vmem>>
    %dma_wait3A_102 = tpu.memref_squeeze %dma_wait3A_101 : memref<1x16x2048xf32, #tpu.memory_space<vmem>> -> memref<16x2048xf32, #tpu.memory_space<vmem>>
    %dma_wait3A_103 = arith.constant 0 : i32
    %dma_wait3A_104 = tpu.memref_slice %arg4[%add3A_97, %dma_wait3A_103] : memref<4096x2048xf32, #tpu.memory_space<hbm>> -> memref<16x2048xf32, #tpu.memory_space<hbm>>
    %dma_wait3A_105 = arith.constant 0 : i32
    %dma_wait3A_106 = tpu.memref_slice %arg4[%add3A_97, %dma_wait3A_105] : memref<4096x2048xf32, #tpu.memory_space<hbm>> -> memref<16x2048xf32, #tpu.memory_space<hbm>>
    %dma_wait3A_107 = arith.constant 0 : i32
    %dma_wait3A_108 = arith.constant 0 : i32
    %dma_wait3A_109 = tpu.memref_slice %arg6[%dma_wait3A_98, %dma_wait3A_107, %dma_wait3A_108] : memref<2x16x2048xf32, #tpu.memory_space<vmem>> -> memref<1x16x2048xf32, #tpu.memory_space<vmem>>
    %dma_wait3A_110 = tpu.memref_squeeze %dma_wait3A_109 : memref<1x16x2048xf32, #tpu.memory_space<vmem>> -> memref<16x2048xf32, #tpu.memory_space<vmem>>
    tpu.wait_dma2 semaphore(%arg10 : memref<!tpu.dma_semaphore, #tpu.memory_space<semaphore_mem>>) src(%dma_wait3A_110 : memref<16x2048xf32, #tpu.memory_space<vmem>>) dst(%dma_wait3A_106 : memref<16x2048xf32, #tpu.memory_space<hbm>>)
    %dma_start3A_111 = arith.constant 1 : i32
    %dma_start3A_112 = arith.constant 0 : i32
    %dma_start3A_113 = arith.constant 0 : i32
    %dma_start3A_114 = tpu.memref_slice %arg6[%dma_start3A_111, %dma_start3A_112, %dma_start3A_113] : memref<2x16x2048xf32, #tpu.memory_space<vmem>> -> memref<1x16x2048xf32, #tpu.memory_space<vmem>>
    %dma_start3A_115 = tpu.memref_squeeze %dma_start3A_114 : memref<1x16x2048xf32, #tpu.memory_space<vmem>> -> memref<16x2048xf32, #tpu.memory_space<vmem>>
    %dma_start3A_116 = arith.constant 48 : i32
    %dma_start3A_117 = tpu.memref_slice %arg5[%dma_start3A_116] : memref<128xi32, #tpu.memory_space<vmem>> -> memref<16xi32, #tpu.memory_space<vmem>>
    %dma_start3A_118 = arith.constant 0 : i32
    %dma_start3A_119 = arith.constant 0 : i32
    %dma_start3A_120 = tpu.memref_slice %arg2[%dma_start3A_118, %dma_start3A_119] : memref<4096x2048xf32, #tpu.memory_space<hbm>> -> memref<4096x2048xf32, #tpu.memory_space<hbm>>
    tpu.enqueue_indirect_dma source(%dma_start3A_120 : memref<4096x2048xf32, #tpu.memory_space<hbm>>) target(%dma_start3A_115 : memref<16x2048xf32, #tpu.memory_space<vmem>>) offsets(%dma_start3A_117 : memref<16xi32, #tpu.memory_space<vmem>>) semaphore(%arg8 : memref<!tpu.dma_semaphore, #tpu.memory_space<semaphore_mem>>)
    %dma_wait3A_121 = arith.constant 0 : i32
    %dma_wait3A_122 = arith.constant 0 : i32
    %dma_wait3A_123 = arith.constant 0 : i32
    %dma_wait3A_124 = tpu.memref_slice %arg6[%dma_wait3A_121, %dma_wait3A_122, %dma_wait3A_123] : memref<2x16x2048xf32, #tpu.memory_space<vmem>> -> memref<1x16x2048xf32, #tpu.memory_space<vmem>>
    %dma_wait3A_125 = tpu.memref_squeeze %dma_wait3A_124 : memref<1x16x2048xf32, #tpu.memory_space<vmem>> -> memref<16x2048xf32, #tpu.memory_space<vmem>>
    %dma_wait3A_126 = arith.constant 32 : i32
    %dma_wait3A_127 = tpu.memref_slice %arg5[%dma_wait3A_126] : memref<128xi32, #tpu.memory_space<vmem>> -> memref<16xi32, #tpu.memory_space<vmem>>
    %dma_wait3A_128 = arith.constant 0 : i32
    %dma_wait3A_129 = arith.constant 0 : i32
    %dma_wait3A_130 = tpu.memref_slice %arg2[%dma_wait3A_128, %dma_wait3A_129] : memref<4096x2048xf32, #tpu.memory_space<hbm>> -> memref<4096x2048xf32, #tpu.memory_space<hbm>>
    tpu.wait_indirect_dma semaphore(%arg7 : memref<!tpu.dma_semaphore, #tpu.memory_space<semaphore_mem>>) src(%dma_wait3A_130 : memref<4096x2048xf32, #tpu.memory_space<hbm>>) dst(%dma_wait3A_125 : memref<16x2048xf32, #tpu.memory_space<vmem>>)
    %add3A_131 = arith.constant 32 : i32
    %add3A_132 = arith.addi %mul3A_2, %add3A_131 : i32
    %dma_start3A_133 = arith.constant 0 : i32
    %dma_start3A_134 = arith.constant 0 : i32
    %dma_start3A_135 = arith.constant 0 : i32
    %dma_start3A_136 = tpu.memref_slice %arg6[%dma_start3A_133, %dma_start3A_134, %dma_start3A_135] : memref<2x16x2048xf32, #tpu.memory_space<vmem>> -> memref<1x16x2048xf32, #tpu.memory_space<vmem>>
    %dma_start3A_137 = tpu.memref_squeeze %dma_start3A_136 : memref<1x16x2048xf32, #tpu.memory_space<vmem>> -> memref<16x2048xf32, #tpu.memory_space<vmem>>
    %dma_start3A_138 = arith.constant 0 : i32
    %dma_start3A_139 = tpu.memref_slice %arg4[%add3A_132, %dma_start3A_138] : memref<4096x2048xf32, #tpu.memory_space<hbm>> -> memref<16x2048xf32, #tpu.memory_space<hbm>>
    %dma_start3A_140 = arith.constant 0 : i32
    %dma_start3A_141 = tpu.memref_slice %arg4[%add3A_132, %dma_start3A_140] : memref<4096x2048xf32, #tpu.memory_space<hbm>> -> memref<16x2048xf32, #tpu.memory_space<hbm>>
    %dma_start3A_142 = arith.constant 0 : i32
    %dma_start3A_143 = arith.constant 0 : i32
    %dma_start3A_144 = tpu.memref_slice %arg6[%dma_start3A_133, %dma_start3A_142, %dma_start3A_143] : memref<2x16x2048xf32, #tpu.memory_space<vmem>> -> memref<1x16x2048xf32, #tpu.memory_space<vmem>>
    %dma_start3A_145 = tpu.memref_squeeze %dma_start3A_144 : memref<1x16x2048xf32, #tpu.memory_space<vmem>> -> memref<16x2048xf32, #tpu.memory_space<vmem>>
    tpu.enqueue_dma source(%dma_start3A_145 : memref<16x2048xf32, #tpu.memory_space<vmem>>) target(%dma_start3A_141 : memref<16x2048xf32, #tpu.memory_space<hbm>>) target_semaphore(%arg9 : memref<!tpu.dma_semaphore, #tpu.memory_space<semaphore_mem>>)
    %add3A_146 = arith.constant 32 : i32
    %add3A_147 = arith.addi %mul3A_2, %add3A_146 : i32
    %dma_wait3A_148 = arith.constant 0 : i32
    %dma_wait3A_149 = arith.constant 0 : i32
    %dma_wait3A_150 = arith.constant 0 : i32
    %dma_wait3A_151 = tpu.memref_slice %arg6[%dma_wait3A_148, %dma_wait3A_149, %dma_wait3A_150] : memref<2x16x2048xf32, #tpu.memory_space<vmem>> -> memref<1x16x2048xf32, #tpu.memory_space<vmem>>
    %dma_wait3A_152 = tpu.memref_squeeze %dma_wait3A_151 : memref<1x16x2048xf32, #tpu.memory_space<vmem>> -> memref<16x2048xf32, #tpu.memory_space<vmem>>
    %dma_wait3A_153 = arith.constant 0 : i32
    %dma_wait3A_154 = tpu.memref_slice %arg4[%add3A_147, %dma_wait3A_153] : memref<4096x2048xf32, #tpu.memory_space<hbm>> -> memref<16x2048xf32, #tpu.memory_space<hbm>>
    %dma_wait3A_155 = arith.constant 0 : i32
    %dma_wait3A_156 = tpu.memref_slice %arg4[%add3A_147, %dma_wait3A_155] : memref<4096x2048xf32, #tpu.memory_space<hbm>> -> memref<16x2048xf32, #tpu.memory_space<hbm>>
    %dma_wait3A_157 = arith.constant 0 : i32
    %dma_wait3A_158 = arith.constant 0 : i32
    %dma_wait3A_159 = tpu.memref_slice %arg6[%dma_wait3A_148, %dma_wait3A_157, %dma_wait3A_158] : memref<2x16x2048xf32, #tpu.memory_space<vmem>> -> memref<1x16x2048xf32, #tpu.memory_space<vmem>>
    %dma_wait3A_160 = tpu.memref_squeeze %dma_wait3A_159 : memref<1x16x2048xf32, #tpu.memory_space<vmem>> -> memref<16x2048xf32, #tpu.memory_space<vmem>>
    tpu.wait_dma2 semaphore(%arg9 : memref<!tpu.dma_semaphore, #tpu.memory_space<semaphore_mem>>) src(%dma_wait3A_160 : memref<16x2048xf32, #tpu.memory_space<vmem>>) dst(%dma_wait3A_156 : memref<16x2048xf32, #tpu.memory_space<hbm>>)
    %dma_start3A_161 = arith.constant 0 : i32
    %dma_start3A_162 = arith.constant 0 : i32
    %dma_start3A_163 = arith.constant 0 : i32
    %dma_start3A_164 = tpu.memref_slice %arg6[%dma_start3A_161, %dma_start3A_162, %dma_start3A_163] : memref<2x16x2048xf32, #tpu.memory_space<vmem>> -> memref<1x16x2048xf32, #tpu.memory_space<vmem>>
    %dma_start3A_165 = tpu.memref_squeeze %dma_start3A_164 : memref<1x16x2048xf32, #tpu.memory_space<vmem>> -> memref<16x2048xf32, #tpu.memory_space<vmem>>
    %dma_start3A_166 = arith.constant 64 : i32
    %dma_start3A_167 = tpu.memref_slice %arg5[%dma_start3A_166] : memref<128xi32, #tpu.memory_space<vmem>> -> memref<16xi32, #tpu.memory_space<vmem>>
    %dma_start3A_168 = arith.constant 0 : i32
    %dma_start3A_169 = arith.constant 0 : i32
    %dma_start3A_170 = tpu.memref_slice %arg2[%dma_start3A_168, %dma_start3A_169] : memref<4096x2048xf32, #tpu.memory_space<hbm>> -> memref<4096x2048xf32, #tpu.memory_space<hbm>>
    tpu.enqueue_indirect_dma source(%dma_start3A_170 : memref<4096x2048xf32, #tpu.memory_space<hbm>>) target(%dma_start3A_165 : memref<16x2048xf32, #tpu.memory_space<vmem>>) offsets(%dma_start3A_167 : memref<16xi32, #tpu.memory_space<vmem>>) semaphore(%arg7 : memref<!tpu.dma_semaphore, #tpu.memory_space<semaphore_mem>>)
    %dma_wait3A_171 = arith.constant 1 : i32
    %dma_wait3A_172 = arith.constant 0 : i32
    %dma_wait3A_173 = arith.constant 0 : i32
    %dma_wait3A_174 = tpu.memref_slice %arg6[%dma_wait3A_171, %dma_wait3A_172, %dma_wait3A_173] : memref<2x16x2048xf32, #tpu.memory_space<vmem>> -> memref<1x16x2048xf32, #tpu.memory_space<vmem>>
    %dma_wait3A_175 = tpu.memref_squeeze %dma_wait3A_174 : memref<1x16x2048xf32, #tpu.memory_space<vmem>> -> memref<16x2048xf32, #tpu.memory_space<vmem>>
    %dma_wait3A_176 = arith.constant 48 : i32
    %dma_wait3A_177 = tpu.memref_slice %arg5[%dma_wait3A_176] : memref<128xi32, #tpu.memory_space<vmem>> -> memref<16xi32, #tpu.memory_space<vmem>>
    %dma_wait3A_178 = arith.constant 0 : i32
    %dma_wait3A_179 = arith.constant 0 : i32
    %dma_wait3A_180 = tpu.memref_slice %arg2[%dma_wait3A_178, %dma_wait3A_179] : memref<4096x2048xf32, #tpu.memory_space<hbm>> -> memref<4096x2048xf32, #tpu.memory_space<hbm>>
    tpu.wait_indirect_dma semaphore(%arg8 : memref<!tpu.dma_semaphore, #tpu.memory_space<semaphore_mem>>) src(%dma_wait3A_180 : memref<4096x2048xf32, #tpu.memory_space<hbm>>) dst(%dma_wait3A_175 : memref<16x2048xf32, #tpu.memory_space<vmem>>)
    %add3A_181 = arith.constant 48 : i32
    %add3A_182 = arith.addi %mul3A_2, %add3A_181 : i32
    %dma_start3A_183 = arith.constant 1 : i32
    %dma_start3A_184 = arith.constant 0 : i32
    %dma_start3A_185 = arith.constant 0 : i32
    %dma_start3A_186 = tpu.memref_slice %arg6[%dma_start3A_183, %dma_start3A_184, %dma_start3A_185] : memref<2x16x2048xf32, #tpu.memory_space<vmem>> -> memref<1x16x2048xf32, #tpu.memory_space<vmem>>
    %dma_start3A_187 = tpu.memref_squeeze %dma_start3A_186 : memref<1x16x2048xf32, #tpu.memory_space<vmem>> -> memref<16x2048xf32, #tpu.memory_space<vmem>>
    %dma_start3A_188 = arith.constant 0 : i32
    %dma_start3A_189 = tpu.memref_slice %arg4[%add3A_182, %dma_start3A_188] : memref<4096x2048xf32, #tpu.memory_space<hbm>> -> memref<16x2048xf32, #tpu.memory_space<hbm>>
    %dma_start3A_190 = arith.constant 0 : i32
    %dma_start3A_191 = tpu.memref_slice %arg4[%add3A_182, %dma_start3A_190] : memref<4096x2048xf32, #tpu.memory_space<hbm>> -> memref<16x2048xf32, #tpu.memory_space<hbm>>
    %dma_start3A_192 = arith.constant 0 : i32
    %dma_start3A_193 = arith.constant 0 : i32
    %dma_start3A_194 = tpu.memref_slice %arg6[%dma_start3A_183, %dma_start3A_192, %dma_start3A_193] : memref<2x16x2048xf32, #tpu.memory_space<vmem>> -> memref<1x16x2048xf32, #tpu.memory_space<vmem>>
    %dma_start3A_195 = tpu.memref_squeeze %dma_start3A_194 : memref<1x16x2048xf32, #tpu.memory_space<vmem>> -> memref<16x2048xf32, #tpu.memory_space<vmem>>
    tpu.enqueue_dma source(%dma_start3A_195 : memref<16x2048xf32, #tpu.memory_space<vmem>>) target(%dma_start3A_191 : memref<16x2048xf32, #tpu.memory_space<hbm>>) target_semaphore(%arg10 : memref<!tpu.dma_semaphore, #tpu.memory_space<semaphore_mem>>)
    %add3A_196 = arith.constant 48 : i32
    %add3A_197 = arith.addi %mul3A_2, %add3A_196 : i32
    %dma_wait3A_198 = arith.constant 1 : i32
    %dma_wait3A_199 = arith.constant 0 : i32
    %dma_wait3A_200 = arith.constant 0 : i32
    %dma_wait3A_201 = tpu.memref_slice %arg6[%dma_wait3A_198, %dma_wait3A_199, %dma_wait3A_200] : memref<2x16x2048xf32, #tpu.memory_space<vmem>> -> memref<1x16x2048xf32, #tpu.memory_space<vmem>>
    %dma_wait3A_202 = tpu.memref_squeeze %dma_wait3A_201 : memref<1x16x2048xf32, #tpu.memory_space<vmem>> -> memref<16x2048xf32, #tpu.memory_space<vmem>>
    %dma_wait3A_203 = arith.constant 0 : i32
    %dma_wait3A_204 = tpu.memref_slice %arg4[%add3A_197, %dma_wait3A_203] : memref<4096x2048xf32, #tpu.memory_space<hbm>> -> memref<16x2048xf32, #tpu.memory_space<hbm>>
    %dma_wait3A_205 = arith.constant 0 : i32
    %dma_wait3A_206 = tpu.memref_slice %arg4[%add3A_197, %dma_wait3A_205] : memref<4096x2048xf32, #tpu.memory_space<hbm>> -> memref<16x2048xf32, #tpu.memory_space<hbm>>
    %dma_wait3A_207 = arith.constant 0 : i32
    %dma_wait3A_208 = arith.constant 0 : i32
    %dma_wait3A_209 = tpu.memref_slice %arg6[%dma_wait3A_198, %dma_wait3A_207, %dma_wait3A_208] : memref<2x16x2048xf32, #tpu.memory_space<vmem>> -> memref<1x16x2048xf32, #tpu.memory_space<vmem>>
    %dma_wait3A_210 = tpu.memref_squeeze %dma_wait3A_209 : memref<1x16x2048xf32, #tpu.memory_space<vmem>> -> memref<16x2048xf32, #tpu.memory_space<vmem>>
    tpu.wait_dma2 semaphore(%arg10 : memref<!tpu.dma_semaphore, #tpu.memory_space<semaphore_mem>>) src(%dma_wait3A_210 : memref<16x2048xf32, #tpu.memory_space<vmem>>) dst(%dma_wait3A_206 : memref<16x2048xf32, #tpu.memory_space<hbm>>)
    %dma_start3A_211 = arith.constant 1 : i32
    %dma_start3A_212 = arith.constant 0 : i32
    %dma_start3A_213 = arith.constant 0 : i32
    %dma_start3A_214 = tpu.memref_slice %arg6[%dma_start3A_211, %dma_start3A_212, %dma_start3A_213] : memref<2x16x2048xf32, #tpu.memory_space<vmem>> -> memref<1x16x2048xf32, #tpu.memory_space<vmem>>
    %dma_start3A_215 = tpu.memref_squeeze %dma_start3A_214 : memref<1x16x2048xf32, #tpu.memory_space<vmem>> -> memref<16x2048xf32, #tpu.memory_space<vmem>>
    %dma_start3A_216 = arith.constant 80 : i32
    %dma_start3A_217 = tpu.memref_slice %arg5[%dma_start3A_216] : memref<128xi32, #tpu.memory_space<vmem>> -> memref<16xi32, #tpu.memory_space<vmem>>
    %dma_start3A_218 = arith.constant 0 : i32
    %dma_start3A_219 = arith.constant 0 : i32
    %dma_start3A_220 = tpu.memref_slice %arg2[%dma_start3A_218, %dma_start3A_219] : memref<4096x2048xf32, #tpu.memory_space<hbm>> -> memref<4096x2048xf32, #tpu.memory_space<hbm>>
    tpu.enqueue_indirect_dma source(%dma_start3A_220 : memref<4096x2048xf32, #tpu.memory_space<hbm>>) target(%dma_start3A_215 : memref<16x2048xf32, #tpu.memory_space<vmem>>) offsets(%dma_start3A_217 : memref<16xi32, #tpu.memory_space<vmem>>) semaphore(%arg8 : memref<!tpu.dma_semaphore, #tpu.memory_space<semaphore_mem>>)
    %dma_wait3A_221 = arith.constant 0 : i32
    %dma_wait3A_222 = arith.constant 0 : i32
    %dma_wait3A_223 = arith.constant 0 : i32
    %dma_wait3A_224 = tpu.memref_slice %arg6[%dma_wait3A_221, %dma_wait3A_222, %dma_wait3A_223] : memref<2x16x2048xf32, #tpu.memory_space<vmem>> -> memref<1x16x2048xf32, #tpu.memory_space<vmem>>
    %dma_wait3A_225 = tpu.memref_squeeze %dma_wait3A_224 : memref<1x16x2048xf32, #tpu.memory_space<vmem>> -> memref<16x2048xf32, #tpu.memory_space<vmem>>
    %dma_wait3A_226 = arith.constant 64 : i32
    %dma_wait3A_227 = tpu.memref_slice %arg5[%dma_wait3A_226] : memref<128xi32, #tpu.memory_space<vmem>> -> memref<16xi32, #tpu.memory_space<vmem>>
    %dma_wait3A_228 = arith.constant 0 : i32
    %dma_wait3A_229 = arith.constant 0 : i32
    %dma_wait3A_230 = tpu.memref_slice %arg2[%dma_wait3A_228, %dma_wait3A_229] : memref<4096x2048xf32, #tpu.memory_space<hbm>> -> memref<4096x2048xf32, #tpu.memory_space<hbm>>
    tpu.wait_indirect_dma semaphore(%arg7 : memref<!tpu.dma_semaphore, #tpu.memory_space<semaphore_mem>>) src(%dma_wait3A_230 : memref<4096x2048xf32, #tpu.memory_space<hbm>>) dst(%dma_wait3A_225 : memref<16x2048xf32, #tpu.memory_space<vmem>>)
    %add3A_231 = arith.constant 64 : i32
    %add3A_232 = arith.addi %mul3A_2, %add3A_231 : i32
    %dma_start3A_233 = arith.constant 0 : i32
    %dma_start3A_234 = arith.constant 0 : i32
    %dma_start3A_235 = arith.constant 0 : i32
    %dma_start3A_236 = tpu.memref_slice %arg6[%dma_start3A_233, %dma_start3A_234, %dma_start3A_235] : memref<2x16x2048xf32, #tpu.memory_space<vmem>> -> memref<1x16x2048xf32, #tpu.memory_space<vmem>>
    %dma_start3A_237 = tpu.memref_squeeze %dma_start3A_236 : memref<1x16x2048xf32, #tpu.memory_space<vmem>> -> memref<16x2048xf32, #tpu.memory_space<vmem>>
    %dma_start3A_238 = arith.constant 0 : i32
    %dma_start3A_239 = tpu.memref_slice %arg4[%add3A_232, %dma_start3A_238] : memref<4096x2048xf32, #tpu.memory_space<hbm>> -> memref<16x2048xf32, #tpu.memory_space<hbm>>
    %dma_start3A_240 = arith.constant 0 : i32
    %dma_start3A_241 = tpu.memref_slice %arg4[%add3A_232, %dma_start3A_240] : memref<4096x2048xf32, #tpu.memory_space<hbm>> -> memref<16x2048xf32, #tpu.memory_space<hbm>>
    %dma_start3A_242 = arith.constant 0 : i32
    %dma_start3A_243 = arith.constant 0 : i32
    %dma_start3A_244 = tpu.memref_slice %arg6[%dma_start3A_233, %dma_start3A_242, %dma_start3A_243] : memref<2x16x2048xf32, #tpu.memory_space<vmem>> -> memref<1x16x2048xf32, #tpu.memory_space<vmem>>
    %dma_start3A_245 = tpu.memref_squeeze %dma_start3A_244 : memref<1x16x2048xf32, #tpu.memory_space<vmem>> -> memref<16x2048xf32, #tpu.memory_space<vmem>>
    tpu.enqueue_dma source(%dma_start3A_245 : memref<16x2048xf32, #tpu.memory_space<vmem>>) target(%dma_start3A_241 : memref<16x2048xf32, #tpu.memory_space<hbm>>) target_semaphore(%arg9 : memref<!tpu.dma_semaphore, #tpu.memory_space<semaphore_mem>>)
    %add3A_246 = arith.constant 64 : i32
    %add3A_247 = arith.addi %mul3A_2, %add3A_246 : i32
    %dma_wait3A_248 = arith.constant 0 : i32
    %dma_wait3A_249 = arith.constant 0 : i32
    %dma_wait3A_250 = arith.constant 0 : i32
    %dma_wait3A_251 = tpu.memref_slice %arg6[%dma_wait3A_248, %dma_wait3A_249, %dma_wait3A_250] : memref<2x16x2048xf32, #tpu.memory_space<vmem>> -> memref<1x16x2048xf32, #tpu.memory_space<vmem>>
    %dma_wait3A_252 = tpu.memref_squeeze %dma_wait3A_251 : memref<1x16x2048xf32, #tpu.memory_space<vmem>> -> memref<16x2048xf32, #tpu.memory_space<vmem>>
    %dma_wait3A_253 = arith.constant 0 : i32
    %dma_wait3A_254 = tpu.memref_slice %arg4[%add3A_247, %dma_wait3A_253] : memref<4096x2048xf32, #tpu.memory_space<hbm>> -> memref<16x2048xf32, #tpu.memory_space<hbm>>
    %dma_wait3A_255 = arith.constant 0 : i32
    %dma_wait3A_256 = tpu.memref_slice %arg4[%add3A_247, %dma_wait3A_255] : memref<4096x2048xf32, #tpu.memory_space<hbm>> -> memref<16x2048xf32, #tpu.memory_space<hbm>>
    %dma_wait3A_257 = arith.constant 0 : i32
    %dma_wait3A_258 = arith.constant 0 : i32
    %dma_wait3A_259 = tpu.memref_slice %arg6[%dma_wait3A_248, %dma_wait3A_257, %dma_wait3A_258] : memref<2x16x2048xf32, #tpu.memory_space<vmem>> -> memref<1x16x2048xf32, #tpu.memory_space<vmem>>
    %dma_wait3A_260 = tpu.memref_squeeze %dma_wait3A_259 : memref<1x16x2048xf32, #tpu.memory_space<vmem>> -> memref<16x2048xf32, #tpu.memory_space<vmem>>
    tpu.wait_dma2 semaphore(%arg9 : memref<!tpu.dma_semaphore, #tpu.memory_space<semaphore_mem>>) src(%dma_wait3A_260 : memref<16x2048xf32, #tpu.memory_space<vmem>>) dst(%dma_wait3A_256 : memref<16x2048xf32, #tpu.memory_space<hbm>>)
    %dma_start3A_261 = arith.constant 0 : i32
    %dma_start3A_262 = arith.constant 0 : i32
    %dma_start3A_263 = arith.constant 0 : i32
    %dma_start3A_264 = tpu.memref_slice %arg6[%dma_start3A_261, %dma_start3A_262, %dma_start3A_263] : memref<2x16x2048xf32, #tpu.memory_space<vmem>> -> memref<1x16x2048xf32, #tpu.memory_space<vmem>>
    %dma_start3A_265 = tpu.memref_squeeze %dma_start3A_264 : memref<1x16x2048xf32, #tpu.memory_space<vmem>> -> memref<16x2048xf32, #tpu.memory_space<vmem>>
    %dma_start3A_266 = arith.constant 96 : i32
    %dma_start3A_267 = tpu.memref_slice %arg5[%dma_start3A_266] : memref<128xi32, #tpu.memory_space<vmem>> -> memref<16xi32, #tpu.memory_space<vmem>>
    %dma_start3A_268 = arith.constant 0 : i32
    %dma_start3A_269 = arith.constant 0 : i32
    %dma_start3A_270 = tpu.memref_slice %arg2[%dma_start3A_268, %dma_start3A_269] : memref<4096x2048xf32, #tpu.memory_space<hbm>> -> memref<4096x2048xf32, #tpu.memory_space<hbm>>
    tpu.enqueue_indirect_dma source(%dma_start3A_270 : memref<4096x2048xf32, #tpu.memory_space<hbm>>) target(%dma_start3A_265 : memref<16x2048xf32, #tpu.memory_space<vmem>>) offsets(%dma_start3A_267 : memref<16xi32, #tpu.memory_space<vmem>>) semaphore(%arg7 : memref<!tpu.dma_semaphore, #tpu.memory_space<semaphore_mem>>)
    %dma_wait3A_271 = arith.constant 1 : i32
    %dma_wait3A_272 = arith.constant 0 : i32
    %dma_wait3A_273 = arith.constant 0 : i32
    %dma_wait3A_274 = tpu.memref_slice %arg6[%dma_wait3A_271, %dma_wait3A_272, %dma_wait3A_273] : memref<2x16x2048xf32, #tpu.memory_space<vmem>> -> memref<1x16x2048xf32, #tpu.memory_space<vmem>>
    %dma_wait3A_275 = tpu.memref_squeeze %dma_wait3A_274 : memref<1x16x2048xf32, #tpu.memory_space<vmem>> -> memref<16x2048xf32, #tpu.memory_space<vmem>>
    %dma_wait3A_276 = arith.constant 80 : i32
    %dma_wait3A_277 = tpu.memref_slice %arg5[%dma_wait3A_276] : memref<128xi32, #tpu.memory_space<vmem>> -> memref<16xi32, #tpu.memory_space<vmem>>
    %dma_wait3A_278 = arith.constant 0 : i32
    %dma_wait3A_279 = arith.constant 0 : i32
    %dma_wait3A_280 = tpu.memref_slice %arg2[%dma_wait3A_278, %dma_wait3A_279] : memref<4096x2048xf32, #tpu.memory_space<hbm>> -> memref<4096x2048xf32, #tpu.memory_space<hbm>>
    tpu.wait_indirect_dma semaphore(%arg8 : memref<!tpu.dma_semaphore, #tpu.memory_space<semaphore_mem>>) src(%dma_wait3A_280 : memref<4096x2048xf32, #tpu.memory_space<hbm>>) dst(%dma_wait3A_275 : memref<16x2048xf32, #tpu.memory_space<vmem>>)
    %add3A_281 = arith.constant 80 : i32
    %add3A_282 = arith.addi %mul3A_2, %add3A_281 : i32
    %dma_start3A_283 = arith.constant 1 : i32
    %dma_start3A_284 = arith.constant 0 : i32
    %dma_start3A_285 = arith.constant 0 : i32
    %dma_start3A_286 = tpu.memref_slice %arg6[%dma_start3A_283, %dma_start3A_284, %dma_start3A_285] : memref<2x16x2048xf32, #tpu.memory_space<vmem>> -> memref<1x16x2048xf32, #tpu.memory_space<vmem>>
    %dma_start3A_287 = tpu.memref_squeeze %dma_start3A_286 : memref<1x16x2048xf32, #tpu.memory_space<vmem>> -> memref<16x2048xf32, #tpu.memory_space<vmem>>
    %dma_start3A_288 = arith.constant 0 : i32
    %dma_start3A_289 = tpu.memref_slice %arg4[%add3A_282, %dma_start3A_288] : memref<4096x2048xf32, #tpu.memory_space<hbm>> -> memref<16x2048xf32, #tpu.memory_space<hbm>>
    %dma_start3A_290 = arith.constant 0 : i32
    %dma_start3A_291 = tpu.memref_slice %arg4[%add3A_282, %dma_start3A_290] : memref<4096x2048xf32, #tpu.memory_space<hbm>> -> memref<16x2048xf32, #tpu.memory_space<hbm>>
    %dma_start3A_292 = arith.constant 0 : i32
    %dma_start3A_293 = arith.constant 0 : i32
    %dma_start3A_294 = tpu.memref_slice %arg6[%dma_start3A_283, %dma_start3A_292, %dma_start3A_293] : memref<2x16x2048xf32, #tpu.memory_space<vmem>> -> memref<1x16x2048xf32, #tpu.memory_space<vmem>>
    %dma_start3A_295 = tpu.memref_squeeze %dma_start3A_294 : memref<1x16x2048xf32, #tpu.memory_space<vmem>> -> memref<16x2048xf32, #tpu.memory_space<vmem>>
    tpu.enqueue_dma source(%dma_start3A_295 : memref<16x2048xf32, #tpu.memory_space<vmem>>) target(%dma_start3A_291 : memref<16x2048xf32, #tpu.memory_space<hbm>>) target_semaphore(%arg10 : memref<!tpu.dma_semaphore, #tpu.memory_space<semaphore_mem>>)
    %add3A_296 = arith.constant 80 : i32
    %add3A_297 = arith.addi %mul3A_2, %add3A_296 : i32
    %dma_wait3A_298 = arith.constant 1 : i32
    %dma_wait3A_299 = arith.constant 0 : i32
    %dma_wait3A_300 = arith.constant 0 : i32
    %dma_wait3A_301 = tpu.memref_slice %arg6[%dma_wait3A_298, %dma_wait3A_299, %dma_wait3A_300] : memref<2x16x2048xf32, #tpu.memory_space<vmem>> -> memref<1x16x2048xf32, #tpu.memory_space<vmem>>
    %dma_wait3A_302 = tpu.memref_squeeze %dma_wait3A_301 : memref<1x16x2048xf32, #tpu.memory_space<vmem>> -> memref<16x2048xf32, #tpu.memory_space<vmem>>
    %dma_wait3A_303 = arith.constant 0 : i32
    %dma_wait3A_304 = tpu.memref_slice %arg4[%add3A_297, %dma_wait3A_303] : memref<4096x2048xf32, #tpu.memory_space<hbm>> -> memref<16x2048xf32, #tpu.memory_space<hbm>>
    %dma_wait3A_305 = arith.constant 0 : i32
    %dma_wait3A_306 = tpu.memref_slice %arg4[%add3A_297, %dma_wait3A_305] : memref<4096x2048xf32, #tpu.memory_space<hbm>> -> memref<16x2048xf32, #tpu.memory_space<hbm>>
    %dma_wait3A_307 = arith.constant 0 : i32
    %dma_wait3A_308 = arith.constant 0 : i32
    %dma_wait3A_309 = tpu.memref_slice %arg6[%dma_wait3A_298, %dma_wait3A_307, %dma_wait3A_308] : memref<2x16x2048xf32, #tpu.memory_space<vmem>> -> memref<1x16x2048xf32, #tpu.memory_space<vmem>>
    %dma_wait3A_310 = tpu.memref_squeeze %dma_wait3A_309 : memref<1x16x2048xf32, #tpu.memory_space<vmem>> -> memref<16x2048xf32, #tpu.memory_space<vmem>>
    tpu.wait_dma2 semaphore(%arg10 : memref<!tpu.dma_semaphore, #tpu.memory_space<semaphore_mem>>) src(%dma_wait3A_310 : memref<16x2048xf32, #tpu.memory_space<vmem>>) dst(%dma_wait3A_306 : memref<16x2048xf32, #tpu.memory_space<hbm>>)
    %dma_start3A_311 = arith.constant 1 : i32
    %dma_start3A_312 = arith.constant 0 : i32
    %dma_start3A_313 = arith.constant 0 : i32
    %dma_start3A_314 = tpu.memref_slice %arg6[%dma_start3A_311, %dma_start3A_312, %dma_start3A_313] : memref<2x16x2048xf32, #tpu.memory_space<vmem>> -> memref<1x16x2048xf32, #tpu.memory_space<vmem>>
    %dma_start3A_315 = tpu.memref_squeeze %dma_start3A_314 : memref<1x16x2048xf32, #tpu.memory_space<vmem>> -> memref<16x2048xf32, #tpu.memory_space<vmem>>
    %dma_start3A_316 = arith.constant 112 : i32
    %dma_start3A_317 = tpu.memref_slice %arg5[%dma_start3A_316] : memref<128xi32, #tpu.memory_space<vmem>> -> memref<16xi32, #tpu.memory_space<vmem>>
    %dma_start3A_318 = arith.constant 0 : i32
    %dma_start3A_319 = arith.constant 0 : i32
    %dma_start3A_320 = tpu.memref_slice %arg2[%dma_start3A_318, %dma_start3A_319] : memref<4096x2048xf32, #tpu.memory_space<hbm>> -> memref<4096x2048xf32, #tpu.memory_space<hbm>>
    tpu.enqueue_indirect_dma source(%dma_start3A_320 : memref<4096x2048xf32, #tpu.memory_space<hbm>>) target(%dma_start3A_315 : memref<16x2048xf32, #tpu.memory_space<vmem>>) offsets(%dma_start3A_317 : memref<16xi32, #tpu.memory_space<vmem>>) semaphore(%arg8 : memref<!tpu.dma_semaphore, #tpu.memory_space<semaphore_mem>>)
    %dma_wait3A_321 = arith.constant 0 : i32
    %dma_wait3A_322 = arith.constant 0 : i32
    %dma_wait3A_323 = arith.constant 0 : i32
    %dma_wait3A_324 = tpu.memref_slice %arg6[%dma_wait3A_321, %dma_wait3A_322, %dma_wait3A_323] : memref<2x16x2048xf32, #tpu.memory_space<vmem>> -> memref<1x16x2048xf32, #tpu.memory_space<vmem>>
    %dma_wait3A_325 = tpu.memref_squeeze %dma_wait3A_324 : memref<1x16x2048xf32, #tpu.memory_space<vmem>> -> memref<16x2048xf32, #tpu.memory_space<vmem>>
    %dma_wait3A_326 = arith.constant 96 : i32
    %dma_wait3A_327 = tpu.memref_slice %arg5[%dma_wait3A_326] : memref<128xi32, #tpu.memory_space<vmem>> -> memref<16xi32, #tpu.memory_space<vmem>>
    %dma_wait3A_328 = arith.constant 0 : i32
    %dma_wait3A_329 = arith.constant 0 : i32
    %dma_wait3A_330 = tpu.memref_slice %arg2[%dma_wait3A_328, %dma_wait3A_329] : memref<4096x2048xf32, #tpu.memory_space<hbm>> -> memref<4096x2048xf32, #tpu.memory_space<hbm>>
    tpu.wait_indirect_dma semaphore(%arg7 : memref<!tpu.dma_semaphore, #tpu.memory_space<semaphore_mem>>) src(%dma_wait3A_330 : memref<4096x2048xf32, #tpu.memory_space<hbm>>) dst(%dma_wait3A_325 : memref<16x2048xf32, #tpu.memory_space<vmem>>)
    %add3A_331 = arith.constant 96 : i32
    %add3A_332 = arith.addi %mul3A_2, %add3A_331 : i32
    %dma_start3A_333 = arith.constant 0 : i32
    %dma_start3A_334 = arith.constant 0 : i32
    %dma_start3A_335 = arith.constant 0 : i32
    %dma_start3A_336 = tpu.memref_slice %arg6[%dma_start3A_333, %dma_start3A_334, %dma_start3A_335] : memref<2x16x2048xf32, #tpu.memory_space<vmem>> -> memref<1x16x2048xf32, #tpu.memory_space<vmem>>
    %dma_start3A_337 = tpu.memref_squeeze %dma_start3A_336 : memref<1x16x2048xf32, #tpu.memory_space<vmem>> -> memref<16x2048xf32, #tpu.memory_space<vmem>>
    %dma_start3A_338 = arith.constant 0 : i32
    %dma_start3A_339 = tpu.memref_slice %arg4[%add3A_332, %dma_start3A_338] : memref<4096x2048xf32, #tpu.memory_space<hbm>> -> memref<16x2048xf32, #tpu.memory_space<hbm>>
    %dma_start3A_340 = arith.constant 0 : i32
    %dma_start3A_341 = tpu.memref_slice %arg4[%add3A_332, %dma_start3A_340] : memref<4096x2048xf32, #tpu.memory_space<hbm>> -> memref<16x2048xf32, #tpu.memory_space<hbm>>
    %dma_start3A_342 = arith.constant 0 : i32
    %dma_start3A_343 = arith.constant 0 : i32
    %dma_start3A_344 = tpu.memref_slice %arg6[%dma_start3A_333, %dma_start3A_342, %dma_start3A_343] : memref<2x16x2048xf32, #tpu.memory_space<vmem>> -> memref<1x16x2048xf32, #tpu.memory_space<vmem>>
    %dma_start3A_345 = tpu.memref_squeeze %dma_start3A_344 : memref<1x16x2048xf32, #tpu.memory_space<vmem>> -> memref<16x2048xf32, #tpu.memory_space<vmem>>
    tpu.enqueue_dma source(%dma_start3A_345 : memref<16x2048xf32, #tpu.memory_space<vmem>>) target(%dma_start3A_341 : memref<16x2048xf32, #tpu.memory_space<hbm>>) target_semaphore(%arg9 : memref<!tpu.dma_semaphore, #tpu.memory_space<semaphore_mem>>)
    %dma_wait3A_346 = arith.constant 1 : i32
    %dma_wait3A_347 = arith.constant 0 : i32
    %dma_wait3A_348 = arith.constant 0 : i32
    %dma_wait3A_349 = tpu.memref_slice %arg6[%dma_wait3A_346, %dma_wait3A_347, %dma_wait3A_348] : memref<2x16x2048xf32, #tpu.memory_space<vmem>> -> memref<1x16x2048xf32, #tpu.memory_space<vmem>>
    %dma_wait3A_350 = tpu.memref_squeeze %dma_wait3A_349 : memref<1x16x2048xf32, #tpu.memory_space<vmem>> -> memref<16x2048xf32, #tpu.memory_space<vmem>>
    %dma_wait3A_351 = arith.constant 112 : i32
    %dma_wait3A_352 = tpu.memref_slice %arg5[%dma_wait3A_351] : memref<128xi32, #tpu.memory_space<vmem>> -> memref<16xi32, #tpu.memory_space<vmem>>
    %dma_wait3A_353 = arith.constant 0 : i32
    %dma_wait3A_354 = arith.constant 0 : i32
    %dma_wait3A_355 = tpu.memref_slice %arg2[%dma_wait3A_353, %dma_wait3A_354] : memref<4096x2048xf32, #tpu.memory_space<hbm>> -> memref<4096x2048xf32, #tpu.memory_space<hbm>>
    tpu.wait_indirect_dma semaphore(%arg8 : memref<!tpu.dma_semaphore, #tpu.memory_space<semaphore_mem>>) src(%dma_wait3A_355 : memref<4096x2048xf32, #tpu.memory_space<hbm>>) dst(%dma_wait3A_350 : memref<16x2048xf32, #tpu.memory_space<vmem>>)
    %add3A_356 = arith.constant 112 : i32
    %add3A_357 = arith.addi %mul3A_2, %add3A_356 : i32
    %dma_start3A_358 = arith.constant 1 : i32
    %dma_start3A_359 = arith.constant 0 : i32
    %dma_start3A_360 = arith.constant 0 : i32
    %dma_start3A_361 = tpu.memref_slice %arg6[%dma_start3A_358, %dma_start3A_359, %dma_start3A_360] : memref<2x16x2048xf32, #tpu.memory_space<vmem>> -> memref<1x16x2048xf32, #tpu.memory_space<vmem>>
    %dma_start3A_362 = tpu.memref_squeeze %dma_start3A_361 : memref<1x16x2048xf32, #tpu.memory_space<vmem>> -> memref<16x2048xf32, #tpu.memory_space<vmem>>
    %dma_start3A_363 = arith.constant 0 : i32
    %dma_start3A_364 = tpu.memref_slice %arg4[%add3A_357, %dma_start3A_363] : memref<4096x2048xf32, #tpu.memory_space<hbm>> -> memref<16x2048xf32, #tpu.memory_space<hbm>>
    %dma_start3A_365 = arith.constant 0 : i32
    %dma_start3A_366 = tpu.memref_slice %arg4[%add3A_357, %dma_start3A_365] : memref<4096x2048xf32, #tpu.memory_space<hbm>> -> memref<16x2048xf32, #tpu.memory_space<hbm>>
    %dma_start3A_367 = arith.constant 0 : i32
    %dma_start3A_368 = arith.constant 0 : i32
    %dma_start3A_369 = tpu.memref_slice %arg6[%dma_start3A_358, %dma_start3A_367, %dma_start3A_368] : memref<2x16x2048xf32, #tpu.memory_space<vmem>> -> memref<1x16x2048xf32, #tpu.memory_space<vmem>>
    %dma_start3A_370 = tpu.memref_squeeze %dma_start3A_369 : memref<1x16x2048xf32, #tpu.memory_space<vmem>> -> memref<16x2048xf32, #tpu.memory_space<vmem>>
    tpu.enqueue_dma source(%dma_start3A_370 : memref<16x2048xf32, #tpu.memory_space<vmem>>) target(%dma_start3A_366 : memref<16x2048xf32, #tpu.memory_space<hbm>>) target_semaphore(%arg10 : memref<!tpu.dma_semaphore, #tpu.memory_space<semaphore_mem>>)
    %add3A_371 = arith.constant 96 : i32
    %add3A_372 = arith.addi %mul3A_2, %add3A_371 : i32
    %dma_wait3A_373 = arith.constant 0 : i32
    %dma_wait3A_374 = arith.constant 0 : i32
    %dma_wait3A_375 = arith.constant 0 : i32
    %dma_wait3A_376 = tpu.memref_slice %arg6[%dma_wait3A_373, %dma_wait3A_374, %dma_wait3A_375] : memref<2x16x2048xf32, #tpu.memory_space<vmem>> -> memref<1x16x2048xf32, #tpu.memory_space<vmem>>
    %dma_wait3A_377 = tpu.memref_squeeze %dma_wait3A_376 : memref<1x16x2048xf32, #tpu.memory_space<vmem>> -> memref<16x2048xf32, #tpu.memory_space<vmem>>
    %dma_wait3A_378 = arith.constant 0 : i32
    %dma_wait3A_379 = tpu.memref_slice %arg4[%add3A_372, %dma_wait3A_378] : memref<4096x2048xf32, #tpu.memory_space<hbm>> -> memref<16x2048xf32, #tpu.memory_space<hbm>>
    %dma_wait3A_380 = arith.constant 0 : i32
    %dma_wait3A_381 = tpu.memref_slice %arg4[%add3A_372, %dma_wait3A_380] : memref<4096x2048xf32, #tpu.memory_space<hbm>> -> memref<16x2048xf32, #tpu.memory_space<hbm>>
    %dma_wait3A_382 = arith.constant 0 : i32
    %dma_wait3A_383 = arith.constant 0 : i32
    %dma_wait3A_384 = tpu.memref_slice %arg6[%dma_wait3A_373, %dma_wait3A_382, %dma_wait3A_383] : memref<2x16x2048xf32, #tpu.memory_space<vmem>> -> memref<1x16x2048xf32, #tpu.memory_space<vmem>>
    %dma_wait3A_385 = tpu.memref_squeeze %dma_wait3A_384 : memref<1x16x2048xf32, #tpu.memory_space<vmem>> -> memref<16x2048xf32, #tpu.memory_space<vmem>>
    tpu.wait_dma2 semaphore(%arg9 : memref<!tpu.dma_semaphore, #tpu.memory_space<semaphore_mem>>) src(%dma_wait3A_385 : memref<16x2048xf32, #tpu.memory_space<vmem>>) dst(%dma_wait3A_381 : memref<16x2048xf32, #tpu.memory_space<hbm>>)
    %add3A_386 = arith.constant 112 : i32
    %add3A_387 = arith.addi %mul3A_2, %add3A_386 : i32
    %dma_wait3A_388 = arith.constant 1 : i32
    %dma_wait3A_389 = arith.constant 0 : i32
    %dma_wait3A_390 = arith.constant 0 : i32
    %dma_wait3A_391 = tpu.memref_slice %arg6[%dma_wait3A_388, %dma_wait3A_389, %dma_wait3A_390] : memref<2x16x2048xf32, #tpu.memory_space<vmem>> -> memref<1x16x2048xf32, #tpu.memory_space<vmem>>
    %dma_wait3A_392 = tpu.memref_squeeze %dma_wait3A_391 : memref<1x16x2048xf32, #tpu.memory_space<vmem>> -> memref<16x2048xf32, #tpu.memory_space<vmem>>
    %dma_wait3A_393 = arith.constant 0 : i32
    %dma_wait3A_394 = tpu.memref_slice %arg4[%add3A_387, %dma_wait3A_393] : memref<4096x2048xf32, #tpu.memory_space<hbm>> -> memref<16x2048xf32, #tpu.memory_space<hbm>>
    %dma_wait3A_395 = arith.constant 0 : i32
    %dma_wait3A_396 = tpu.memref_slice %arg4[%add3A_387, %dma_wait3A_395] : memref<4096x2048xf32, #tpu.memory_space<hbm>> -> memref<16x2048xf32, #tpu.memory_space<hbm>>
    %dma_wait3A_397 = arith.constant 0 : i32
    %dma_wait3A_398 = arith.constant 0 : i32
    %dma_wait3A_399 = tpu.memref_slice %arg6[%dma_wait3A_388, %dma_wait3A_397, %dma_wait3A_398] : memref<2x16x2048xf32, #tpu.memory_space<vmem>> -> memref<1x16x2048xf32, #tpu.memory_space<vmem>>
    %dma_wait3A_400 = tpu.memref_squeeze %dma_wait3A_399 : memref<1x16x2048xf32, #tpu.memory_space<vmem>> -> memref<16x2048xf32, #tpu.memory_space<vmem>>
    tpu.wait_dma2 semaphore(%arg10 : memref<!tpu.dma_semaphore, #tpu.memory_space<semaphore_mem>>) src(%dma_wait3A_400 : memref<16x2048xf32, #tpu.memory_space<vmem>>) dst(%dma_wait3A_396 : memref<16x2048xf32, #tpu.memory_space<hbm>>)
    return
  }
}

#map = affine_map<(d0, d1) -> (0, 0)>
#map1 = affine_map<(d0, d1) -> (0)>
module attributes {stable_mosaic.version = 14 : i64} {
  func.func @gather_kernel(%arg0: i32, %arg1: i32, %arg2: memref<4096x2048xf32, #tpu.memory_space<hbm>>, %arg3: memref<4096xi32, #tpu.memory_space<hbm>>, %arg4: memref<4096x2048xf32, #tpu.memory_space<hbm>>, %arg5: memref<128xi32, #tpu.memory_space<vmem>>, %arg6: memref<2x16x2048xf32, #tpu.memory_space<vmem>>, %arg7: memref<!tpu.dma_semaphore, #tpu.memory_space<semaphore_mem>>, %arg8: memref<!tpu.dma_semaphore, #tpu.memory_space<semaphore_mem>>, %arg9: memref<!tpu.dma_semaphore, #tpu.memory_space<semaphore_mem>>, %arg10: memref<!tpu.dma_semaphore, #tpu.memory_space<semaphore_mem>>) attributes {dimension_semantics = [#tpu.dimension_semantics<core_parallel>, #tpu.dimension_semantics<subcore_parallel>], iteration_bounds = array<i64: 2, 16>, scalar_prefetch = 0 : i64, scratch_operands = 6 : i64, tpu.core_type = #tpu.core_type<sc_vector_subcore>, window_params = [{transform_indices = #map}, {transform_indices = #map1}, {transform_indices = #map}]} {
    %mul3A = arith.constant 2 : i32
    %mul3A_0 = arith.muli %arg1, %mul3A : i32
    %add3A = arith.addi %mul3A_0, %arg0 : i32
    %mul3A_1 = arith.constant 128 : i32
    %mul3A_2 = arith.muli %add3A, %mul3A_1 : i32
    "tpu.region"() ({
      %run_scoped3A = tpu.sem_alloc : memref<!tpu.dma_semaphore, #tpu.memory_space<semaphore_mem>>
      %dma_start3A_401 = tpu.memref_slice %arg3[%mul3A_2] : memref<4096xi32, #tpu.memory_space<hbm>> -> memref<128xi32, #tpu.memory_space<hbm>>
      %dma_start3A_402 = tpu.memref_slice %arg3[%mul3A_2] : memref<4096xi32, #tpu.memory_space<hbm>> -> memref<128xi32, #tpu.memory_space<hbm>>
      tpu.enqueue_dma source(%dma_start3A_402 : memref<128xi32, #tpu.memory_space<hbm>>) target(%arg5 : memref<128xi32, #tpu.memory_space<vmem>>) target_semaphore(%run_scoped3A : memref<!tpu.dma_semaphore, #tpu.memory_space<semaphore_mem>>)
      %dma_wait3A_403 = tpu.memref_slice %arg3[%mul3A_2] : memref<4096xi32, #tpu.memory_space<hbm>> -> memref<128xi32, #tpu.memory_space<hbm>>
      %dma_wait3A_404 = tpu.memref_slice %arg3[%mul3A_2] : memref<4096xi32, #tpu.memory_space<hbm>> -> memref<128xi32, #tpu.memory_space<hbm>>
      tpu.wait_dma2 semaphore(%run_scoped3A : memref<!tpu.dma_semaphore, #tpu.memory_space<semaphore_mem>>) src(%dma_wait3A_404 : memref<128xi32, #tpu.memory_space<hbm>>) dst(%arg5 : memref<128xi32, #tpu.memory_space<vmem>>)
      tpu.yield
    }) : () -> ()
    %dma_start3A = arith.constant 0 : i32
    %dma_start3A_3 = arith.constant 0 : i32
    %dma_start3A_4 = arith.constant 0 : i32
    %dma_start3A_5 = tpu.memref_slice %arg6[%dma_start3A, %dma_start3A_3, %dma_start3A_4] : memref<2x16x2048xf32, #tpu.memory_space<vmem>> -> memref<1x16x2048xf32, #tpu.memory_space<vmem>>
    %dma_start3A_6 = tpu.memref_squeeze %dma_start3A_5 : memref<1x16x2048xf32, #tpu.memory_space<vmem>> -> memref<16x2048xf32, #tpu.memory_space<vmem>>
    %dma_start3A_7 = arith.constant 0 : i32
    %dma_start3A_8 = tpu.memref_slice %arg5[%dma_start3A_7] : memref<128xi32, #tpu.memory_space<vmem>> -> memref<16xi32, #tpu.memory_space<vmem>>
    %dma_start3A_9 = arith.constant 0 : i32
    %dma_start3A_10 = arith.constant 0 : i32
    %dma_start3A_11 = tpu.memref_slice %arg2[%dma_start3A_9, %dma_start3A_10] : memref<4096x2048xf32, #tpu.memory_space<hbm>> -> memref<4096x2048xf32, #tpu.memory_space<hbm>>
    tpu.enqueue_indirect_dma source(%dma_start3A_11 : memref<4096x2048xf32, #tpu.memory_space<hbm>>) target(%dma_start3A_6 : memref<16x2048xf32, #tpu.memory_space<vmem>>) offsets(%dma_start3A_8 : memref<16xi32, #tpu.memory_space<vmem>>) semaphore(%arg7 : memref<!tpu.dma_semaphore, #tpu.memory_space<semaphore_mem>>)
    %dma_start3A_12 = arith.constant 1 : i32
    %dma_start3A_13 = arith.constant 0 : i32
    %dma_start3A_14 = arith.constant 0 : i32
    %dma_start3A_15 = tpu.memref_slice %arg6[%dma_start3A_12, %dma_start3A_13, %dma_start3A_14] : memref<2x16x2048xf32, #tpu.memory_space<vmem>> -> memref<1x16x2048xf32, #tpu.memory_space<vmem>>
    %dma_start3A_16 = tpu.memref_squeeze %dma_start3A_15 : memref<1x16x2048xf32, #tpu.memory_space<vmem>> -> memref<16x2048xf32, #tpu.memory_space<vmem>>
    %dma_start3A_17 = arith.constant 16 : i32
    %dma_start3A_18 = tpu.memref_slice %arg5[%dma_start3A_17] : memref<128xi32, #tpu.memory_space<vmem>> -> memref<16xi32, #tpu.memory_space<vmem>>
    %dma_start3A_19 = arith.constant 0 : i32
    %dma_start3A_20 = arith.constant 0 : i32
    %dma_start3A_21 = tpu.memref_slice %arg2[%dma_start3A_19, %dma_start3A_20] : memref<4096x2048xf32, #tpu.memory_space<hbm>> -> memref<4096x2048xf32, #tpu.memory_space<hbm>>
    tpu.enqueue_indirect_dma source(%dma_start3A_21 : memref<4096x2048xf32, #tpu.memory_space<hbm>>) target(%dma_start3A_16 : memref<16x2048xf32, #tpu.memory_space<vmem>>) offsets(%dma_start3A_18 : memref<16xi32, #tpu.memory_space<vmem>>) semaphore(%arg8 : memref<!tpu.dma_semaphore, #tpu.memory_space<semaphore_mem>>)
    %dma_wait3A = arith.constant 0 : i32
    %dma_wait3A_22 = arith.constant 0 : i32
    %dma_wait3A_23 = arith.constant 0 : i32
    %dma_wait3A_24 = tpu.memref_slice %arg6[%dma_wait3A, %dma_wait3A_22, %dma_wait3A_23] : memref<2x16x2048xf32, #tpu.memory_space<vmem>> -> memref<1x16x2048xf32, #tpu.memory_space<vmem>>
    %dma_wait3A_25 = tpu.memref_squeeze %dma_wait3A_24 : memref<1x16x2048xf32, #tpu.memory_space<vmem>> -> memref<16x2048xf32, #tpu.memory_space<vmem>>
    %dma_wait3A_26 = arith.constant 0 : i32
    %dma_wait3A_27 = tpu.memref_slice %arg5[%dma_wait3A_26] : memref<128xi32, #tpu.memory_space<vmem>> -> memref<16xi32, #tpu.memory_space<vmem>>
    %dma_wait3A_28 = arith.constant 0 : i32
    %dma_wait3A_29 = arith.constant 0 : i32
    %dma_wait3A_30 = tpu.memref_slice %arg2[%dma_wait3A_28, %dma_wait3A_29] : memref<4096x2048xf32, #tpu.memory_space<hbm>> -> memref<4096x2048xf32, #tpu.memory_space<hbm>>
    tpu.wait_indirect_dma semaphore(%arg7 : memref<!tpu.dma_semaphore, #tpu.memory_space<semaphore_mem>>) src(%dma_wait3A_30 : memref<4096x2048xf32, #tpu.memory_space<hbm>>) dst(%dma_wait3A_25 : memref<16x2048xf32, #tpu.memory_space<vmem>>)
    %add3A_31 = arith.constant 0 : i32
    %add3A_32 = arith.addi %mul3A_2, %add3A_31 : i32
    %dma_start3A_33 = arith.constant 0 : i32
    %dma_start3A_34 = arith.constant 0 : i32
    %dma_start3A_35 = arith.constant 0 : i32
    %dma_start3A_36 = tpu.memref_slice %arg6[%dma_start3A_33, %dma_start3A_34, %dma_start3A_35] : memref<2x16x2048xf32, #tpu.memory_space<vmem>> -> memref<1x16x2048xf32, #tpu.memory_space<vmem>>
    %dma_start3A_37 = tpu.memref_squeeze %dma_start3A_36 : memref<1x16x2048xf32, #tpu.memory_space<vmem>> -> memref<16x2048xf32, #tpu.memory_space<vmem>>
    %dma_start3A_38 = arith.constant 0 : i32
    %dma_start3A_39 = tpu.memref_slice %arg4[%add3A_32, %dma_start3A_38] : memref<4096x2048xf32, #tpu.memory_space<hbm>> -> memref<16x2048xf32, #tpu.memory_space<hbm>>
    %dma_start3A_40 = arith.constant 0 : i32
    %dma_start3A_41 = tpu.memref_slice %arg4[%add3A_32, %dma_start3A_40] : memref<4096x2048xf32, #tpu.memory_space<hbm>> -> memref<16x2048xf32, #tpu.memory_space<hbm>>
    %dma_start3A_42 = arith.constant 0 : i32
    %dma_start3A_43 = arith.constant 0 : i32
    %dma_start3A_44 = tpu.memref_slice %arg6[%dma_start3A_33, %dma_start3A_42, %dma_start3A_43] : memref<2x16x2048xf32, #tpu.memory_space<vmem>> -> memref<1x16x2048xf32, #tpu.memory_space<vmem>>
    %dma_start3A_45 = tpu.memref_squeeze %dma_start3A_44 : memref<1x16x2048xf32, #tpu.memory_space<vmem>> -> memref<16x2048xf32, #tpu.memory_space<vmem>>
    tpu.enqueue_dma source(%dma_start3A_45 : memref<16x2048xf32, #tpu.memory_space<vmem>>) target(%dma_start3A_41 : memref<16x2048xf32, #tpu.memory_space<hbm>>) target_semaphore(%arg9 : memref<!tpu.dma_semaphore, #tpu.memory_space<semaphore_mem>>)
    %add3A_46 = arith.constant 0 : i32
    %add3A_47 = arith.addi %mul3A_2, %add3A_46 : i32
    %dma_wait3A_48 = arith.constant 0 : i32
    %dma_wait3A_49 = arith.constant 0 : i32
    %dma_wait3A_50 = arith.constant 0 : i32
    %dma_wait3A_51 = tpu.memref_slice %arg6[%dma_wait3A_48, %dma_wait3A_49, %dma_wait3A_50] : memref<2x16x2048xf32, #tpu.memory_space<vmem>> -> memref<1x16x2048xf32, #tpu.memory_space<vmem>>
    %dma_wait3A_52 = tpu.memref_squeeze %dma_wait3A_51 : memref<1x16x2048xf32, #tpu.memory_space<vmem>> -> memref<16x2048xf32, #tpu.memory_space<vmem>>
    %dma_wait3A_53 = arith.constant 0 : i32
    %dma_wait3A_54 = tpu.memref_slice %arg4[%add3A_47, %dma_wait3A_53] : memref<4096x2048xf32, #tpu.memory_space<hbm>> -> memref<16x2048xf32, #tpu.memory_space<hbm>>
    %dma_wait3A_55 = arith.constant 0 : i32
    %dma_wait3A_56 = tpu.memref_slice %arg4[%add3A_47, %dma_wait3A_55] : memref<4096x2048xf32, #tpu.memory_space<hbm>> -> memref<16x2048xf32, #tpu.memory_space<hbm>>
    %dma_wait3A_57 = arith.constant 0 : i32
    %dma_wait3A_58 = arith.constant 0 : i32
    %dma_wait3A_59 = tpu.memref_slice %arg6[%dma_wait3A_48, %dma_wait3A_57, %dma_wait3A_58] : memref<2x16x2048xf32, #tpu.memory_space<vmem>> -> memref<1x16x2048xf32, #tpu.memory_space<vmem>>
    %dma_wait3A_60 = tpu.memref_squeeze %dma_wait3A_59 : memref<1x16x2048xf32, #tpu.memory_space<vmem>> -> memref<16x2048xf32, #tpu.memory_space<vmem>>
    tpu.wait_dma2 semaphore(%arg9 : memref<!tpu.dma_semaphore, #tpu.memory_space<semaphore_mem>>) src(%dma_wait3A_60 : memref<16x2048xf32, #tpu.memory_space<vmem>>) dst(%dma_wait3A_56 : memref<16x2048xf32, #tpu.memory_space<hbm>>)
    %dma_start3A_61 = arith.constant 0 : i32
    %dma_start3A_62 = arith.constant 0 : i32
    %dma_start3A_63 = arith.constant 0 : i32
    %dma_start3A_64 = tpu.memref_slice %arg6[%dma_start3A_61, %dma_start3A_62, %dma_start3A_63] : memref<2x16x2048xf32, #tpu.memory_space<vmem>> -> memref<1x16x2048xf32, #tpu.memory_space<vmem>>
    %dma_start3A_65 = tpu.memref_squeeze %dma_start3A_64 : memref<1x16x2048xf32, #tpu.memory_space<vmem>> -> memref<16x2048xf32, #tpu.memory_space<vmem>>
    %dma_start3A_66 = arith.constant 32 : i32
    %dma_start3A_67 = tpu.memref_slice %arg5[%dma_start3A_66] : memref<128xi32, #tpu.memory_space<vmem>> -> memref<16xi32, #tpu.memory_space<vmem>>
    %dma_start3A_68 = arith.constant 0 : i32
    %dma_start3A_69 = arith.constant 0 : i32
    %dma_start3A_70 = tpu.memref_slice %arg2[%dma_start3A_68, %dma_start3A_69] : memref<4096x2048xf32, #tpu.memory_space<hbm>> -> memref<4096x2048xf32, #tpu.memory_space<hbm>>
    tpu.enqueue_indirect_dma source(%dma_start3A_70 : memref<4096x2048xf32, #tpu.memory_space<hbm>>) target(%dma_start3A_65 : memref<16x2048xf32, #tpu.memory_space<vmem>>) offsets(%dma_start3A_67 : memref<16xi32, #tpu.memory_space<vmem>>) semaphore(%arg7 : memref<!tpu.dma_semaphore, #tpu.memory_space<semaphore_mem>>)
    %dma_wait3A_71 = arith.constant 1 : i32
    %dma_wait3A_72 = arith.constant 0 : i32
    %dma_wait3A_73 = arith.constant 0 : i32
    %dma_wait3A_74 = tpu.memref_slice %arg6[%dma_wait3A_71, %dma_wait3A_72, %dma_wait3A_73] : memref<2x16x2048xf32, #tpu.memory_space<vmem>> -> memref<1x16x2048xf32, #tpu.memory_space<vmem>>
    %dma_wait3A_75 = tpu.memref_squeeze %dma_wait3A_74 : memref<1x16x2048xf32, #tpu.memory_space<vmem>> -> memref<16x2048xf32, #tpu.memory_space<vmem>>
    %dma_wait3A_76 = arith.constant 16 : i32
    %dma_wait3A_77 = tpu.memref_slice %arg5[%dma_wait3A_76] : memref<128xi32, #tpu.memory_space<vmem>> -> memref<16xi32, #tpu.memory_space<vmem>>
    %dma_wait3A_78 = arith.constant 0 : i32
    %dma_wait3A_79 = arith.constant 0 : i32
    %dma_wait3A_80 = tpu.memref_slice %arg2[%dma_wait3A_78, %dma_wait3A_79] : memref<4096x2048xf32, #tpu.memory_space<hbm>> -> memref<4096x2048xf32, #tpu.memory_space<hbm>>
    tpu.wait_indirect_dma semaphore(%arg8 : memref<!tpu.dma_semaphore, #tpu.memory_space<semaphore_mem>>) src(%dma_wait3A_80 : memref<4096x2048xf32, #tpu.memory_space<hbm>>) dst(%dma_wait3A_75 : memref<16x2048xf32, #tpu.memory_space<vmem>>)
    %add3A_81 = arith.constant 16 : i32
    %add3A_82 = arith.addi %mul3A_2, %add3A_81 : i32
    %dma_start3A_83 = arith.constant 1 : i32
    %dma_start3A_84 = arith.constant 0 : i32
    %dma_start3A_85 = arith.constant 0 : i32
    %dma_start3A_86 = tpu.memref_slice %arg6[%dma_start3A_83, %dma_start3A_84, %dma_start3A_85] : memref<2x16x2048xf32, #tpu.memory_space<vmem>> -> memref<1x16x2048xf32, #tpu.memory_space<vmem>>
    %dma_start3A_87 = tpu.memref_squeeze %dma_start3A_86 : memref<1x16x2048xf32, #tpu.memory_space<vmem>> -> memref<16x2048xf32, #tpu.memory_space<vmem>>
    %dma_start3A_88 = arith.constant 0 : i32
    %dma_start3A_89 = tpu.memref_slice %arg4[%add3A_82, %dma_start3A_88] : memref<4096x2048xf32, #tpu.memory_space<hbm>> -> memref<16x2048xf32, #tpu.memory_space<hbm>>
    %dma_start3A_90 = arith.constant 0 : i32
    %dma_start3A_91 = tpu.memref_slice %arg4[%add3A_82, %dma_start3A_90] : memref<4096x2048xf32, #tpu.memory_space<hbm>> -> memref<16x2048xf32, #tpu.memory_space<hbm>>
    %dma_start3A_92 = arith.constant 0 : i32
    %dma_start3A_93 = arith.constant 0 : i32
    %dma_start3A_94 = tpu.memref_slice %arg6[%dma_start3A_83, %dma_start3A_92, %dma_start3A_93] : memref<2x16x2048xf32, #tpu.memory_space<vmem>> -> memref<1x16x2048xf32, #tpu.memory_space<vmem>>
    %dma_start3A_95 = tpu.memref_squeeze %dma_start3A_94 : memref<1x16x2048xf32, #tpu.memory_space<vmem>> -> memref<16x2048xf32, #tpu.memory_space<vmem>>
    tpu.enqueue_dma source(%dma_start3A_95 : memref<16x2048xf32, #tpu.memory_space<vmem>>) target(%dma_start3A_91 : memref<16x2048xf32, #tpu.memory_space<hbm>>) target_semaphore(%arg10 : memref<!tpu.dma_semaphore, #tpu.memory_space<semaphore_mem>>)
    %add3A_96 = arith.constant 16 : i32
    %add3A_97 = arith.addi %mul3A_2, %add3A_96 : i32
    %dma_wait3A_98 = arith.constant 1 : i32
    %dma_wait3A_99 = arith.constant 0 : i32
    %dma_wait3A_100 = arith.constant 0 : i32
    %dma_wait3A_101 = tpu.memref_slice %arg6[%dma_wait3A_98, %dma_wait3A_99, %dma_wait3A_100] : memref<2x16x2048xf32, #tpu.memory_space<vmem>> -> memref<1x16x2048xf32, #tpu.memory_space<vmem>>
    %dma_wait3A_102 = tpu.memref_squeeze %dma_wait3A_101 : memref<1x16x2048xf32, #tpu.memory_space<vmem>> -> memref<16x2048xf32, #tpu.memory_space<vmem>>
    %dma_wait3A_103 = arith.constant 0 : i32
    %dma_wait3A_104 = tpu.memref_slice %arg4[%add3A_97, %dma_wait3A_103] : memref<4096x2048xf32, #tpu.memory_space<hbm>> -> memref<16x2048xf32, #tpu.memory_space<hbm>>
    %dma_wait3A_105 = arith.constant 0 : i32
    %dma_wait3A_106 = tpu.memref_slice %arg4[%add3A_97, %dma_wait3A_105] : memref<4096x2048xf32, #tpu.memory_space<hbm>> -> memref<16x2048xf32, #tpu.memory_space<hbm>>
    %dma_wait3A_107 = arith.constant 0 : i32
    %dma_wait3A_108 = arith.constant 0 : i32
    %dma_wait3A_109 = tpu.memref_slice %arg6[%dma_wait3A_98, %dma_wait3A_107, %dma_wait3A_108] : memref<2x16x2048xf32, #tpu.memory_space<vmem>> -> memref<1x16x2048xf32, #tpu.memory_space<vmem>>
    %dma_wait3A_110 = tpu.memref_squeeze %dma_wait3A_109 : memref<1x16x2048xf32, #tpu.memory_space<vmem>> -> memref<16x2048xf32, #tpu.memory_space<vmem>>
    tpu.wait_dma2 semaphore(%arg10 : memref<!tpu.dma_semaphore, #tpu.memory_space<semaphore_mem>>) src(%dma_wait3A_110 : memref<16x2048xf32, #tpu.memory_space<vmem>>) dst(%dma_wait3A_106 : memref<16x2048xf32, #tpu.memory_space<hbm>>)
    %dma_start3A_111 = arith.constant 1 : i32
    %dma_start3A_112 = arith.constant 0 : i32
    %dma_start3A_113 = arith.constant 0 : i32
    %dma_start3A_114 = tpu.memref_slice %arg6[%dma_start3A_111, %dma_start3A_112, %dma_start3A_113] : memref<2x16x2048xf32, #tpu.memory_space<vmem>> -> memref<1x16x2048xf32, #tpu.memory_space<vmem>>
    %dma_start3A_115 = tpu.memref_squeeze %dma_start3A_114 : memref<1x16x2048xf32, #tpu.memory_space<vmem>> -> memref<16x2048xf32, #tpu.memory_space<vmem>>
    %dma_start3A_116 = arith.constant 48 : i32
    %dma_start3A_117 = tpu.memref_slice %arg5[%dma_start3A_116] : memref<128xi32, #tpu.memory_space<vmem>> -> memref<16xi32, #tpu.memory_space<vmem>>
    %dma_start3A_118 = arith.constant 0 : i32
    %dma_start3A_119 = arith.constant 0 : i32
    %dma_start3A_120 = tpu.memref_slice %arg2[%dma_start3A_118, %dma_start3A_119] : memref<4096x2048xf32, #tpu.memory_space<hbm>> -> memref<4096x2048xf32, #tpu.memory_space<hbm>>
    tpu.enqueue_indirect_dma source(%dma_start3A_120 : memref<4096x2048xf32, #tpu.memory_space<hbm>>) target(%dma_start3A_115 : memref<16x2048xf32, #tpu.memory_space<vmem>>) offsets(%dma_start3A_117 : memref<16xi32, #tpu.memory_space<vmem>>) semaphore(%arg8 : memref<!tpu.dma_semaphore, #tpu.memory_space<semaphore_mem>>)
    %dma_wait3A_121 = arith.constant 0 : i32
    %dma_wait3A_122 = arith.constant 0 : i32
    %dma_wait3A_123 = arith.constant 0 : i32
    %dma_wait3A_124 = tpu.memref_slice %arg6[%dma_wait3A_121, %dma_wait3A_122, %dma_wait3A_123] : memref<2x16x2048xf32, #tpu.memory_space<vmem>> -> memref<1x16x2048xf32, #tpu.memory_space<vmem>>
    %dma_wait3A_125 = tpu.memref_squeeze %dma_wait3A_124 : memref<1x16x2048xf32, #tpu.memory_space<vmem>> -> memref<16x2048xf32, #tpu.memory_space<vmem>>
    %dma_wait3A_126 = arith.constant 32 : i32
    %dma_wait3A_127 = tpu.memref_slice %arg5[%dma_wait3A_126] : memref<128xi32, #tpu.memory_space<vmem>> -> memref<16xi32, #tpu.memory_space<vmem>>
    %dma_wait3A_128 = arith.constant 0 : i32
    %dma_wait3A_129 = arith.constant 0 : i32
    %dma_wait3A_130 = tpu.memref_slice %arg2[%dma_wait3A_128, %dma_wait3A_129] : memref<4096x2048xf32, #tpu.memory_space<hbm>> -> memref<4096x2048xf32, #tpu.memory_space<hbm>>
    tpu.wait_indirect_dma semaphore(%arg7 : memref<!tpu.dma_semaphore, #tpu.memory_space<semaphore_mem>>) src(%dma_wait3A_130 : memref<4096x2048xf32, #tpu.memory_space<hbm>>) dst(%dma_wait3A_125 : memref<16x2048xf32, #tpu.memory_space<vmem>>)
    %add3A_131 = arith.constant 32 : i32
    %add3A_132 = arith.addi %mul3A_2, %add3A_131 : i32
    %dma_start3A_133 = arith.constant 0 : i32
    %dma_start3A_134 = arith.constant 0 : i32
    %dma_start3A_135 = arith.constant 0 : i32
    %dma_start3A_136 = tpu.memref_slice %arg6[%dma_start3A_133, %dma_start3A_134, %dma_start3A_135] : memref<2x16x2048xf32, #tpu.memory_space<vmem>> -> memref<1x16x2048xf32, #tpu.memory_space<vmem>>
    %dma_start3A_137 = tpu.memref_squeeze %dma_start3A_136 : memref<1x16x2048xf32, #tpu.memory_space<vmem>> -> memref<16x2048xf32, #tpu.memory_space<vmem>>
    %dma_start3A_138 = arith.constant 0 : i32
    %dma_start3A_139 = tpu.memref_slice %arg4[%add3A_132, %dma_start3A_138] : memref<4096x2048xf32, #tpu.memory_space<hbm>> -> memref<16x2048xf32, #tpu.memory_space<hbm>>
    %dma_start3A_140 = arith.constant 0 : i32
    %dma_start3A_141 = tpu.memref_slice %arg4[%add3A_132, %dma_start3A_140] : memref<4096x2048xf32, #tpu.memory_space<hbm>> -> memref<16x2048xf32, #tpu.memory_space<hbm>>
    %dma_start3A_142 = arith.constant 0 : i32
    %dma_start3A_143 = arith.constant 0 : i32
    %dma_start3A_144 = tpu.memref_slice %arg6[%dma_start3A_133, %dma_start3A_142, %dma_start3A_143] : memref<2x16x2048xf32, #tpu.memory_space<vmem>> -> memref<1x16x2048xf32, #tpu.memory_space<vmem>>
    %dma_start3A_145 = tpu.memref_squeeze %dma_start3A_144 : memref<1x16x2048xf32, #tpu.memory_space<vmem>> -> memref<16x2048xf32, #tpu.memory_space<vmem>>
    tpu.enqueue_dma source(%dma_start3A_145 : memref<16x2048xf32, #tpu.memory_space<vmem>>) target(%dma_start3A_141 : memref<16x2048xf32, #tpu.memory_space<hbm>>) target_semaphore(%arg9 : memref<!tpu.dma_semaphore, #tpu.memory_space<semaphore_mem>>)
    %add3A_146 = arith.constant 32 : i32
    %add3A_147 = arith.addi %mul3A_2, %add3A_146 : i32
    %dma_wait3A_148 = arith.constant 0 : i32
    %dma_wait3A_149 = arith.constant 0 : i32
    %dma_wait3A_150 = arith.constant 0 : i32
    %dma_wait3A_151 = tpu.memref_slice %arg6[%dma_wait3A_148, %dma_wait3A_149, %dma_wait3A_150] : memref<2x16x2048xf32, #tpu.memory_space<vmem>> -> memref<1x16x2048xf32, #tpu.memory_space<vmem>>
    %dma_wait3A_152 = tpu.memref_squeeze %dma_wait3A_151 : memref<1x16x2048xf32, #tpu.memory_space<vmem>> -> memref<16x2048xf32, #tpu.memory_space<vmem>>
    %dma_wait3A_153 = arith.constant 0 : i32
    %dma_wait3A_154 = tpu.memref_slice %arg4[%add3A_147, %dma_wait3A_153] : memref<4096x2048xf32, #tpu.memory_space<hbm>> -> memref<16x2048xf32, #tpu.memory_space<hbm>>
    %dma_wait3A_155 = arith.constant 0 : i32
    %dma_wait3A_156 = tpu.memref_slice %arg4[%add3A_147, %dma_wait3A_155] : memref<4096x2048xf32, #tpu.memory_space<hbm>> -> memref<16x2048xf32, #tpu.memory_space<hbm>>
    %dma_wait3A_157 = arith.constant 0 : i32
    %dma_wait3A_158 = arith.constant 0 : i32
    %dma_wait3A_159 = tpu.memref_slice %arg6[%dma_wait3A_148, %dma_wait3A_157, %dma_wait3A_158] : memref<2x16x2048xf32, #tpu.memory_space<vmem>> -> memref<1x16x2048xf32, #tpu.memory_space<vmem>>
    %dma_wait3A_160 = tpu.memref_squeeze %dma_wait3A_159 : memref<1x16x2048xf32, #tpu.memory_space<vmem>> -> memref<16x2048xf32, #tpu.memory_space<vmem>>
    tpu.wait_dma2 semaphore(%arg9 : memref<!tpu.dma_semaphore, #tpu.memory_space<semaphore_mem>>) src(%dma_wait3A_160 : memref<16x2048xf32, #tpu.memory_space<vmem>>) dst(%dma_wait3A_156 : memref<16x2048xf32, #tpu.memory_space<hbm>>)
    %dma_start3A_161 = arith.constant 0 : i32
    %dma_start3A_162 = arith.constant 0 : i32
    %dma_start3A_163 = arith.constant 0 : i32
    %dma_start3A_164 = tpu.memref_slice %arg6[%dma_start3A_161, %dma_start3A_162, %dma_start3A_163] : memref<2x16x2048xf32, #tpu.memory_space<vmem>> -> memref<1x16x2048xf32, #tpu.memory_space<vmem>>
    %dma_start3A_165 = tpu.memref_squeeze %dma_start3A_164 : memref<1x16x2048xf32, #tpu.memory_space<vmem>> -> memref<16x2048xf32, #tpu.memory_space<vmem>>
    %dma_start3A_166 = arith.constant 64 : i32
    %dma_start3A_167 = tpu.memref_slice %arg5[%dma_start3A_166] : memref<128xi32, #tpu.memory_space<vmem>> -> memref<16xi32, #tpu.memory_space<vmem>>
    %dma_start3A_168 = arith.constant 0 : i32
    %dma_start3A_169 = arith.constant 0 : i32
    %dma_start3A_170 = tpu.memref_slice %arg2[%dma_start3A_168, %dma_start3A_169] : memref<4096x2048xf32, #tpu.memory_space<hbm>> -> memref<4096x2048xf32, #tpu.memory_space<hbm>>
    tpu.enqueue_indirect_dma source(%dma_start3A_170 : memref<4096x2048xf32, #tpu.memory_space<hbm>>) target(%dma_start3A_165 : memref<16x2048xf32, #tpu.memory_space<vmem>>) offsets(%dma_start3A_167 : memref<16xi32, #tpu.memory_space<vmem>>) semaphore(%arg7 : memref<!tpu.dma_semaphore, #tpu.memory_space<semaphore_mem>>)
    %dma_wait3A_171 = arith.constant 1 : i32
    %dma_wait3A_172 = arith.constant 0 : i32
    %dma_wait3A_173 = arith.constant 0 : i32
    %dma_wait3A_174 = tpu.memref_slice %arg6[%dma_wait3A_171, %dma_wait3A_172, %dma_wait3A_173] : memref<2x16x2048xf32, #tpu.memory_space<vmem>> -> memref<1x16x2048xf32, #tpu.memory_space<vmem>>
    %dma_wait3A_175 = tpu.memref_squeeze %dma_wait3A_174 : memref<1x16x2048xf32, #tpu.memory_space<vmem>> -> memref<16x2048xf32, #tpu.memory_space<vmem>>
    %dma_wait3A_176 = arith.constant 48 : i32
    %dma_wait3A_177 = tpu.memref_slice %arg5[%dma_wait3A_176] : memref<128xi32, #tpu.memory_space<vmem>> -> memref<16xi32, #tpu.memory_space<vmem>>
    %dma_wait3A_178 = arith.constant 0 : i32
    %dma_wait3A_179 = arith.constant 0 : i32
    %dma_wait3A_180 = tpu.memref_slice %arg2[%dma_wait3A_178, %dma_wait3A_179] : memref<4096x2048xf32, #tpu.memory_space<hbm>> -> memref<4096x2048xf32, #tpu.memory_space<hbm>>
    tpu.wait_indirect_dma semaphore(%arg8 : memref<!tpu.dma_semaphore, #tpu.memory_space<semaphore_mem>>) src(%dma_wait3A_180 : memref<4096x2048xf32, #tpu.memory_space<hbm>>) dst(%dma_wait3A_175 : memref<16x2048xf32, #tpu.memory_space<vmem>>)
    %add3A_181 = arith.constant 48 : i32
    %add3A_182 = arith.addi %mul3A_2, %add3A_181 : i32
    %dma_start3A_183 = arith.constant 1 : i32
    %dma_start3A_184 = arith.constant 0 : i32
    %dma_start3A_185 = arith.constant 0 : i32
    %dma_start3A_186 = tpu.memref_slice %arg6[%dma_start3A_183, %dma_start3A_184, %dma_start3A_185] : memref<2x16x2048xf32, #tpu.memory_space<vmem>> -> memref<1x16x2048xf32, #tpu.memory_space<vmem>>
    %dma_start3A_187 = tpu.memref_squeeze %dma_start3A_186 : memref<1x16x2048xf32, #tpu.memory_space<vmem>> -> memref<16x2048xf32, #tpu.memory_space<vmem>>
    %dma_start3A_188 = arith.constant 0 : i32
    %dma_start3A_189 = tpu.memref_slice %arg4[%add3A_182, %dma_start3A_188] : memref<4096x2048xf32, #tpu.memory_space<hbm>> -> memref<16x2048xf32, #tpu.memory_space<hbm>>
    %dma_start3A_190 = arith.constant 0 : i32
    %dma_start3A_191 = tpu.memref_slice %arg4[%add3A_182, %dma_start3A_190] : memref<4096x2048xf32, #tpu.memory_space<hbm>> -> memref<16x2048xf32, #tpu.memory_space<hbm>>
    %dma_start3A_192 = arith.constant 0 : i32
    %dma_start3A_193 = arith.constant 0 : i32
    %dma_start3A_194 = tpu.memref_slice %arg6[%dma_start3A_183, %dma_start3A_192, %dma_start3A_193] : memref<2x16x2048xf32, #tpu.memory_space<vmem>> -> memref<1x16x2048xf32, #tpu.memory_space<vmem>>
    %dma_start3A_195 = tpu.memref_squeeze %dma_start3A_194 : memref<1x16x2048xf32, #tpu.memory_space<vmem>> -> memref<16x2048xf32, #tpu.memory_space<vmem>>
    tpu.enqueue_dma source(%dma_start3A_195 : memref<16x2048xf32, #tpu.memory_space<vmem>>) target(%dma_start3A_191 : memref<16x2048xf32, #tpu.memory_space<hbm>>) target_semaphore(%arg10 : memref<!tpu.dma_semaphore, #tpu.memory_space<semaphore_mem>>)
    %add3A_196 = arith.constant 48 : i32
    %add3A_197 = arith.addi %mul3A_2, %add3A_196 : i32
    %dma_wait3A_198 = arith.constant 1 : i32
    %dma_wait3A_199 = arith.constant 0 : i32
    %dma_wait3A_200 = arith.constant 0 : i32
    %dma_wait3A_201 = tpu.memref_slice %arg6[%dma_wait3A_198, %dma_wait3A_199, %dma_wait3A_200] : memref<2x16x2048xf32, #tpu.memory_space<vmem>> -> memref<1x16x2048xf32, #tpu.memory_space<vmem>>
    %dma_wait3A_202 = tpu.memref_squeeze %dma_wait3A_201 : memref<1x16x2048xf32, #tpu.memory_space<vmem>> -> memref<16x2048xf32, #tpu.memory_space<vmem>>
    %dma_wait3A_203 = arith.constant 0 : i32
    %dma_wait3A_204 = tpu.memref_slice %arg4[%add3A_197, %dma_wait3A_203] : memref<4096x2048xf32, #tpu.memory_space<hbm>> -> memref<16x2048xf32, #tpu.memory_space<hbm>>
    %dma_wait3A_205 = arith.constant 0 : i32
    %dma_wait3A_206 = tpu.memref_slice %arg4[%add3A_197, %dma_wait3A_205] : memref<4096x2048xf32, #tpu.memory_space<hbm>> -> memref<16x2048xf32, #tpu.memory_space<hbm>>
    %dma_wait3A_207 = arith.constant 0 : i32
    %dma_wait3A_208 = arith.constant 0 : i32
    %dma_wait3A_209 = tpu.memref_slice %arg6[%dma_wait3A_198, %dma_wait3A_207, %dma_wait3A_208] : memref<2x16x2048xf32, #tpu.memory_space<vmem>> -> memref<1x16x2048xf32, #tpu.memory_space<vmem>>
    %dma_wait3A_210 = tpu.memref_squeeze %dma_wait3A_209 : memref<1x16x2048xf32, #tpu.memory_space<vmem>> -> memref<16x2048xf32, #tpu.memory_space<vmem>>
    tpu.wait_dma2 semaphore(%arg10 : memref<!tpu.dma_semaphore, #tpu.memory_space<semaphore_mem>>) src(%dma_wait3A_210 : memref<16x2048xf32, #tpu.memory_space<vmem>>) dst(%dma_wait3A_206 : memref<16x2048xf32, #tpu.memory_space<hbm>>)
    %dma_start3A_211 = arith.constant 1 : i32
    %dma_start3A_212 = arith.constant 0 : i32
    %dma_start3A_213 = arith.constant 0 : i32
    %dma_start3A_214 = tpu.memref_slice %arg6[%dma_start3A_211, %dma_start3A_212, %dma_start3A_213] : memref<2x16x2048xf32, #tpu.memory_space<vmem>> -> memref<1x16x2048xf32, #tpu.memory_space<vmem>>
    %dma_start3A_215 = tpu.memref_squeeze %dma_start3A_214 : memref<1x16x2048xf32, #tpu.memory_space<vmem>> -> memref<16x2048xf32, #tpu.memory_space<vmem>>
    %dma_start3A_216 = arith.constant 80 : i32
    %dma_start3A_217 = tpu.memref_slice %arg5[%dma_start3A_216] : memref<128xi32, #tpu.memory_space<vmem>> -> memref<16xi32, #tpu.memory_space<vmem>>
    %dma_start3A_218 = arith.constant 0 : i32
    %dma_start3A_219 = arith.constant 0 : i32
    %dma_start3A_220 = tpu.memref_slice %arg2[%dma_start3A_218, %dma_start3A_219] : memref<4096x2048xf32, #tpu.memory_space<hbm>> -> memref<4096x2048xf32, #tpu.memory_space<hbm>>
    tpu.enqueue_indirect_dma source(%dma_start3A_220 : memref<4096x2048xf32, #tpu.memory_space<hbm>>) target(%dma_start3A_215 : memref<16x2048xf32, #tpu.memory_space<vmem>>) offsets(%dma_start3A_217 : memref<16xi32, #tpu.memory_space<vmem>>) semaphore(%arg8 : memref<!tpu.dma_semaphore, #tpu.memory_space<semaphore_mem>>)
    %dma_wait3A_221 = arith.constant 0 : i32
    %dma_wait3A_222 = arith.constant 0 : i32
    %dma_wait3A_223 = arith.constant 0 : i32
    %dma_wait3A_224 = tpu.memref_slice %arg6[%dma_wait3A_221, %dma_wait3A_222, %dma_wait3A_223] : memref<2x16x2048xf32, #tpu.memory_space<vmem>> -> memref<1x16x2048xf32, #tpu.memory_space<vmem>>
    %dma_wait3A_225 = tpu.memref_squeeze %dma_wait3A_224 : memref<1x16x2048xf32, #tpu.memory_space<vmem>> -> memref<16x2048xf32, #tpu.memory_space<vmem>>
    %dma_wait3A_226 = arith.constant 64 : i32
    %dma_wait3A_227 = tpu.memref_slice %arg5[%dma_wait3A_226] : memref<128xi32, #tpu.memory_space<vmem>> -> memref<16xi32, #tpu.memory_space<vmem>>
    %dma_wait3A_228 = arith.constant 0 : i32
    %dma_wait3A_229 = arith.constant 0 : i32
    %dma_wait3A_230 = tpu.memref_slice %arg2[%dma_wait3A_228, %dma_wait3A_229] : memref<4096x2048xf32, #tpu.memory_space<hbm>> -> memref<4096x2048xf32, #tpu.memory_space<hbm>>
    tpu.wait_indirect_dma semaphore(%arg7 : memref<!tpu.dma_semaphore, #tpu.memory_space<semaphore_mem>>) src(%dma_wait3A_230 : memref<4096x2048xf32, #tpu.memory_space<hbm>>) dst(%dma_wait3A_225 : memref<16x2048xf32, #tpu.memory_space<vmem>>)
    %add3A_231 = arith.constant 64 : i32
    %add3A_232 = arith.addi %mul3A_2, %add3A_231 : i32
    %dma_start3A_233 = arith.constant 0 : i32
    %dma_start3A_234 = arith.constant 0 : i32
    %dma_start3A_235 = arith.constant 0 : i32
    %dma_start3A_236 = tpu.memref_slice %arg6[%dma_start3A_233, %dma_start3A_234, %dma_start3A_235] : memref<2x16x2048xf32, #tpu.memory_space<vmem>> -> memref<1x16x2048xf32, #tpu.memory_space<vmem>>
    %dma_start3A_237 = tpu.memref_squeeze %dma_start3A_236 : memref<1x16x2048xf32, #tpu.memory_space<vmem>> -> memref<16x2048xf32, #tpu.memory_space<vmem>>
    %dma_start3A_238 = arith.constant 0 : i32
    %dma_start3A_239 = tpu.memref_slice %arg4[%add3A_232, %dma_start3A_238] : memref<4096x2048xf32, #tpu.memory_space<hbm>> -> memref<16x2048xf32, #tpu.memory_space<hbm>>
    %dma_start3A_240 = arith.constant 0 : i32
    %dma_start3A_241 = tpu.memref_slice %arg4[%add3A_232, %dma_start3A_240] : memref<4096x2048xf32, #tpu.memory_space<hbm>> -> memref<16x2048xf32, #tpu.memory_space<hbm>>
    %dma_start3A_242 = arith.constant 0 : i32
    %dma_start3A_243 = arith.constant 0 : i32
    %dma_start3A_244 = tpu.memref_slice %arg6[%dma_start3A_233, %dma_start3A_242, %dma_start3A_243] : memref<2x16x2048xf32, #tpu.memory_space<vmem>> -> memref<1x16x2048xf32, #tpu.memory_space<vmem>>
    %dma_start3A_245 = tpu.memref_squeeze %dma_start3A_244 : memref<1x16x2048xf32, #tpu.memory_space<vmem>> -> memref<16x2048xf32, #tpu.memory_space<vmem>>
    tpu.enqueue_dma source(%dma_start3A_245 : memref<16x2048xf32, #tpu.memory_space<vmem>>) target(%dma_start3A_241 : memref<16x2048xf32, #tpu.memory_space<hbm>>) target_semaphore(%arg9 : memref<!tpu.dma_semaphore, #tpu.memory_space<semaphore_mem>>)
    %add3A_246 = arith.constant 64 : i32
    %add3A_247 = arith.addi %mul3A_2, %add3A_246 : i32
    %dma_wait3A_248 = arith.constant 0 : i32
    %dma_wait3A_249 = arith.constant 0 : i32
    %dma_wait3A_250 = arith.constant 0 : i32
    %dma_wait3A_251 = tpu.memref_slice %arg6[%dma_wait3A_248, %dma_wait3A_249, %dma_wait3A_250] : memref<2x16x2048xf32, #tpu.memory_space<vmem>> -> memref<1x16x2048xf32, #tpu.memory_space<vmem>>
    %dma_wait3A_252 = tpu.memref_squeeze %dma_wait3A_251 : memref<1x16x2048xf32, #tpu.memory_space<vmem>> -> memref<16x2048xf32, #tpu.memory_space<vmem>>
    %dma_wait3A_253 = arith.constant 0 : i32
    %dma_wait3A_254 = tpu.memref_slice %arg4[%add3A_247, %dma_wait3A_253] : memref<4096x2048xf32, #tpu.memory_space<hbm>> -> memref<16x2048xf32, #tpu.memory_space<hbm>>
    %dma_wait3A_255 = arith.constant 0 : i32
    %dma_wait3A_256 = tpu.memref_slice %arg4[%add3A_247, %dma_wait3A_255] : memref<4096x2048xf32, #tpu.memory_space<hbm>> -> memref<16x2048xf32, #tpu.memory_space<hbm>>
    %dma_wait3A_257 = arith.constant 0 : i32
    %dma_wait3A_258 = arith.constant 0 : i32
    %dma_wait3A_259 = tpu.memref_slice %arg6[%dma_wait3A_248, %dma_wait3A_257, %dma_wait3A_258] : memref<2x16x2048xf32, #tpu.memory_space<vmem>> -> memref<1x16x2048xf32, #tpu.memory_space<vmem>>
    %dma_wait3A_260 = tpu.memref_squeeze %dma_wait3A_259 : memref<1x16x2048xf32, #tpu.memory_space<vmem>> -> memref<16x2048xf32, #tpu.memory_space<vmem>>
    tpu.wait_dma2 semaphore(%arg9 : memref<!tpu.dma_semaphore, #tpu.memory_space<semaphore_mem>>) src(%dma_wait3A_260 : memref<16x2048xf32, #tpu.memory_space<vmem>>) dst(%dma_wait3A_256 : memref<16x2048xf32, #tpu.memory_space<hbm>>)
    %dma_start3A_261 = arith.constant 0 : i32
    %dma_start3A_262 = arith.constant 0 : i32
    %dma_start3A_263 = arith.constant 0 : i32
    %dma_start3A_264 = tpu.memref_slice %arg6[%dma_start3A_261, %dma_start3A_262, %dma_start3A_263] : memref<2x16x2048xf32, #tpu.memory_space<vmem>> -> memref<1x16x2048xf32, #tpu.memory_space<vmem>>
    %dma_start3A_265 = tpu.memref_squeeze %dma_start3A_264 : memref<1x16x2048xf32, #tpu.memory_space<vmem>> -> memref<16x2048xf32, #tpu.memory_space<vmem>>
    %dma_start3A_266 = arith.constant 96 : i32
    %dma_start3A_267 = tpu.memref_slice %arg5[%dma_start3A_266] : memref<128xi32, #tpu.memory_space<vmem>> -> memref<16xi32, #tpu.memory_space<vmem>>
    %dma_start3A_268 = arith.constant 0 : i32
    %dma_start3A_269 = arith.constant 0 : i32
    %dma_start3A_270 = tpu.memref_slice %arg2[%dma_start3A_268, %dma_start3A_269] : memref<4096x2048xf32, #tpu.memory_space<hbm>> -> memref<4096x2048xf32, #tpu.memory_space<hbm>>
    tpu.enqueue_indirect_dma source(%dma_start3A_270 : memref<4096x2048xf32, #tpu.memory_space<hbm>>) target(%dma_start3A_265 : memref<16x2048xf32, #tpu.memory_space<vmem>>) offsets(%dma_start3A_267 : memref<16xi32, #tpu.memory_space<vmem>>) semaphore(%arg7 : memref<!tpu.dma_semaphore, #tpu.memory_space<semaphore_mem>>)
    %dma_wait3A_271 = arith.constant 1 : i32
    %dma_wait3A_272 = arith.constant 0 : i32
    %dma_wait3A_273 = arith.constant 0 : i32
    %dma_wait3A_274 = tpu.memref_slice %arg6[%dma_wait3A_271, %dma_wait3A_272, %dma_wait3A_273] : memref<2x16x2048xf32, #tpu.memory_space<vmem>> -> memref<1x16x2048xf32, #tpu.memory_space<vmem>>
    %dma_wait3A_275 = tpu.memref_squeeze %dma_wait3A_274 : memref<1x16x2048xf32, #tpu.memory_space<vmem>> -> memref<16x2048xf32, #tpu.memory_space<vmem>>
    %dma_wait3A_276 = arith.constant 80 : i32
    %dma_wait3A_277 = tpu.memref_slice %arg5[%dma_wait3A_276] : memref<128xi32, #tpu.memory_space<vmem>> -> memref<16xi32, #tpu.memory_space<vmem>>
    %dma_wait3A_278 = arith.constant 0 : i32
    %dma_wait3A_279 = arith.constant 0 : i32
    %dma_wait3A_280 = tpu.memref_slice %arg2[%dma_wait3A_278, %dma_wait3A_279] : memref<4096x2048xf32, #tpu.memory_space<hbm>> -> memref<4096x2048xf32, #tpu.memory_space<hbm>>
    tpu.wait_indirect_dma semaphore(%arg8 : memref<!tpu.dma_semaphore, #tpu.memory_space<semaphore_mem>>) src(%dma_wait3A_280 : memref<4096x2048xf32, #tpu.memory_space<hbm>>) dst(%dma_wait3A_275 : memref<16x2048xf32, #tpu.memory_space<vmem>>)
    %add3A_281 = arith.constant 80 : i32
    %add3A_282 = arith.addi %mul3A_2, %add3A_281 : i32
    %dma_start3A_283 = arith.constant 1 : i32
    %dma_start3A_284 = arith.constant 0 : i32
    %dma_start3A_285 = arith.constant 0 : i32
    %dma_start3A_286 = tpu.memref_slice %arg6[%dma_start3A_283, %dma_start3A_284, %dma_start3A_285] : memref<2x16x2048xf32, #tpu.memory_space<vmem>> -> memref<1x16x2048xf32, #tpu.memory_space<vmem>>
    %dma_start3A_287 = tpu.memref_squeeze %dma_start3A_286 : memref<1x16x2048xf32, #tpu.memory_space<vmem>> -> memref<16x2048xf32, #tpu.memory_space<vmem>>
    %dma_start3A_288 = arith.constant 0 : i32
    %dma_start3A_289 = tpu.memref_slice %arg4[%add3A_282, %dma_start3A_288] : memref<4096x2048xf32, #tpu.memory_space<hbm>> -> memref<16x2048xf32, #tpu.memory_space<hbm>>
    %dma_start3A_290 = arith.constant 0 : i32
    %dma_start3A_291 = tpu.memref_slice %arg4[%add3A_282, %dma_start3A_290] : memref<4096x2048xf32, #tpu.memory_space<hbm>> -> memref<16x2048xf32, #tpu.memory_space<hbm>>
    %dma_start3A_292 = arith.constant 0 : i32
    %dma_start3A_293 = arith.constant 0 : i32
    %dma_start3A_294 = tpu.memref_slice %arg6[%dma_start3A_283, %dma_start3A_292, %dma_start3A_293] : memref<2x16x2048xf32, #tpu.memory_space<vmem>> -> memref<1x16x2048xf32, #tpu.memory_space<vmem>>
    %dma_start3A_295 = tpu.memref_squeeze %dma_start3A_294 : memref<1x16x2048xf32, #tpu.memory_space<vmem>> -> memref<16x2048xf32, #tpu.memory_space<vmem>>
    tpu.enqueue_dma source(%dma_start3A_295 : memref<16x2048xf32, #tpu.memory_space<vmem>>) target(%dma_start3A_291 : memref<16x2048xf32, #tpu.memory_space<hbm>>) target_semaphore(%arg10 : memref<!tpu.dma_semaphore, #tpu.memory_space<semaphore_mem>>)
    %add3A_296 = arith.constant 80 : i32
    %add3A_297 = arith.addi %mul3A_2, %add3A_296 : i32
    %dma_wait3A_298 = arith.constant 1 : i32
    %dma_wait3A_299 = arith.constant 0 : i32
    %dma_wait3A_300 = arith.constant 0 : i32
    %dma_wait3A_301 = tpu.memref_slice %arg6[%dma_wait3A_298, %dma_wait3A_299, %dma_wait3A_300] : memref<2x16x2048xf32, #tpu.memory_space<vmem>> -> memref<1x16x2048xf32, #tpu.memory_space<vmem>>
    %dma_wait3A_302 = tpu.memref_squeeze %dma_wait3A_301 : memref<1x16x2048xf32, #tpu.memory_space<vmem>> -> memref<16x2048xf32, #tpu.memory_space<vmem>>
    %dma_wait3A_303 = arith.constant 0 : i32
    %dma_wait3A_304 = tpu.memref_slice %arg4[%add3A_297, %dma_wait3A_303] : memref<4096x2048xf32, #tpu.memory_space<hbm>> -> memref<16x2048xf32, #tpu.memory_space<hbm>>
    %dma_wait3A_305 = arith.constant 0 : i32
    %dma_wait3A_306 = tpu.memref_slice %arg4[%add3A_297, %dma_wait3A_305] : memref<4096x2048xf32, #tpu.memory_space<hbm>> -> memref<16x2048xf32, #tpu.memory_space<hbm>>
    %dma_wait3A_307 = arith.constant 0 : i32
    %dma_wait3A_308 = arith.constant 0 : i32
    %dma_wait3A_309 = tpu.memref_slice %arg6[%dma_wait3A_298, %dma_wait3A_307, %dma_wait3A_308] : memref<2x16x2048xf32, #tpu.memory_space<vmem>> -> memref<1x16x2048xf32, #tpu.memory_space<vmem>>
    %dma_wait3A_310 = tpu.memref_squeeze %dma_wait3A_309 : memref<1x16x2048xf32, #tpu.memory_space<vmem>> -> memref<16x2048xf32, #tpu.memory_space<vmem>>
    tpu.wait_dma2 semaphore(%arg10 : memref<!tpu.dma_semaphore, #tpu.memory_space<semaphore_mem>>) src(%dma_wait3A_310 : memref<16x2048xf32, #tpu.memory_space<vmem>>) dst(%dma_wait3A_306 : memref<16x2048xf32, #tpu.memory_space<hbm>>)
    %dma_start3A_311 = arith.constant 1 : i32
    %dma_start3A_312 = arith.constant 0 : i32
    %dma_start3A_313 = arith.constant 0 : i32
    %dma_start3A_314 = tpu.memref_slice %arg6[%dma_start3A_311, %dma_start3A_312, %dma_start3A_313] : memref<2x16x2048xf32, #tpu.memory_space<vmem>> -> memref<1x16x2048xf32, #tpu.memory_space<vmem>>
    %dma_start3A_315 = tpu.memref_squeeze %dma_start3A_314 : memref<1x16x2048xf32, #tpu.memory_space<vmem>> -> memref<16x2048xf32, #tpu.memory_space<vmem>>
    %dma_start3A_316 = arith.constant 112 : i32
    %dma_start3A_317 = tpu.memref_slice %arg5[%dma_start3A_316] : memref<128xi32, #tpu.memory_space<vmem>> -> memref<16xi32, #tpu.memory_space<vmem>>
    %dma_start3A_318 = arith.constant 0 : i32
    %dma_start3A_319 = arith.constant 0 : i32
    %dma_start3A_320 = tpu.memref_slice %arg2[%dma_start3A_318, %dma_start3A_319] : memref<4096x2048xf32, #tpu.memory_space<hbm>> -> memref<4096x2048xf32, #tpu.memory_space<hbm>>
    tpu.enqueue_indirect_dma source(%dma_start3A_320 : memref<4096x2048xf32, #tpu.memory_space<hbm>>) target(%dma_start3A_315 : memref<16x2048xf32, #tpu.memory_space<vmem>>) offsets(%dma_start3A_317 : memref<16xi32, #tpu.memory_space<vmem>>) semaphore(%arg8 : memref<!tpu.dma_semaphore, #tpu.memory_space<semaphore_mem>>)
    %dma_wait3A_321 = arith.constant 0 : i32
    %dma_wait3A_322 = arith.constant 0 : i32
    %dma_wait3A_323 = arith.constant 0 : i32
    %dma_wait3A_324 = tpu.memref_slice %arg6[%dma_wait3A_321, %dma_wait3A_322, %dma_wait3A_323] : memref<2x16x2048xf32, #tpu.memory_space<vmem>> -> memref<1x16x2048xf32, #tpu.memory_space<vmem>>
    %dma_wait3A_325 = tpu.memref_squeeze %dma_wait3A_324 : memref<1x16x2048xf32, #tpu.memory_space<vmem>> -> memref<16x2048xf32, #tpu.memory_space<vmem>>
    %dma_wait3A_326 = arith.constant 96 : i32
    %dma_wait3A_327 = tpu.memref_slice %arg5[%dma_wait3A_326] : memref<128xi32, #tpu.memory_space<vmem>> -> memref<16xi32, #tpu.memory_space<vmem>>
    %dma_wait3A_328 = arith.constant 0 : i32
    %dma_wait3A_329 = arith.constant 0 : i32
    %dma_wait3A_330 = tpu.memref_slice %arg2[%dma_wait3A_328, %dma_wait3A_329] : memref<4096x2048xf32, #tpu.memory_space<hbm>> -> memref<4096x2048xf32, #tpu.memory_space<hbm>>
    tpu.wait_indirect_dma semaphore(%arg7 : memref<!tpu.dma_semaphore, #tpu.memory_space<semaphore_mem>>) src(%dma_wait3A_330 : memref<4096x2048xf32, #tpu.memory_space<hbm>>) dst(%dma_wait3A_325 : memref<16x2048xf32, #tpu.memory_space<vmem>>)
    %add3A_331 = arith.constant 96 : i32
    %add3A_332 = arith.addi %mul3A_2, %add3A_331 : i32
    %dma_start3A_333 = arith.constant 0 : i32
    %dma_start3A_334 = arith.constant 0 : i32
    %dma_start3A_335 = arith.constant 0 : i32
    %dma_start3A_336 = tpu.memref_slice %arg6[%dma_start3A_333, %dma_start3A_334, %dma_start3A_335] : memref<2x16x2048xf32, #tpu.memory_space<vmem>> -> memref<1x16x2048xf32, #tpu.memory_space<vmem>>
    %dma_start3A_337 = tpu.memref_squeeze %dma_start3A_336 : memref<1x16x2048xf32, #tpu.memory_space<vmem>> -> memref<16x2048xf32, #tpu.memory_space<vmem>>
    %dma_start3A_338 = arith.constant 0 : i32
    %dma_start3A_339 = tpu.memref_slice %arg4[%add3A_332, %dma_start3A_338] : memref<4096x2048xf32, #tpu.memory_space<hbm>> -> memref<16x2048xf32, #tpu.memory_space<hbm>>
    %dma_start3A_340 = arith.constant 0 : i32
    %dma_start3A_341 = tpu.memref_slice %arg4[%add3A_332, %dma_start3A_340] : memref<4096x2048xf32, #tpu.memory_space<hbm>> -> memref<16x2048xf32, #tpu.memory_space<hbm>>
    %dma_start3A_342 = arith.constant 0 : i32
    %dma_start3A_343 = arith.constant 0 : i32
    %dma_start3A_344 = tpu.memref_slice %arg6[%dma_start3A_333, %dma_start3A_342, %dma_start3A_343] : memref<2x16x2048xf32, #tpu.memory_space<vmem>> -> memref<1x16x2048xf32, #tpu.memory_space<vmem>>
    %dma_start3A_345 = tpu.memref_squeeze %dma_start3A_344 : memref<1x16x2048xf32, #tpu.memory_space<vmem>> -> memref<16x2048xf32, #tpu.memory_space<vmem>>
    tpu.enqueue_dma source(%dma_start3A_345 : memref<16x2048xf32, #tpu.memory_space<vmem>>) target(%dma_start3A_341 : memref<16x2048xf32, #tpu.memory_space<hbm>>) target_semaphore(%arg9 : memref<!tpu.dma_semaphore, #tpu.memory_space<semaphore_mem>>)
    %dma_wait3A_346 = arith.constant 1 : i32
    %dma_wait3A_347 = arith.constant 0 : i32
    %dma_wait3A_348 = arith.constant 0 : i32
    %dma_wait3A_349 = tpu.memref_slice %arg6[%dma_wait3A_346, %dma_wait3A_347, %dma_wait3A_348] : memref<2x16x2048xf32, #tpu.memory_space<vmem>> -> memref<1x16x2048xf32, #tpu.memory_space<vmem>>
    %dma_wait3A_350 = tpu.memref_squeeze %dma_wait3A_349 : memref<1x16x2048xf32, #tpu.memory_space<vmem>> -> memref<16x2048xf32, #tpu.memory_space<vmem>>
    %dma_wait3A_351 = arith.constant 112 : i32
    %dma_wait3A_352 = tpu.memref_slice %arg5[%dma_wait3A_351] : memref<128xi32, #tpu.memory_space<vmem>> -> memref<16xi32, #tpu.memory_space<vmem>>
    %dma_wait3A_353 = arith.constant 0 : i32
    %dma_wait3A_354 = arith.constant 0 : i32
    %dma_wait3A_355 = tpu.memref_slice %arg2[%dma_wait3A_353, %dma_wait3A_354] : memref<4096x2048xf32, #tpu.memory_space<hbm>> -> memref<4096x2048xf32, #tpu.memory_space<hbm>>
    tpu.wait_indirect_dma semaphore(%arg8 : memref<!tpu.dma_semaphore, #tpu.memory_space<semaphore_mem>>) src(%dma_wait3A_355 : memref<4096x2048xf32, #tpu.memory_space<hbm>>) dst(%dma_wait3A_350 : memref<16x2048xf32, #tpu.memory_space<vmem>>)
    %add3A_356 = arith.constant 112 : i32
    %add3A_357 = arith.addi %mul3A_2, %add3A_356 : i32
    %dma_start3A_358 = arith.constant 1 : i32
    %dma_start3A_359 = arith.constant 0 : i32
    %dma_start3A_360 = arith.constant 0 : i32
    %dma_start3A_361 = tpu.memref_slice %arg6[%dma_start3A_358, %dma_start3A_359, %dma_start3A_360] : memref<2x16x2048xf32, #tpu.memory_space<vmem>> -> memref<1x16x2048xf32, #tpu.memory_space<vmem>>
    %dma_start3A_362 = tpu.memref_squeeze %dma_start3A_361 : memref<1x16x2048xf32, #tpu.memory_space<vmem>> -> memref<16x2048xf32, #tpu.memory_space<vmem>>
    %dma_start3A_363 = arith.constant 0 : i32
    %dma_start3A_364 = tpu.memref_slice %arg4[%add3A_357, %dma_start3A_363] : memref<4096x2048xf32, #tpu.memory_space<hbm>> -> memref<16x2048xf32, #tpu.memory_space<hbm>>
    %dma_start3A_365 = arith.constant 0 : i32
    %dma_start3A_366 = tpu.memref_slice %arg4[%add3A_357, %dma_start3A_365] : memref<4096x2048xf32, #tpu.memory_space<hbm>> -> memref<16x2048xf32, #tpu.memory_space<hbm>>
    %dma_start3A_367 = arith.constant 0 : i32
    %dma_start3A_368 = arith.constant 0 : i32
    %dma_start3A_369 = tpu.memref_slice %arg6[%dma_start3A_358, %dma_start3A_367, %dma_start3A_368] : memref<2x16x2048xf32, #tpu.memory_space<vmem>> -> memref<1x16x2048xf32, #tpu.memory_space<vmem>>
    %dma_start3A_370 = tpu.memref_squeeze %dma_start3A_369 : memref<1x16x2048xf32, #tpu.memory_space<vmem>> -> memref<16x2048xf32, #tpu.memory_space<vmem>>
    tpu.enqueue_dma source(%dma_start3A_370 : memref<16x2048xf32, #tpu.memory_space<vmem>>) target(%dma_start3A_366 : memref<16x2048xf32, #tpu.memory_space<hbm>>) target_semaphore(%arg10 : memref<!tpu.dma_semaphore, #tpu.memory_space<semaphore_mem>>)
    %add3A_371 = arith.constant 96 : i32
    %add3A_372 = arith.addi %mul3A_2, %add3A_371 : i32
    %dma_wait3A_373 = arith.constant 0 : i32
    %dma_wait3A_374 = arith.constant 0 : i32
    %dma_wait3A_375 = arith.constant 0 : i32
    %dma_wait3A_376 = tpu.memref_slice %arg6[%dma_wait3A_373, %dma_wait3A_374, %dma_wait3A_375] : memref<2x16x2048xf32, #tpu.memory_space<vmem>> -> memref<1x16x2048xf32, #tpu.memory_space<vmem>>
    %dma_wait3A_377 = tpu.memref_squeeze %dma_wait3A_376 : memref<1x16x2048xf32, #tpu.memory_space<vmem>> -> memref<16x2048xf32, #tpu.memory_space<vmem>>
    %dma_wait3A_378 = arith.constant 0 : i32
    %dma_wait3A_379 = tpu.memref_slice %arg4[%add3A_372, %dma_wait3A_378] : memref<4096x2048xf32, #tpu.memory_space<hbm>> -> memref<16x2048xf32, #tpu.memory_space<hbm>>
    %dma_wait3A_380 = arith.constant 0 : i32
    %dma_wait3A_381 = tpu.memref_slice %arg4[%add3A_372, %dma_wait3A_380] : memref<4096x2048xf32, #tpu.memory_space<hbm>> -> memref<16x2048xf32, #tpu.memory_space<hbm>>
    %dma_wait3A_382 = arith.constant 0 : i32
    %dma_wait3A_383 = arith.constant 0 : i32
    %dma_wait3A_384 = tpu.memref_slice %arg6[%dma_wait3A_373, %dma_wait3A_382, %dma_wait3A_383] : memref<2x16x2048xf32, #tpu.memory_space<vmem>> -> memref<1x16x2048xf32, #tpu.memory_space<vmem>>
    %dma_wait3A_385 = tpu.memref_squeeze %dma_wait3A_384 : memref<1x16x2048xf32, #tpu.memory_space<vmem>> -> memref<16x2048xf32, #tpu.memory_space<vmem>>
    tpu.wait_dma2 semaphore(%arg9 : memref<!tpu.dma_semaphore, #tpu.memory_space<semaphore_mem>>) src(%dma_wait3A_385 : memref<16x2048xf32, #tpu.memory_space<vmem>>) dst(%dma_wait3A_381 : memref<16x2048xf32, #tpu.memory_space<hbm>>)
    %add3A_386 = arith.constant 112 : i32
    %add3A_387 = arith.addi %mul3A_2, %add3A_386 : i32
    %dma_wait3A_388 = arith.constant 1 : i32
    %dma_wait3A_389 = arith.constant 0 : i32
    %dma_wait3A_390 = arith.constant 0 : i32
    %dma_wait3A_391 = tpu.memref_slice %arg6[%dma_wait3A_388, %dma_wait3A_389, %dma_wait3A_390] : memref<2x16x2048xf32, #tpu.memory_space<vmem>> -> memref<1x16x2048xf32, #tpu.memory_space<vmem>>
    %dma_wait3A_392 = tpu.memref_squeeze %dma_wait3A_391 : memref<1x16x2048xf32, #tpu.memory_space<vmem>> -> memref<16x2048xf32, #tpu.memory_space<vmem>>
    %dma_wait3A_393 = arith.constant 0 : i32
    %dma_wait3A_394 = tpu.memref_slice %arg4[%add3A_387, %dma_wait3A_393] : memref<4096x2048xf32, #tpu.memory_space<hbm>> -> memref<16x2048xf32, #tpu.memory_space<hbm>>
    %dma_wait3A_395 = arith.constant 0 : i32
    %dma_wait3A_396 = tpu.memref_slice %arg4[%add3A_387, %dma_wait3A_395] : memref<4096x2048xf32, #tpu.memory_space<hbm>> -> memref<16x2048xf32, #tpu.memory_space<hbm>>
    %dma_wait3A_397 = arith.constant 0 : i32
    %dma_wait3A_398 = arith.constant 0 : i32
    %dma_wait3A_399 = tpu.memref_slice %arg6[%dma_wait3A_388, %dma_wait3A_397, %dma_wait3A_398] : memref<2x16x2048xf32, #tpu.memory_space<vmem>> -> memref<1x16x2048xf32, #tpu.memory_space<vmem>>
    %dma_wait3A_400 = tpu.memref_squeeze %dma_wait3A_399 : memref<1x16x2048xf32, #tpu.memory_space<vmem>> -> memref<16x2048xf32, #tpu.memory_space<vmem>>
    tpu.wait_dma2 semaphore(%arg10 : memref<!tpu.dma_semaphore, #tpu.memory_space<semaphore_mem>>) src(%dma_wait3A_400 : memref<16x2048xf32, #tpu.memory_space<vmem>>) dst(%dma_wait3A_396 : memref<16x2048xf32, #tpu.memory_space<hbm>>)
    return
  }
}

module attributes {stable_mosaic.version = 14 : i64} {
  func.func @_mlp_item(%arg0: i32, %arg1: memref<23xi32, #tpu.memory_space<smem>>, %arg2: memref<23xi32, #tpu.memory_space<smem>>, %arg3: memref<9xi32, #tpu.memory_space<smem>>, %arg4: memref<23xi32, #tpu.memory_space<smem>>, %arg5: memref<23xi32, #tpu.memory_space<smem>>, %arg6: memref<23xi32, #tpu.memory_space<smem>>, %arg7: memref<256x2048xf32, #tpu.memory_space<vmem>>, %arg8: memref<8x2048x2048xf32, #tpu.memory_space<hbm>>, %arg9: memref<8x2048xf32, #tpu.memory_space<vmem>>, %arg10: memref<8x2048x2048xf32, #tpu.memory_space<hbm>>, %arg11: memref<8x2048xf32, #tpu.memory_space<vmem>>, %arg12: memref<256x2048xf32, #tpu.memory_space<vmem>>, %arg13: memref<2x2048x2048xf32, #tpu.memory_space<vmem>>, %arg14: memref<2048x2048xf32, #tpu.memory_space<vmem>>, %arg15: memref<!tpu.dma_semaphore, #tpu.memory_space<semaphore_mem>>, %arg16: memref<!tpu.dma_semaphore, #tpu.memory_space<semaphore_mem>>) attributes {dimension_semantics = [#tpu.dimension_semantics<arbitrary>], iteration_bounds = array<i64: 23>, scalar_prefetch = 6 : i64, scratch_operands = 4 : i64, tpu.core_type = #tpu.core_type<tc>, window_params = [{transform_indices = @transform_0, window_bounds = array<i64: 256, 2048>}, {}, {pipeline_mode = #tpu.pipeline_mode<synchronous>, transform_indices = @transform_2, window_bounds = array<i64: 8, 2048>}, {}, {pipeline_mode = #tpu.pipeline_mode<synchronous>, transform_indices = @transform_4, window_bounds = array<i64: 8, 2048>}, {transform_indices = @transform_5, window_bounds = array<i64: 256, 2048>}]} {
    %get3A = arith.index_cast %arg0 : i32 to index
    %get3A_0 = memref.load %arg2[%get3A] : memref<23xi32, #tpu.memory_space<smem>>
    %get3A_1 = arith.index_cast %arg0 : i32 to index
    %get3A_2 = memref.load %arg1[%get3A_1] : memref<23xi32, #tpu.memory_space<smem>>
    %get3A_3 = arith.index_cast %arg0 : i32 to index
    %get3A_4 = memref.load %arg4[%get3A_3] : memref<23xi32, #tpu.memory_space<smem>>
    %sub3A = arith.constant 1 : i32
    %sub3A_5 = arith.subi %arg0, %sub3A : i32
    %max3A = arith.constant 0 : i32
    %max3A_6 = arith.maxsi %sub3A_5, %max3A : i32
    %get3A_7 = arith.index_cast %max3A_6 : i32 to index
    %get3A_8 = memref.load %arg2[%get3A_7] : memref<23xi32, #tpu.memory_space<smem>>
    %add3A = arith.constant 1 : i32
    %add3A_9 = arith.addi %arg0, %add3A : i32
    %min3A = arith.constant 22 : i32
    %min3A_10 = arith.minsi %add3A_9, %min3A : i32
    %get3A_11 = arith.index_cast %min3A_10 : i32 to index
    %get3A_12 = memref.load %arg2[%get3A_11] : memref<23xi32, #tpu.memory_space<smem>>
    %eq3A = arith.constant 0 : i32
    %eq3A_13 = arith.cmpi eq, %arg0, %eq3A : i32
    %ne3A = arith.cmpi ne, %get3A_0, %get3A_8 : i32
    %or3A = arith.ori %eq3A_13, %ne3A : i1
    %eq3A_14 = arith.constant 0 : i32
    %eq3A_15 = arith.cmpi eq, %arg0, %eq3A_14 : i32
    %convert_element_type3A = arith.extui %eq3A_15 : i1 to i32
    %cond3A = arith.constant 0 : i32
    %cond3A_16 = arith.cmpi ne, %convert_element_type3A, %cond3A : i32
    scf.if %cond3A_16 {
      %dma_start3A = arith.constant 0 : i32
      %dma_start3A_79 = arith.constant 0 : i32
      %dma_start3A_80 = tpu.memref_slice %arg13[%get3A_4, %dma_start3A, %dma_start3A_79] : memref<2x2048x2048xf32, #tpu.memory_space<vmem>> -> memref<1x2048x2048xf32, #tpu.memory_space<vmem>>
      %dma_start3A_81 = tpu.memref_squeeze %dma_start3A_80 : memref<1x2048x2048xf32, #tpu.memory_space<vmem>> -> memref<2048x2048xf32, #tpu.memory_space<vmem>>
      %dma_start3A_82 = arith.constant 0 : i32
      %dma_start3A_83 = arith.constant 0 : i32
      %dma_start3A_84 = tpu.memref_slice %arg8[%get3A_0, %dma_start3A_82, %dma_start3A_83] : memref<8x2048x2048xf32, #tpu.memory_space<hbm>> -> memref<1x2048x2048xf32, #tpu.memory_space<hbm>>
      %dma_start3A_85 = tpu.memref_squeeze %dma_start3A_84 : memref<1x2048x2048xf32, #tpu.memory_space<hbm>> -> memref<2048x2048xf32, #tpu.memory_space<hbm>>
      tpu.enqueue_dma source(%dma_start3A_85 : memref<2048x2048xf32, #tpu.memory_space<hbm>>) target(%dma_start3A_81 : memref<2048x2048xf32, #tpu.memory_space<vmem>>) target_semaphore(%arg15 : memref<!tpu.dma_semaphore, #tpu.memory_space<semaphore_mem>>)
      %dma_start3A_86 = arith.constant 0 : i32
      %dma_start3A_87 = arith.constant 0 : i32
      %dma_start3A_88 = tpu.memref_slice %arg10[%get3A_0, %dma_start3A_86, %dma_start3A_87] : memref<8x2048x2048xf32, #tpu.memory_space<hbm>> -> memref<1x2048x2048xf32, #tpu.memory_space<hbm>>
      %dma_start3A_89 = tpu.memref_squeeze %dma_start3A_88 : memref<1x2048x2048xf32, #tpu.memory_space<hbm>> -> memref<2048x2048xf32, #tpu.memory_space<hbm>>
      tpu.enqueue_dma source(%dma_start3A_89 : memref<2048x2048xf32, #tpu.memory_space<hbm>>) target(%arg14 : memref<2048x2048xf32, #tpu.memory_space<vmem>>) target_semaphore(%arg16 : memref<!tpu.dma_semaphore, #tpu.memory_space<semaphore_mem>>)
    } else {
    }
    %convert_element_type3A_17 = arith.extui %or3A : i1 to i32
    %cond3A_18 = arith.constant 0 : i32
    %cond3A_19 = arith.cmpi ne, %convert_element_type3A_17, %cond3A_18 : i32
    scf.if %cond3A_19 {
      %dma_wait3A = arith.constant 0 : i32
      %dma_wait3A_79 = arith.constant 0 : i32
      %dma_wait3A_80 = tpu.memref_slice %arg13[%get3A_4, %dma_wait3A, %dma_wait3A_79] : memref<2x2048x2048xf32, #tpu.memory_space<vmem>> -> memref<1x2048x2048xf32, #tpu.memory_space<vmem>>
      %dma_wait3A_81 = tpu.memref_squeeze %dma_wait3A_80 : memref<1x2048x2048xf32, #tpu.memory_space<vmem>> -> memref<2048x2048xf32, #tpu.memory_space<vmem>>
      %dma_wait3A_82 = arith.constant 0 : i32
      %dma_wait3A_83 = arith.constant 0 : i32
      %dma_wait3A_84 = tpu.memref_slice %arg8[%get3A_0, %dma_wait3A_82, %dma_wait3A_83] : memref<8x2048x2048xf32, #tpu.memory_space<hbm>> -> memref<1x2048x2048xf32, #tpu.memory_space<hbm>>
      %dma_wait3A_85 = tpu.memref_squeeze %dma_wait3A_84 : memref<1x2048x2048xf32, #tpu.memory_space<hbm>> -> memref<2048x2048xf32, #tpu.memory_space<hbm>>
      tpu.wait_dma2 semaphore(%arg15 : memref<!tpu.dma_semaphore, #tpu.memory_space<semaphore_mem>>) src(%dma_wait3A_85 : memref<2048x2048xf32, #tpu.memory_space<hbm>>) dst(%dma_wait3A_81 : memref<2048x2048xf32, #tpu.memory_space<vmem>>)
    } else {
    }
    %get3A_20 = arith.index_cast %arg0 : i32 to index
    %get3A_21 = memref.load %arg6[%get3A_20] : memref<23xi32, #tpu.memory_space<smem>>
    %eq3A_22 = arith.constant 1 : i32
    %eq3A_23 = arith.cmpi eq, %get3A_21, %eq3A_22 : i32
    %and3A = arith.andi %or3A, %eq3A_23 : i1
    %convert_element_type3A_24 = arith.extui %and3A : i1 to i32
    %cond3A_25 = arith.constant 0 : i32
    %cond3A_26 = arith.cmpi ne, %convert_element_type3A_24, %cond3A_25 : i32
    scf.if %cond3A_26 {
      %get3A_79 = arith.index_cast %arg0 : i32 to index
      %get3A_80 = memref.load %arg5[%get3A_79] : memref<23xi32, #tpu.memory_space<smem>>
      %sub3A_81 = arith.constant 1 : i32
      %sub3A_82 = arith.subi %sub3A_81, %get3A_4 : i32
      %dma_start3A = arith.constant 0 : i32
      %dma_start3A_83 = arith.constant 0 : i32
      %dma_start3A_84 = tpu.memref_slice %arg13[%sub3A_82, %dma_start3A, %dma_start3A_83] : memref<2x2048x2048xf32, #tpu.memory_space<vmem>> -> memref<1x2048x2048xf32, #tpu.memory_space<vmem>>
      %dma_start3A_85 = tpu.memref_squeeze %dma_start3A_84 : memref<1x2048x2048xf32, #tpu.memory_space<vmem>> -> memref<2048x2048xf32, #tpu.memory_space<vmem>>
      %dma_start3A_86 = arith.constant 0 : i32
      %dma_start3A_87 = arith.constant 0 : i32
      %dma_start3A_88 = tpu.memref_slice %arg8[%get3A_80, %dma_start3A_86, %dma_start3A_87] : memref<8x2048x2048xf32, #tpu.memory_space<hbm>> -> memref<1x2048x2048xf32, #tpu.memory_space<hbm>>
      %dma_start3A_89 = tpu.memref_squeeze %dma_start3A_88 : memref<1x2048x2048xf32, #tpu.memory_space<hbm>> -> memref<2048x2048xf32, #tpu.memory_space<hbm>>
      tpu.enqueue_dma source(%dma_start3A_89 : memref<2048x2048xf32, #tpu.memory_space<hbm>>) target(%dma_start3A_85 : memref<2048x2048xf32, #tpu.memory_space<vmem>>) target_semaphore(%arg15 : memref<!tpu.dma_semaphore, #tpu.memory_space<semaphore_mem>>)
    } else {
    }
    %get3A_27 = arith.constant 0 : index
    %get3A_28 = arith.constant 0 : index
    %get3A_29 = vector.load %arg7[%get3A_27, %get3A_28] : memref<256x2048xf32, #tpu.memory_space<vmem>>, vector<256x2048xf32>
    %get3A_30 = arith.index_cast %get3A_4 : i32 to index
    %get3A_31 = arith.constant 0 : index
    %get3A_32 = arith.constant 0 : index
    %get3A_33 = vector.load %arg13[%get3A_30, %get3A_31, %get3A_32] : memref<2x2048x2048xf32, #tpu.memory_space<vmem>>, vector<1x2048x2048xf32>
    %get3A_34 = vector.shape_cast %get3A_33 : vector<1x2048x2048xf32> to vector<2048x2048xf32>
    %dot_general3A = arith.constant dense<0.000000e+00> : vector<256x2048xf32>
    %dot_general3A_35 = tpu.matmul %get3A_29, %get3A_34, %dot_general3A {dimension_numbers = #tpu.dot_dimension_numbers<[1], [0], [0], [1], [0, 0, 1, 1], [], []>, transpose_lhs_hint = false} : vector<256x2048xf32>, vector<2048x2048xf32>, vector<256x2048xf32> -> vector<256x2048xf32>
    %get3A_36 = arith.index_cast %get3A_0 : i32 to index
    %get3A_37 = arith.constant 0 : index
    %get3A_38 = vector.load %arg9[%get3A_36, %get3A_37] : memref<8x2048xf32, #tpu.memory_space<vmem>>, vector<1x2048xf32>
    %add3A_39 = vector.broadcast %get3A_38 : vector<1x2048xf32> to vector<256x2048xf32>
    %add3A_40 = arith.addf %dot_general3A_35, %add3A_39 : vector<256x2048xf32>
    %max3A_41 = arith.constant 0.000000e+00 : f32
    %max3A_42 = vector.broadcast %max3A_41 : f32 to vector<256x2048xf32>
    %max3A_43 = arith.maximumf %add3A_40, %max3A_42 : vector<256x2048xf32>
    %convert_element_type3A_44 = arith.extui %or3A : i1 to i32
    %cond3A_45 = arith.constant 0 : i32
    %cond3A_46 = arith.cmpi ne, %convert_element_type3A_44, %cond3A_45 : i32
    scf.if %cond3A_46 {
      %dma_wait3A = arith.constant 0 : i32
      %dma_wait3A_79 = arith.constant 0 : i32
      %dma_wait3A_80 = tpu.memref_slice %arg10[%get3A_0, %dma_wait3A, %dma_wait3A_79] : memref<8x2048x2048xf32, #tpu.memory_space<hbm>> -> memref<1x2048x2048xf32, #tpu.memory_space<hbm>>
      %dma_wait3A_81 = tpu.memref_squeeze %dma_wait3A_80 : memref<1x2048x2048xf32, #tpu.memory_space<hbm>> -> memref<2048x2048xf32, #tpu.memory_space<hbm>>
      tpu.wait_dma2 semaphore(%arg16 : memref<!tpu.dma_semaphore, #tpu.memory_space<semaphore_mem>>) src(%dma_wait3A_81 : memref<2048x2048xf32, #tpu.memory_space<hbm>>) dst(%arg14 : memref<2048x2048xf32, #tpu.memory_space<vmem>>)
    } else {
    }
    %get3A_47 = arith.constant 0 : index
    %get3A_48 = arith.constant 0 : index
    %get3A_49 = vector.load %arg14[%get3A_47, %get3A_48] : memref<2048x2048xf32, #tpu.memory_space<vmem>>, vector<2048x2048xf32>
    %dot_general3A_50 = arith.constant dense<0.000000e+00> : vector<256x2048xf32>
    %dot_general3A_51 = tpu.matmul %max3A_43, %get3A_49, %dot_general3A_50 {dimension_numbers = #tpu.dot_dimension_numbers<[1], [0], [0], [1], [0, 0, 1, 1], [], []>, transpose_lhs_hint = false} : vector<256x2048xf32>, vector<2048x2048xf32>, vector<256x2048xf32> -> vector<256x2048xf32>
    %get3A_52 = arith.index_cast %get3A_0 : i32 to index
    %get3A_53 = arith.constant 0 : index
    %get3A_54 = vector.load %arg11[%get3A_52, %get3A_53] : memref<8x2048xf32, #tpu.memory_space<vmem>>, vector<1x2048xf32>
    %add3A_55 = vector.broadcast %get3A_54 : vector<1x2048xf32> to vector<256x2048xf32>
    %add3A_56 = arith.addf %dot_general3A_51, %add3A_55 : vector<256x2048xf32>
    %mul3A = arith.constant 256 : i32
    %mul3A_57 = arith.muli %get3A_2, %mul3A : i32
    %iota3A = tpu.iota {dimensions = array<i32: 0>} : vector<256x1xi32>
    %add3A_58 = vector.broadcast %mul3A_57 : i32 to vector<256x1xi32>
    %add3A_59 = arith.addi %add3A_58, %iota3A : vector<256x1xi32>
    %get3A_60 = arith.index_cast %get3A_0 : i32 to index
    %get3A_61 = memref.load %arg3[%get3A_60] : memref<9xi32, #tpu.memory_space<smem>>
    %ge3A = vector.broadcast %get3A_61 : i32 to vector<256x1xi32>
    %ge3A_62 = arith.cmpi sge, %add3A_59, %ge3A : vector<256x1xi32>
    %add3A_63 = arith.constant 1 : i32
    %add3A_64 = arith.addi %get3A_0, %add3A_63 : i32
    %get3A_65 = arith.index_cast %add3A_64 : i32 to index
    %get3A_66 = memref.load %arg3[%get3A_65] : memref<9xi32, #tpu.memory_space<smem>>
    %lt3A = vector.broadcast %get3A_66 : i32 to vector<256x1xi32>
    %lt3A_67 = arith.cmpi slt, %add3A_59, %lt3A : vector<256x1xi32>
    %and3A_68 = arith.andi %ge3A_62, %lt3A_67 : vector<256x1xi1>
    %get3A_69 = arith.constant 0 : index
    %get3A_70 = arith.constant 0 : index
    %get3A_71 = vector.load %arg12[%get3A_69, %get3A_70] : memref<256x2048xf32, #tpu.memory_space<vmem>>, vector<256x2048xf32>
    %broadcast_in_dim3A = vector.shape_cast %and3A_68 : vector<256x1xi1> to vector<256x1xi1>
    %broadcast_in_dim3A_72 = vector.broadcast %broadcast_in_dim3A : vector<256x1xi1> to vector<256x2048xi1>
    %select_n3A = arith.select %broadcast_in_dim3A_72, %add3A_56, %get3A_71 : vector<256x2048xi1>, vector<256x2048xf32>
    %swap3A = arith.constant 0 : index
    %swap3A_73 = arith.constant 0 : index
    %swap3A_74 = vector.load %arg12[%swap3A, %swap3A_73] : memref<256x2048xf32, #tpu.memory_space<vmem>>, vector<256x2048xf32>
    tpu.vector_store %arg12[%swap3A, %swap3A_73], %select_n3A {strides = array<i32>} : memref<256x2048xf32, #tpu.memory_space<vmem>>, vector<256x2048xf32>,
    %ne3A_75 = arith.cmpi ne, %get3A_12, %get3A_0 : i32
    %convert_element_type3A_76 = arith.extui %ne3A_75 : i1 to i32
    %cond3A_77 = arith.constant 0 : i32
    %cond3A_78 = arith.cmpi ne, %convert_element_type3A_76, %cond3A_77 : i32
    scf.if %cond3A_78 {
      %dma_start3A = arith.constant 0 : i32
      %dma_start3A_79 = arith.constant 0 : i32
      %dma_start3A_80 = tpu.memref_slice %arg10[%get3A_12, %dma_start3A, %dma_start3A_79] : memref<8x2048x2048xf32, #tpu.memory_space<hbm>> -> memref<1x2048x2048xf32, #tpu.memory_space<hbm>>
      %dma_start3A_81 = tpu.memref_squeeze %dma_start3A_80 : memref<1x2048x2048xf32, #tpu.memory_space<hbm>> -> memref<2048x2048xf32, #tpu.memory_space<hbm>>
      tpu.enqueue_dma source(%dma_start3A_81 : memref<2048x2048xf32, #tpu.memory_space<hbm>>) target(%arg14 : memref<2048x2048xf32, #tpu.memory_space<vmem>>) target_semaphore(%arg16 : memref<!tpu.dma_semaphore, #tpu.memory_space<semaphore_mem>>)
    } else {
    }
    return
  }
  func.func @transform_0(%arg0: i32, %arg1: memref<23xi32, #tpu.memory_space<smem>>, %arg2: memref<23xi32, #tpu.memory_space<smem>>, %arg3: memref<9xi32, #tpu.memory_space<smem>>, %arg4: memref<23xi32, #tpu.memory_space<smem>>, %arg5: memref<23xi32, #tpu.memory_space<smem>>, %arg6: memref<23xi32, #tpu.memory_space<smem>>) -> (i32, i32) {
    %get3A = arith.index_cast %arg0 : i32 to index
    %get3A_0 = memref.load %arg1[%get3A] : memref<23xi32, #tpu.memory_space<smem>>
    %c0_i32 = arith.constant 0 : i32
    %c0_i32_1 = arith.constant 0 : i32
    return %get3A_0, %c0_i32 : i32, i32
  }
  func.func @transform_2(%arg0: i32, %arg1: memref<23xi32, #tpu.memory_space<smem>>, %arg2: memref<23xi32, #tpu.memory_space<smem>>, %arg3: memref<9xi32, #tpu.memory_space<smem>>, %arg4: memref<23xi32, #tpu.memory_space<smem>>, %arg5: memref<23xi32, #tpu.memory_space<smem>>, %arg6: memref<23xi32, #tpu.memory_space<smem>>) -> (i32, i32) {
    %c0_i32 = arith.constant 0 : i32
    %c0_i32_0 = arith.constant 0 : i32
    %c0_i32_1 = arith.constant 0 : i32
    return %c0_i32, %c0_i32_0 : i32, i32
  }
  func.func @transform_4(%arg0: i32, %arg1: memref<23xi32, #tpu.memory_space<smem>>, %arg2: memref<23xi32, #tpu.memory_space<smem>>, %arg3: memref<9xi32, #tpu.memory_space<smem>>, %arg4: memref<23xi32, #tpu.memory_space<smem>>, %arg5: memref<23xi32, #tpu.memory_space<smem>>, %arg6: memref<23xi32, #tpu.memory_space<smem>>) -> (i32, i32) {
    %c0_i32 = arith.constant 0 : i32
    %c0_i32_0 = arith.constant 0 : i32
    %c0_i32_1 = arith.constant 0 : i32
    return %c0_i32, %c0_i32_0 : i32, i32
  }
  func.func @transform_5(%arg0: i32, %arg1: memref<23xi32, #tpu.memory_space<smem>>, %arg2: memref<23xi32, #tpu.memory_space<smem>>, %arg3: memref<9xi32, #tpu.memory_space<smem>>, %arg4: memref<23xi32, #tpu.memory_space<smem>>, %arg5: memref<23xi32, #tpu.memory_space<smem>>, %arg6: memref<23xi32, #tpu.memory_space<smem>>) -> (i32, i32) {
    %get3A = arith.index_cast %arg0 : i32 to index
    %get3A_0 = memref.load %arg1[%get3A] : memref<23xi32, #tpu.memory_space<smem>>
    %c0_i32 = arith.constant 0 : i32
    %c0_i32_1 = arith.constant 0 : i32
    return %get3A_0, %c0_i32 : i32, i32
  }
}

</mosaic_0001>

<sc_bundles>
// kernel: kernel.5.cloned.1.call-start
scs
__scs_entry_jumppad:
0x0: {  	(pc) =	sbr.rel $0x88, $3  }
0x1: {  	(tag) =	ssettag $0x0;
	lr =	simm.s32 $0x1  }
0x2: {  	[smem:$0x3F9B] =	sst lr;
	_ =	strace $0xD0000000  }
0x3: {  	_ = 	snop  }
0x4: {  	_ = 	snop  }
0x5: {  	_ = 	snop  }
0x6: {  	_ = 	snop  }
0x7: {  	_ = 	snop  }
__scs_overlays_trampoline_lowered:
0x8: {  	[smem:$0x3FAA] =	sst s0  }
0x9: {  	[smem:$0x3FAB] =	sst s1  }
0xa: {  	[smem:$0x3FAC] =	sst s2  }
0xb: {  	[smem:$0x3FAD] =	sst s3  }
0xc: {  	[smem:$0x3FAE] =	sst s4  }
0xd: {  	[smem:$0x3FAF] =	sst s5  }
0xe: {  	[smem:$0x3FB0] =	sst s6  }
0xf: {  	[smem:$0x3FB1] =	sst s7  }
0x10: {  	[smem:$0x3FB2] =	sst s8  }
0x11: {  	[smem:$0x3FB3] =	sst s9;
	s0 =	simm.s32 @!p0 $0x0  }
0x12: {  	s1 =	sld [smem:$0x3F99];
	s0 =	simm.s32 @p0 $0x1  }
0x13: {  	[smem:$0x3FB4] =	sst s0;
	s0 =	simm.s32 @!p1 $0x0  }
0x14: {  	s2 =	sld [smem:$0x3F98];
	s0 =	simm.s32 @p1 $0x1  }
0x15: {  	[smem:$0x3FB5] =	sst s0;
	s0 =	simm.s32 @!p2 $0x0  }
0x16: {  	s3 =	sld [smem:$0x3FDB];
	s0 =	simm.s32 @p2 $0x1  }
0x17: {  	s4 =	simm.s32 $0x1BF5;
	[smem:$0x3FB7] =	sst s0  }
0x18: {  	s0 =	sld [smem:$0x3F9A];
	_ =	swait.ge [sflag:s4], $0x0  }
0x19: {  	s7 =	sld [smem:$0x3F9B]  }
0x1a: {  	s8 =	sadd.s32 $0xFFFFE003, lr  }
0x1b: {  	s9 =	sadd.s32 $0xFFFFFEF7, lr;
	s5 =	simm.s32 $0xFFFFFFFF;
	p2 =	slt.u32 s8, $0xFFFFF086  }
0x1c: {  	p1 =	slt.u32 s9, $0xF7A;
	s5 =	simm.s32 @!p2 $0x0  }
0x1d: {  	s5 =	simm.s32 @p1 $0x1;
	p0 =	seq.s32 s7, s2  }
0x1e: {  	s7 =	smul.u32 @!p0 $0xF7A, s2;
	p2 =	seq.s32 @!p0 s5, $0x0  }
0x1f: {  	s9 =	smul.u32 $0xF7A, s1;
	s8 =	simm.s32 @!p0 $0x1BF5;
	p2 =	por !p2, p0  }
0x20: {  	[sflag:s8] =	ssyncset.s32 @!p0 $0xFFFFF086;
	s6 =	sadd.s32 @!p0 s3, s7;
	s7 =	simm.s32 @!p0 $0x108  }
0x21: {  	s3 =	sadd.s32 s3, s9;
	s6 =	sadd.s32 @!p0 $0x88, s6;
	s7 =	simm.s32 @p2 $0x1082  }
0x22: {  	[simem:s7], [sflag:s8] =	dma.local @!p0 [hbm:s6], $0xF7A  }
0x23: {  	s9 =	sor.u32 $0xD0000000, s2;
	s6 =	simm.s32 $0x108;
	_ =	swait.ge @!p0 [sflag:s8], $0x0  }
0x24: {  	s3 =	sadd.s32 $0x88, s3;
	s6 =	simm.s32 @!p1 $0x1082;
	[sflag:s4] =	ssyncset.s32 $0xFFFFF086  }
0x25: {  	[simem:s6], [sflag:s4] =	dma.local [hbm:s3], $0xF7A  }
0x26: {  	[smem:$0x3F9B] =	sst s1;
	(tag) =	ssettag s2;
	_ =	strace s9  }
0x27: {  	s1 =	sld [smem:$0x3FAB]  }
0x28: {  	s2 =	sld [smem:$0x3FAC]  }
0x29: {  	s4 =	sld [smem:$0x3FAE]  }
0x2a: {  	p0 =	seq.s32 s5, $0x0;
	s5 =	sld [smem:$0x3FAF]  }
0x2b: {  	s6 =	sld [smem:$0x3FB0]  }
0x2c: {  	s7 =	sld [smem:$0x3FB1]  }
0x2d: {  	s3 =	simm.s32 $0x108;
	s8 =	sld [smem:$0x3FB2]  }
0x2e: {  	s3 =	simm.s32 @!p0 $0x1082;
	s9 =	sld [smem:$0x3FB3]  }
0x2f: {  	lr =	sadd.s32 s0, s3;
	s0 =	sld [smem:$0x3FAA]  }
0x30: {  	s3 =	sld [smem:$0x3FAD]  }
0x31: {  	[smem:$0x3FB6] =	sst s10  }
0x32: {  	s10 =	sld [smem:$0x3FB4];
	_ =	sdelay $0x3  }
0x33: {  	p0 =	seq.s32 s10, $0x1;
	s10 =	sld [smem:$0x3FB6];
	_ =	sdelay $0x3  }
0x34: {  	[smem:$0x3FB6] =	sst s10  }
0x35: {  	s10 =	sld [smem:$0x3FB5];
	_ =	sdelay $0x3  }
0x36: {  	p1 =	seq.s32 s10, $0x1;
	s10 =	sld [smem:$0x3FB6];
	_ =	sdelay $0x3  }
0x37: {  	[smem:$0x3FB6] =	sst s10  }
0x38: {  	s10 =	sld [smem:$0x3FB7]  }
0x39: {  	_ = 	snop;
	(pc) =	sbr.ind lr, $3  }
0x3a: {  	_ = 	snop  }
0x3b: {  	_ = 	snop  }
0x3c: {  	p2 =	seq.s32 s10, $0x1;
	s10 =	sld [smem:$0x3FB6]  }
0x3d: {  	_ =	shalt  }
0x3e: {  	_ =	shalt  }
0x3f: {  	_ =	shalt  }
0x40: {  	_ =	shalt  }
0x41: {  	_ =	shalt  }
0x42: {  	_ =	shalt  }
0x43: {  	_ =	shalt  }
0x44: {  	_ =	shalt  }
0x45: {  	_ =	shalt  }
0x46: {  	_ =	shalt  }
0x47: {  	_ =	shalt  }
0x48: {  	_ =	shalt  }
0x49: {  	_ =	shalt  }
0x4a: {  	_ =	shalt  }
0x4b: {  	_ =	shalt  }
0x4c: {  	_ =	shalt  }
0x4d: {  	_ =	shalt  }
0x4e: {  	_ =	shalt  }
0x4f: {  	_ =	shalt  }
0x50: {  	_ =	shalt  }
0x51: {  	_ =	shalt  }
0x52: {  	_ =	shalt  }
0x53: {  	_ =	shalt  }
0x54: {  	_ =	shalt  }
0x55: {  	_ =	shalt  }
0x56: {  	_ =	shalt  }
0x57: {  	_ =	shalt  }
0x58: {  	_ =	shalt  }
0x59: {  	_ =	shalt  }
0x5a: {  	_ =	shalt  }
0x5b: {  	_ =	shalt  }
0x5c: {  	_ =	shalt  }
0x5d: {  	_ =	shalt  }
0x5e: {  	_ =	shalt  }
0x5f: {  	_ =	shalt  }
0x60: {  	_ =	shalt  }
0x61: {  	_ =	shalt  }
0x62: {  	_ =	shalt  }
0x63: {  	_ =	shalt  }
0x64: {  	_ =	shalt  }
0x65: {  	_ =	shalt  }
0x66: {  	_ =	shalt  }
0x67: {  	_ =	shalt  }
0x68: {  	_ =	shalt  }
0x69: {  	_ =	shalt  }
0x6a: {  	_ =	shalt  }
0x6b: {  	_ =	shalt  }
0x6c: {  	_ =	shalt  }
0x6d: {  	_ =	shalt  }
0x6e: {  	_ =	shalt  }
0x6f: {  	_ =	shalt  }
0x70: {  	_ =	shalt  }
0x71: {  	_ =	shalt  }
0x72: {  	_ =	shalt  }
0x73: {  	_ =	shalt  }
0x74: {  	_ =	shalt  }
0x75: {  	_ =	shalt  }
0x76: {  	_ =	shalt  }
0x77: {  	_ =	shalt  }
0x78: {  	_ =	shalt  }
0x79: {  	_ =	shalt  }
0x7a: {  	_ =	shalt  }
0x7b: {  	_ =	shalt  }
0x7c: {  	_ =	shalt  }
0x7d: {  	_ =	shalt  }
0x7e: {  	_ =	shalt  }
0x7f: {  	_ =	shalt  }
0x80: {  	_ =	shalt  }
0x81: {  	_ =	shalt  }
0x82: {  	_ =	shalt  }
0x83: {  	_ =	shalt  }
0x84: {  	_ =	shalt  }
0x85: {  	_ =	shalt  }
0x86: {  	_ =	shalt  }
0x87: {  	_ =	shalt  }
.Lfunc_end0:
.L_simem_size_0:
called_computation_lowered:
.L_overlay_start_0:
0x88: {  	s2 =	sld [smem:$0x3FD9]  }
0x89: {  	s3 =	sld [smem:$0x3FFE];
	_ =	sdelay $0x1  }
0x8a: {  	s1 =	srdreg.scid  }
0x8b: {  	s0 =	sand.u32 $0x1, s1  }
0x8c: {  	s17 =	sshll.u32 s0, $0xA;
	s2 =	sadd.s32 s3, s2  }
0x8d: {  	s2 =	sadd.s32 s2, s17  }
0x8e: {  	[smem:$0x3FC2] =	sst s2  }
0x8f: {  	_ = 	snop  }
0x90: {  	s2 =	sld [smem:$0x3FC9]  }
0x91: {  	s18 =	sld [smem:$0x3FD0];
	(tm) =	ssettm $0x1  }
0x92: {  	s4 =	sld [smem:$0x3FFB];
	_ =	sdelay $0x3  }
0x93: {  	_ =	strace s4  }
0x94: {  	s4 =	sld [smem:$0x3FFC];
	_ =	sdelay $0x3  }
0x95: {  	_ =	strace s4  }
0x96: {  	s4 =	sld [smem:$0x3FFD];
	_ =	sdelay $0x3  }
0x97: {  	_ =	strace s4  }
0x98: {  	_ =	strace $0x8FFFFFFF  }
0x99: {  	s19 =	sld [smem:$0x3FDB];
	_ =	sdelay $0x1  }
0x9a: {  	s5 =	simm.s32 $_scs_section_size  }
0x9b: {  	s6 =	simm.s32 $_size__tile_overlayer_lowered;
	s7 =	simm.s32 $_tile_overlayer_lowered  }
0x9c: {  	s22 =	simm.s32 $0x1BFF;
	s21 =	sshll.u32 s7, $0x1;
	s4 =	sadd.s32 s5, s19  }
0x9d: {  	s8 =	simm.s32 $0x0;
	s20 =	sshll.u32 s6, $0x1;
	s6 =	sadd.s32 s21, s4  }
0x9e: {  	[timem:s8], [sflag:s22] =	dma.local [hbm:s6], s20  }
0x9f: {  	_ =	swait.ge [sflag:s22], s20  }
0xa0: {  	s5 =	ssub.s32 $0x0, s20;
	[sflag:s22] =	ssyncset.done $0x0  }
0xa1: {  	[sflag:s22] =	ssyncadd.s32 s5;
	_ =	sdelay $0x1  }
0xa2: {  	s23 =	simm.s32 $0x1B8B  }
0xa3: {  	_ =	swait.ge [sflag:s23], $0x1  }
0xa4: {  	[sflag:s23] =	ssyncset.done $0x0  }
0xa5: {  	s25 =	simm.s32 $0x1B8E;
	s24 =	sld [smem:$0x3FFE];
	[sflag:s23] =	ssyncadd.s32 $0xFFFFFFFF  }
0xa6: {  	s26 =	simm.s32 $execute0_lowered;
	[smem:$0x3FD2] =	sst s25  }
0xa7: {  	s6 =	sshll.u32 s26, $0x1;
	_ =	strace $0x80000046;
	[dreg:$0x1] =	wrdreg $0xFFFFFFFF  }
0xa8: {  	s28 =	simm.s32 $_size_execute0_lowered;
	s4 =	sadd.s32 s4, s6;
	[dreg:$0x0] =	wrdreg $0x0  }
0xa9: {  	s6 =	sshll.u32 s28, $0x1;
	[dreg:$0x2] =	wrdreg s4  }
0xaa: {  	[dreg:$0x3] =	wrdreg s6  }
0xab: {  	[dreg:$0x4] =	wrdreg $0xC0  }
0xac: {  	_ =	task [dreg:s8], $0x5FFFF  }
0xad: {  	[dreg:$0x1] =	wrdreg $0xFFFFFFFF  }
0xae: {  	[dreg:$0x0] =	wrdreg $0x60  }
0xaf: {  	[dreg:$0x2] =	wrdreg s2  }
0xb0: {  	[dreg:$0x3] =	wrdreg s24  }
0xb1: {  	[dreg:$0x4] =	wrdreg s18  }
0xb2: {  	[dreg:$0x5] =	wrdreg $0x9  }
0xb3: {  	_ =	task.clear_ibuf [dreg:s8], $0x6FFFF;
	_ =	strace $0x90000046  }
0xb4: {  	s29 =	simm.s32 $0x9;
	_ =	strace $0x80000048  }
0xb5: {  	_ =	swait.ge [sflag:s29], $0x1  }
0xb6: {  	[sflag:s29] =	ssyncadd.s32 $0xFFFFFFFF  }
0xb7: {  	_ =	strace $0x90000048  }
0xb8: {  	_ =	sfence  }
0xb9: {  	s30 =	sld [smem:$0x0];
	_ =	sdelay $0x2  }
0xba: {  	s31 =	sshll.u32 s1, $0xD;
	s1 =	sshrl.u32 s1, $0x2  }
0xbb: {  	s3 =	sand.u32 $0x4000, s31;
	s1 =	sadd.s32 s1, s30  }
0xbc: {  	s0 =	sor.u32 s3, s0;
	s1 =	sshll.u32 s1, $0x11  }
0xbd: {  	s0 =	sor.u32 s1, s0  }
0xbe: {  	s0 =	sadd.s32 $0x8F2B, s0  }
0xbf: {  	[sflag:s0] =	ssyncadd.remote.s32 $0x1  }
0xc0: {  	_ =	sfence.sel $0xFFFF  }
0xc1: {  	[dreg:$0x0] =	wrdreg $0xFFFFFFFF;
	(pc) =	sbr.abs _section_cstart, $3  }
0xc2: {  	[dreg:$0x1] =	wrdreg $0xFFFFFFFF  }
0xc3: {  	_ =	task.clear_ibuf [dreg:s8], $0x2FFFF;
	_ =	strace $0x9FFFFFFF  }
0xc4: {  	(tm) =	ssettm $0x7FFFFFFF  }
0xc5: {  	_ =	shalt  }
tec
execute0_lowered:
.L_overlay_start_1:
0x0: {  	(tag) =	ssettag $0x1  }
0x1: {  	s1 =	rddreg [dreg:$0x0]  }
0x2: {  	s0 =	rddreg [dreg:$0x1]  }
0x3: {  	s2 =	rddreg [dreg:$0x2]  }
0x4: {  	s3 =	srdreg.scid;
	s5 =	stileid.u32  }
0x5: {  	s31 =	simm.s32 $0x8080;
	s28 =	simm.s32 $0x3;
	s29 =	simm.s32 $0x2  }
0x6: {  	s30 =	simm.s32 $0x4;
	s4 =	sand.u32 $0x1, s3;
	s3 =	simm.s32 $0x0  }
0x7: {  	s5 =	sshll.u32 s5, $0x8;
	s7 =	sadd.s32 $0x300, s1;
	s6 =	sshll.u32 s4, $0x7  }
0x8: {  	s8 =	sadd.s32 $0x400, s1;
	s9 =	sadd.s32 $0x500, s1;
	s5 =	sor.u32 s6, s5  }
0x9: {  	s10 =	sadd.s32 $0x600, s1;
	s6 =	sshrl.u32 s5, $0x3;
	s5 =	sshll.u32 s5, $0x8  }
0xa: {  	[smem:$0x7FF] =	sst s3;
	s0 =	sadd.s32 s6, s0;
	s2 =	sadd.s32 s2, s5  }
0xb: {  	_ =	strace $0x80000047;
	s0 =	sadd.s32 $0x200, s0;
	[dreg:$0xc] =	wrdreg s2  }
0xc: {  	s11 =	sadd.s32 $0x700, s1;
	s20 =	sadd.s32 $0x1000, s2;
	[dreg:$0x4] =	wrdreg s0  }
0xd: {  	s4 =	ssub.s32 $0x2, s4;
	s21 =	sadd.s32 $0x2000, s2;
	[dreg:$0x5] =	wrdreg s20  }
0xe: {  	s19 =	sshrl.u32 s4, $0x1;
	s22 =	sadd.s32 $0x3000, s2;
	[dreg:$0x6] =	wrdreg s21  }
0xf: {  	s4 =	ssub.s32 s4, s19;
	s23 =	sadd.s32 $0x4000, s2;
	[dreg:$0x7] =	wrdreg s22  }
0x10: {  	s5 =	sadd.s32 $0x100, s1;
	s24 =	sadd.s32 $0x5000, s2;
	[dreg:$0x8] =	wrdreg s23  }
0x11: {  	v2 =	vlaneseq.u32;
	s6 =	sadd.s32 $0x200, s1;
	s25 =	sadd.s32 $0x6000, s2;
	[dreg:$0x9] =	wrdreg s24  }
0x12: {  	vm0 =	vmmov $0xffff;
	v1 =	vshrl.u32 v2, $0x3;
	s12 =	smax.u32 s4, $0x1;
	s26 =	sadd.s32 $0x7000, s2;
	[dreg:$0xa] =	wrdreg s25  }
0x13: {  	v0 =	vand.u32 $0x7, v2;
	v2 =	vor.u32 $0x8, v2;
	v1 =	vmul.u32 $0x8, v1;
	s2 =	simm.s32 $0x80;
	[dreg:$0xb] =	wrdreg s26;
	s26 =	simm.s32 $0x1  }
.LBB2_1:
0x14: {  	s0 =	rddreg [dreg:$0x4];
	s25 =	simm.s32 $0x5  }
0x15: {  	[tilespmem:s3], [sflag:$0x5] =	stream.linear.gather [hbm4b:s0+s3], $0x80, $0x38;
	[tilespmem:$0x10080] =	vst v63  }
0x16: {  	_ =	swait.ge [sflag:s25], $0x80  }
0x17: {  	[sflag:s25] =	ssyncset.done $0x0  }
0x18: {  	[sflag:s25] =	ssyncadd.s32 $0xFFFFFF80  }
0x19: {  	v3 =	vld [tilespmem:$0x0];
	_ =	sdelay $0x4  }
0x1a: {  	v4 =	vshll.u32 v3, $0x4  }
0x1b: {  	v3 =	vand.u32 $0x7, v3;
	v4 =	vand.u32 $0xFFFFFF80, v4  }
0x1c: {  	v3 =	vor.u32 v3, v4  }
0x1d: {  	v4 =	vperm.xlane v3, v0;
	_ =	sdelay $0x1  }
0x1e: {  	v4 =	vadd.s32 v1, v4;
	_ =	sdelay $0x4  }
0x1f: {  	[tilespmem:s2], [sflag:$0x1] =	stream.indirect_vreg.gather [hbm4b:s1+s3], $0x80, v4, vm0, $0xb8;
	[tilespmem:$0x10080] =	vst v63  }
0x20: {  	s4 =	simm.s32 $0x880  }
0x21: {  	[tilespmem:s4], [sflag:$0x1] =	stream.indirect_vreg.gather [hbm4b:s5+s3], $0x80, v4, vm0, $0xb8;
	[tilespmem:$0x10080] =	vst v63  }
0x22: {  	s13 =	simm.s32 $0x1080  }
0x23: {  	[tilespmem:s13], [sflag:$0x1] =	stream.indirect_vreg.gather [hbm4b:s6+s3], $0x80, v4, vm0, $0xb8;
	[tilespmem:$0x10080] =	vst v63  }
0x24: {  	s14 =	simm.s32 $0x1880  }
0x25: {  	[tilespmem:s14], [sflag:$0x1] =	stream.indirect_vreg.gather [hbm4b:s7+s3], $0x80, v4, vm0, $0xb8;
	[tilespmem:$0x10080] =	vst v63  }
0x26: {  	s15 =	simm.s32 $0x2080  }
0x27: {  	[tilespmem:s15], [sflag:$0x1] =	stream.indirect_vreg.gather [hbm4b:s8+s3], $0x80, v4, vm0, $0xb8;
	[tilespmem:$0x10080] =	vst v63  }
0x28: {  	s16 =	simm.s32 $0x2880;
	v3 =	vperm.xlane v3, v2  }
0x29: {  	[tilespmem:s16], [sflag:$0x1] =	stream.indirect_vreg.gather [hbm4b:s9+s3], $0x80, v4, vm0, $0xb8;
	[tilespmem:$0x10080] =	vst v63  }
0x2a: {  	s17 =	simm.s32 $0x3080;
	v3 =	vadd.s32 v1, v3  }
0x2b: {  	[tilespmem:s17], [sflag:$0x1] =	stream.indirect_vreg.gather [hbm4b:s10+s3], $0x80, v4, vm0, $0xb8;
	[tilespmem:$0x10080] =	vst v63  }
0x2c: {  	s18 =	simm.s32 $0x3880  }
0x2d: {  	[tilespmem:s18], [sflag:$0x1] =	stream.indirect_vreg.gather [hbm4b:s11+s3], $0x80, v4, vm0, $0xb8;
	[tilespmem:$0x10080] =	vst v63  }
0x2e: {  	s19 =	simm.s32 $0x4080  }
0x2f: {  	[tilespmem:s19], [sflag:$0x1] =	stream.indirect_vreg.gather [hbm4b:s1+s3], $0x80, v3, vm0, $0xb8;
	[tilespmem:$0x10080] =	vst v63  }
0x30: {  	s20 =	simm.s32 $0x4880  }
0x31: {  	[tilespmem:s20], [sflag:$0x1] =	stream.indirect_vreg.gather [hbm4b:s5+s3], $0x80, v3, vm0, $0xb8;
	[tilespmem:$0x10080] =	vst v63  }
0x32: {  	s21 =	simm.s32 $0x5080  }
0x33: {  	[tilespmem:s21], [sflag:$0x1] =	stream.indirect_vreg.gather [hbm4b:s6+s3], $0x80, v3, vm0, $0xb8;
	[tilespmem:$0x10080] =	vst v63  }
0x34: {  	s22 =	simm.s32 $0x5880  }
0x35: {  	[tilespmem:s22], [sflag:$0x1] =	stream.indirect_vreg.gather [hbm4b:s7+s3], $0x80, v3, vm0, $0xb8;
	[tilespmem:$0x10080] =	vst v63  }
0x36: {  	s23 =	simm.s32 $0x6080  }
0x37: {  	[tilespmem:s23], [sflag:$0x1] =	stream.indirect_vreg.gather [hbm4b:s8+s3], $0x80, v3, vm0, $0xb8;
	[tilespmem:$0x10080] =	vst v63  }
0x38: {  	s24 =	simm.s32 $0x6880  }
0x39: {  	[tilespmem:s24], [sflag:$0x1] =	stream.indirect_vreg.gather [hbm4b:s9+s3], $0x80, v3, vm0, $0xb8;
	[tilespmem:$0x10080] =	vst v63  }
0x3a: {  	s25 =	simm.s32 $0x7080  }
0x3b: {  	[tilespmem:s25], [sflag:$0x1] =	stream.indirect_vreg.gather [hbm4b:s10+s3], $0x80, v3, vm0, $0xb8;
	[tilespmem:$0x10080] =	vst v63  }
0x3c: {  	s4 =	simm.s32 $0x7880  }
0x3d: {  	[tilespmem:s4], [sflag:$0x1] =	stream.indirect_vreg.gather [hbm4b:s11+s3], $0x80, v3, vm0, $0xb8;
	[tilespmem:$0x10080] =	vst v63  }
0x3e: {  	v3 =	vld [tilespmem:$0x10];
	_ =	sdelay $0x4  }
0x3f: {  	v57 =	vshll.u32 v3, $0x4  }
0x40: {  	v3 =	vand.u32 $0x7, v3;
	v4 =	vand.u32 $0xFFFFFF80, v57  }
0x41: {  	v3 =	vor.u32 v3, v4  }
0x42: {  	v4 =	vperm.xlane v3, v0;
	_ =	sdelay $0x1  }
0x43: {  	v4 =	vadd.s32 v1, v4;
	_ =	sdelay $0x4  }
0x44: {  	[tilespmem:s31], [sflag:$0x2] =	stream.indirect_vreg.gather [hbm4b:s1+s3], $0x80, v4, vm0, $0xb8;
	[tilespmem:$0x10080] =	vst v63  }
0x45: {  	s0 =	simm.s32 $0x8880  }
0x46: {  	[tilespmem:s0], [sflag:$0x2] =	stream.indirect_vreg.gather [hbm4b:s5+s3], $0x80, v4, vm0, $0xb8;
	[tilespmem:$0x10080] =	vst v63  }
0x47: {  	s0 =	simm.s32 $0x9080  }
0x48: {  	[tilespmem:s0], [sflag:$0x2] =	stream.indirect_vreg.gather [hbm4b:s6+s3], $0x80, v4, vm0, $0xb8;
	[tilespmem:$0x10080] =	vst v63  }
0x49: {  	s0 =	simm.s32 $0x9880  }
0x4a: {  	[tilespmem:s0], [sflag:$0x2] =	stream.indirect_vreg.gather [hbm4b:s7+s3], $0x80, v4, vm0, $0xb8;
	[tilespmem:$0x10080] =	vst v63  }
0x4b: {  	s0 =	simm.s32 $0xA080  }
0x4c: {  	[tilespmem:s0], [sflag:$0x2] =	stream.indirect_vreg.gather [hbm4b:s8+s3], $0x80, v4, vm0, $0xb8;
	[tilespmem:$0x10080] =	vst v63  }
0x4d: {  	v3 =	vperm.xlane v3, v2;
	s0 =	simm.s32 $0xA880  }
0x4e: {  	[tilespmem:s0], [sflag:$0x2] =	stream.indirect_vreg.gather [hbm4b:s9+s3], $0x80, v4, vm0, $0xb8;
	[tilespmem:$0x10080] =	vst v63  }
0x4f: {  	v3 =	vadd.s32 v1, v3;
	s0 =	simm.s32 $0xB080  }
0x50: {  	[tilespmem:s0], [sflag:$0x2] =	stream.indirect_vreg.gather [hbm4b:s10+s3], $0x80, v4, vm0, $0xb8;
	[tilespmem:$0x10080] =	vst v63  }
0x51: {  	s0 =	simm.s32 $0xB880  }
0x52: {  	[tilespmem:s0], [sflag:$0x2] =	stream.indirect_vreg.gather [hbm4b:s11+s3], $0x80, v4, vm0, $0xb8;
	[tilespmem:$0x10080] =	vst v63  }
0x53: {  	s0 =	simm.s32 $0xC080  }
0x54: {  	[tilespmem:s0], [sflag:$0x2] =	stream.indirect_vreg.gather [hbm4b:s1+s3], $0x80, v3, vm0, $0xb8;
	[tilespmem:$0x10080] =	vst v63  }
0x55: {  	s0 =	simm.s32 $0xC880  }
0x56: {  	[tilespmem:s0], [sflag:$0x2] =	stream.indirect_vreg.gather [hbm4b:s5+s3], $0x80, v3, vm0, $0xb8;
	[tilespmem:$0x10080] =	vst v63  }
0x57: {  	s0 =	simm.s32 $0xD080  }
0x58: {  	[tilespmem:s0], [sflag:$0x2] =	stream.indirect_vreg.gather [hbm4b:s6+s3], $0x80, v3, vm0, $0xb8;
	[tilespmem:$0x10080] =	vst v63  }
0x59: {  	s0 =	simm.s32 $0xD880  }
0x5a: {  	[tilespmem:s0], [sflag:$0x2] =	stream.indirect_vreg.gather [hbm4b:s7+s3], $0x80, v3, vm0, $0xb8;
	[tilespmem:$0x10080] =	vst v63  }
0x5b: {  	s0 =	simm.s32 $0xE080  }
0x5c: {  	[tilespmem:s0], [sflag:$0x2] =	stream.indirect_vreg.gather [hbm4b:s8+s3], $0x80, v3, vm0, $0xb8;
	[tilespmem:$0x10080] =	vst v63  }
0x5d: {  	s0 =	simm.s32 $0xE880  }
0x5e: {  	[tilespmem:s0], [sflag:$0x2] =	stream.indirect_vreg.gather [hbm4b:s9+s3], $0x80, v3, vm0, $0xb8;
	[tilespmem:$0x10080] =	vst v63  }
0x5f: {  	s0 =	simm.s32 $0xF080  }
0x60: {  	[tilespmem:s0], [sflag:$0x2] =	stream.indirect_vreg.gather [hbm4b:s10+s3], $0x80, v3, vm0, $0xb8;
	[tilespmem:$0x10080] =	vst v63  }
0x61: {  	s0 =	simm.s32 $0xF880  }
0x62: {  	[tilespmem:s0], [sflag:$0x2] =	stream.indirect_vreg.gather [hbm4b:s11+s3], $0x80, v3, vm0, $0xb8;
	[tilespmem:$0x10080] =	vst v63  }
0x63: {  	_ =	swait.ge [sflag:s26], $0x8000  }
0x64: {  	[sflag:s26] =	ssyncset.done $0x0  }
0x65: {  	s0 =	rddreg [dreg:$0xc];
	[sflag:s26] =	ssyncadd.s32 $0xFFFF8000  }
0x66: {  	[hbm4b:s0+s3] =	stream.linear.scatter [tilespmem:s2], [sflag:$0x3], $0x8000, $0x38;
	[tilespmem:$0x10080] =	vst v63  }
0x67: {  	_ =	swait.ge [sflag:s28], $0x8000  }
0x68: {  	[sflag:s28] =	ssyncset.done $0x0  }
0x69: {  	[sflag:s28] =	ssyncadd.s32 $0xFFFF8000  }
0x6a: {  	v3 =	vld [tilespmem:$0x20];
	_ =	sdelay $0x4  }
0x6b: {  	v58 =	vshll.u32 v3, $0x4  }
0x6c: {  	v3 =	vand.u32 $0x7, v3;
	v4 =	vand.u32 $0xFFFFFF80, v58  }
0x6d: {  	v3 =	vor.u32 v3, v4  }
0x6e: {  	v4 =	vperm.xlane v3, v0;
	_ =	sdelay $0x1  }
0x6f: {  	v4 =	vadd.s32 v1, v4;
	_ =	sdelay $0x4  }
0x70: {  	[tilespmem:s2], [sflag:$0x1] =	stream.indirect_vreg.gather [hbm4b:s1+s3], $0x80, v4, vm0, $0xb8;
	[tilespmem:$0x10080] =	vst v63  }
0x71: {  	s0 =	simm.s32 $0x880  }
0x72: {  	[tilespmem:s0], [sflag:$0x1] =	stream.indirect_vreg.gather [hbm4b:s5+s3], $0x80, v4, vm0, $0xb8;
	[tilespmem:$0x10080] =	vst v63  }
0x73: {  	s13 =	simm.s32 $0x1080  }
0x74: {  	[tilespmem:s13], [sflag:$0x1] =	stream.indirect_vreg.gather [hbm4b:s6+s3], $0x80, v4, vm0, $0xb8;
	[tilespmem:$0x10080] =	vst v63  }
0x75: {  	s14 =	simm.s32 $0x1880  }
0x76: {  	[tilespmem:s14], [sflag:$0x1] =	stream.indirect_vreg.gather [hbm4b:s7+s3], $0x80, v4, vm0, $0xb8;
	[tilespmem:$0x10080] =	vst v63  }
0x77: {  	s15 =	simm.s32 $0x2080  }
0x78: {  	[tilespmem:s15], [sflag:$0x1] =	stream.indirect_vreg.gather [hbm4b:s8+s3], $0x80, v4, vm0, $0xb8;
	[tilespmem:$0x10080] =	vst v63  }
0x79: {  	s16 =	simm.s32 $0x2880;
	v3 =	vperm.xlane v3, v2  }
0x7a: {  	[tilespmem:s16], [sflag:$0x1] =	stream.indirect_vreg.gather [hbm4b:s9+s3], $0x80, v4, vm0, $0xb8;
	[tilespmem:$0x10080] =	vst v63  }
0x7b: {  	s17 =	simm.s32 $0x3080;
	v3 =	vadd.s32 v1, v3  }
0x7c: {  	[tilespmem:s17], [sflag:$0x1] =	stream.indirect_vreg.gather [hbm4b:s10+s3], $0x80, v4, vm0, $0xb8;
	[tilespmem:$0x10080] =	vst v63  }
0x7d: {  	s18 =	simm.s32 $0x3880  }
0x7e: {  	[tilespmem:s18], [sflag:$0x1] =	stream.indirect_vreg.gather [hbm4b:s11+s3], $0x80, v4, vm0, $0xb8;
	[tilespmem:$0x10080] =	vst v63  }
0x7f: {  	s19 =	simm.s32 $0x4080  }
0x80: {  	[tilespmem:s19], [sflag:$0x1] =	stream.indirect_vreg.gather [hbm4b:s1+s3], $0x80, v3, vm0, $0xb8;
	[tilespmem:$0x10080] =	vst v63  }
0x81: {  	s20 =	simm.s32 $0x4880  }
0x82: {  	[tilespmem:s20], [sflag:$0x1] =	stream.indirect_vreg.gather [hbm4b:s5+s3], $0x80, v3, vm0, $0xb8;
	[tilespmem:$0x10080] =	vst v63  }
0x83: {  	s21 =	simm.s32 $0x5080  }
0x84: {  	[tilespmem:s21], [sflag:$0x1] =	stream.indirect_vreg.gather [hbm4b:s6+s3], $0x80, v3, vm0, $0xb8;
	[tilespmem:$0x10080] =	vst v63  }
0x85: {  	s22 =	simm.s32 $0x5880  }
0x86: {  	[tilespmem:s22], [sflag:$0x1] =	stream.indirect_vreg.gather [hbm4b:s7+s3], $0x80, v3, vm0, $0xb8;
	[tilespmem:$0x10080] =	vst v63  }
0x87: {  	s23 =	simm.s32 $0x6080  }
0x88: {  	[tilespmem:s23], [sflag:$0x1] =	stream.indirect_vreg.gather [hbm4b:s8+s3], $0x80, v3, vm0, $0xb8;
	[tilespmem:$0x10080] =	vst v63  }
0x89: {  	s24 =	simm.s32 $0x6880  }
0x8a: {  	[tilespmem:s24], [sflag:$0x1] =	stream.indirect_vreg.gather [hbm4b:s9+s3], $0x80, v3, vm0, $0xb8;
	[tilespmem:$0x10080] =	vst v63  }
0x8b: {  	s25 =	simm.s32 $0x7080  }
0x8c: {  	[tilespmem:s25], [sflag:$0x1] =	stream.indirect_vreg.gather [hbm4b:s10+s3], $0x80, v3, vm0, $0xb8;
	[tilespmem:$0x10080] =	vst v63  }
0x8d: {  	s4 =	simm.s32 $0x7880  }
0x8e: {  	[tilespmem:s4], [sflag:$0x1] =	stream.indirect_vreg.gather [hbm4b:s11+s3], $0x80, v3, vm0, $0xb8;
	[tilespmem:$0x10080] =	vst v63  }
0x8f: {  	_ =	swait.ge [sflag:s29], $0x8000  }
0x90: {  	[sflag:s29] =	ssyncset.done $0x0  }
0x91: {  	s20 =	rddreg [dreg:$0x5];
	[sflag:s29] =	ssyncadd.s32 $0xFFFF8000  }
0x92: {  	[hbm4b:s20+s3] =	stream.linear.scatter [tilespmem:s31], [sflag:$0x4], $0x8000, $0x38;
	[tilespmem:$0x10080] =	vst v63  }
0x93: {  	_ =	swait.ge [sflag:s30], $0x8000  }
0x94: {  	[sflag:s30] =	ssyncset.done $0x0  }
0x95: {  	[sflag:s30] =	ssyncadd.s32 $0xFFFF8000  }
0x96: {  	v3 =	vld [tilespmem:$0x30];
	_ =	sdelay $0x4  }
0x97: {  	v59 =	vshll.u32 v3, $0x4  }
0x98: {  	v3 =	vand.u32 $0x7, v3;
	v4 =	vand.u32 $0xFFFFFF80, v59  }
0x99: {  	v3 =	vor.u32 v3, v4  }
0x9a: {  	v4 =	vperm.xlane v3, v0;
	_ =	sdelay $0x1  }
0x9b: {  	v4 =	vadd.s32 v1, v4;
	_ =	sdelay $0x4  }
0x9c: {  	[tilespmem:s31], [sflag:$0x2] =	stream.indirect_vreg.gather [hbm4b:s1+s3], $0x80, v4, vm0, $0xb8;
	[tilespmem:$0x10080] =	vst v63  }
0x9d: {  	s21 =	simm.s32 $0x8880  }
0x9e: {  	[tilespmem:s21], [sflag:$0x2] =	stream.indirect_vreg.gather [hbm4b:s5+s3], $0x80, v4, vm0, $0xb8;
	[tilespmem:$0x10080] =	vst v63  }
0x9f: {  	s22 =	simm.s32 $0x9080  }
0xa0: {  	[tilespmem:s22], [sflag:$0x2] =	stream.indirect_vreg.gather [hbm4b:s6+s3], $0x80, v4, vm0, $0xb8;
	[tilespmem:$0x10080] =	vst v63  }
0xa1: {  	s23 =	simm.s32 $0x9880  }
0xa2: {  	[tilespmem:s23], [sflag:$0x2] =	stream.indirect_vreg.gather [hbm4b:s7+s3], $0x80, v4, vm0, $0xb8;
	[tilespmem:$0x10080] =	vst v63  }
0xa3: {  	s24 =	simm.s32 $0xA080  }
0xa4: {  	[tilespmem:s24], [sflag:$0x2] =	stream.indirect_vreg.gather [hbm4b:s8+s3], $0x80, v4, vm0, $0xb8;
	[tilespmem:$0x10080] =	vst v63  }
0xa5: {  	s25 =	simm.s32 $0xA880;
	v3 =	vperm.xlane v3, v2  }
0xa6: {  	[tilespmem:s25], [sflag:$0x2] =	stream.indirect_vreg.gather [hbm4b:s9+s3], $0x80, v4, vm0, $0xb8;
	[tilespmem:$0x10080] =	vst v63  }
0xa7: {  	s14 =	simm.s32 $0xB080;
	v3 =	vadd.s32 v1, v3  }
0xa8: {  	[tilespmem:s14], [sflag:$0x2] =	stream.indirect_vreg.gather [hbm4b:s10+s3], $0x80, v4, vm0, $0xb8;
	[tilespmem:$0x10080] =	vst v63  }
0xa9: {  	s15 =	simm.s32 $0xB880  }
0xaa: {  	[tilespmem:s15], [sflag:$0x2] =	stream.indirect_vreg.gather [hbm4b:s11+s3], $0x80, v4, vm0, $0xb8;
	[tilespmem:$0x10080] =	vst v63  }
0xab: {  	s16 =	simm.s32 $0xC080  }
0xac: {  	[tilespmem:s16], [sflag:$0x2] =	stream.indirect_vreg.gather [hbm4b:s1+s3], $0x80, v3, vm0, $0xb8;
	[tilespmem:$0x10080] =	vst v63  }
0xad: {  	s17 =	simm.s32 $0xC880  }
0xae: {  	[tilespmem:s17], [sflag:$0x2] =	stream.indirect_vreg.gather [hbm4b:s5+s3], $0x80, v3, vm0, $0xb8;
	[tilespmem:$0x10080] =	vst v63  }
0xaf: {  	s18 =	simm.s32 $0xD080  }
0xb0: {  	[tilespmem:s18], [sflag:$0x2] =	stream.indirect_vreg.gather [hbm4b:s6+s3], $0x80, v3, vm0, $0xb8;
	[tilespmem:$0x10080] =	vst v63  }
0xb1: {  	s19 =	simm.s32 $0xD880  }
0xb2: {  	[tilespmem:s19], [sflag:$0x2] =	stream.indirect_vreg.gather [hbm4b:s7+s3], $0x80, v3, vm0, $0xb8;
	[tilespmem:$0x10080] =	vst v63  }
0xb3: {  	s20 =	simm.s32 $0xE080  }
0xb4: {  	[tilespmem:s20], [sflag:$0x2] =	stream.indirect_vreg.gather [hbm4b:s8+s3], $0x80, v3, vm0, $0xb8;
	[tilespmem:$0x10080] =	vst v63  }
0xb5: {  	s21 =	simm.s32 $0xE880  }
0xb6: {  	[tilespmem:s21], [sflag:$0x2] =	stream.indirect_vreg.gather [hbm4b:s9+s3], $0x80, v3, vm0, $0xb8;
	[tilespmem:$0x10080] =	vst v63  }
0xb7: {  	s22 =	simm.s32 $0xF080  }
0xb8: {  	[tilespmem:s22], [sflag:$0x2] =	stream.indirect_vreg.gather [hbm4b:s10+s3], $0x80, v3, vm0, $0xb8;
	[tilespmem:$0x10080] =	vst v63  }
0xb9: {  	s25 =	simm.s32 $0xF880  }
0xba: {  	[tilespmem:s25], [sflag:$0x2] =	stream.indirect_vreg.gather [hbm4b:s11+s3], $0x80, v3, vm0, $0xb8;
	[tilespmem:$0x10080] =	vst v63  }
0xbb: {  	_ =	swait.ge [sflag:s26], $0x8000  }
0xbc: {  	[sflag:s26] =	ssyncset.done $0x0  }
0xbd: {  	s0 =	rddreg [dreg:$0x6];
	[sflag:s26] =	ssyncadd.s32 $0xFFFF8000  }
0xbe: {  	[hbm4b:s0+s3] =	stream.linear.scatter [tilespmem:s2], [sflag:$0x3], $0x8000, $0x38;
	[tilespmem:$0x10080] =	vst v63  }
0xbf: {  	_ =	swait.ge [sflag:s28], $0x8000  }
0xc0: {  	[sflag:s28] =	ssyncset.done $0x0  }
0xc1: {  	[sflag:s28] =	ssyncadd.s32 $0xFFFF8000  }
0xc2: {  	v3 =	vld [tilespmem:$0x40];
	_ =	sdelay $0x4  }
0xc3: {  	v60 =	vshll.u32 v3, $0x4  }
0xc4: {  	v3 =	vand.u32 $0x7, v3;
	v4 =	vand.u32 $0xFFFFFF80, v60  }
0xc5: {  	v3 =	vor.u32 v3, v4  }
0xc6: {  	v4 =	vperm.xlane v3, v0;
	_ =	sdelay $0x1  }
0xc7: {  	v4 =	vadd.s32 v1, v4;
	_ =	sdelay $0x4  }
0xc8: {  	[tilespmem:s2], [sflag:$0x1] =	stream.indirect_vreg.gather [hbm4b:s1+s3], $0x80, v4, vm0, $0xb8;
	[tilespmem:$0x10080] =	vst v63  }
0xc9: {  	s0 =	simm.s32 $0x880  }
0xca: {  	[tilespmem:s0], [sflag:$0x1] =	stream.indirect_vreg.gather [hbm4b:s5+s3], $0x80, v4, vm0, $0xb8;
	[tilespmem:$0x10080] =	vst v63  }
0xcb: {  	s0 =	simm.s32 $0x1080  }
0xcc: {  	[tilespmem:s0], [sflag:$0x1] =	stream.indirect_vreg.gather [hbm4b:s6+s3], $0x80, v4, vm0, $0xb8;
	[tilespmem:$0x10080] =	vst v63  }
0xcd: {  	s0 =	simm.s32 $0x1880  }
0xce: {  	[tilespmem:s0], [sflag:$0x1] =	stream.indirect_vreg.gather [hbm4b:s7+s3], $0x80, v4, vm0, $0xb8;
	[tilespmem:$0x10080] =	vst v63  }
0xcf: {  	s0 =	simm.s32 $0x2080  }
0xd0: {  	[tilespmem:s0], [sflag:$0x1] =	stream.indirect_vreg.gather [hbm4b:s8+s3], $0x80, v4, vm0, $0xb8;
	[tilespmem:$0x10080] =	vst v63  }
0xd1: {  	v3 =	vperm.xlane v3, v2;
	s0 =	simm.s32 $0x2880  }
0xd2: {  	[tilespmem:s0], [sflag:$0x1] =	stream.indirect_vreg.gather [hbm4b:s9+s3], $0x80, v4, vm0, $0xb8;
	[tilespmem:$0x10080] =	vst v63  }
0xd3: {  	v3 =	vadd.s32 v1, v3;
	s0 =	simm.s32 $0x3080  }
0xd4: {  	[tilespmem:s0], [sflag:$0x1] =	stream.indirect_vreg.gather [hbm4b:s10+s3], $0x80, v4, vm0, $0xb8;
	[tilespmem:$0x10080] =	vst v63  }
0xd5: {  	s0 =	simm.s32 $0x3880  }
0xd6: {  	[tilespmem:s0], [sflag:$0x1] =	stream.indirect_vreg.gather [hbm4b:s11+s3], $0x80, v4, vm0, $0xb8;
	[tilespmem:$0x10080] =	vst v63  }
0xd7: {  	s0 =	simm.s32 $0x4080  }
0xd8: {  	[tilespmem:s0], [sflag:$0x1] =	stream.indirect_vreg.gather [hbm4b:s1+s3], $0x80, v3, vm0, $0xb8;
	[tilespmem:$0x10080] =	vst v63  }
0xd9: {  	s0 =	simm.s32 $0x4880  }
0xda: {  	[tilespmem:s0], [sflag:$0x1] =	stream.indirect_vreg.gather [hbm4b:s5+s3], $0x80, v3, vm0, $0xb8;
	[tilespmem:$0x10080] =	vst v63  }
0xdb: {  	s0 =	simm.s32 $0x5080  }
0xdc: {  	[tilespmem:s0], [sflag:$0x1] =	stream.indirect_vreg.gather [hbm4b:s6+s3], $0x80, v3, vm0, $0xb8;
	[tilespmem:$0x10080] =	vst v63  }
0xdd: {  	s0 =	simm.s32 $0x5880  }
0xde: {  	[tilespmem:s0], [sflag:$0x1] =	stream.indirect_vreg.gather [hbm4b:s7+s3], $0x80, v3, vm0, $0xb8;
	[tilespmem:$0x10080] =	vst v63  }
0xdf: {  	s0 =	simm.s32 $0x6080  }
0xe0: {  	[tilespmem:s0], [sflag:$0x1] =	stream.indirect_vreg.gather [hbm4b:s8+s3], $0x80, v3, vm0, $0xb8;
	[tilespmem:$0x10080] =	vst v63  }
0xe1: {  	s0 =	simm.s32 $0x6880  }
0xe2: {  	[tilespmem:s0], [sflag:$0x1] =	stream.indirect_vreg.gather [hbm4b:s9+s3], $0x80, v3, vm0, $0xb8;
	[tilespmem:$0x10080] =	vst v63  }
0xe3: {  	s0 =	simm.s32 $0x7080  }
0xe4: {  	[tilespmem:s0], [sflag:$0x1] =	stream.indirect_vreg.gather [hbm4b:s10+s3], $0x80, v3, vm0, $0xb8;
	[tilespmem:$0x10080] =	vst v63  }
0xe5: {  	s0 =	simm.s32 $0x7880  }
0xe6: {  	[tilespmem:s0], [sflag:$0x1] =	stream.indirect_vreg.gather [hbm4b:s11+s3], $0x80, v3, vm0, $0xb8;
	[tilespmem:$0x10080] =	vst v63  }
0xe7: {  	_ =	swait.ge [sflag:s29], $0x8000  }
0xe8: {  	[sflag:s29] =	ssyncset.done $0x0  }
0xe9: {  	s0 =	rddreg [dreg:$0x7];
	[sflag:s29] =	ssyncadd.s32 $0xFFFF8000  }
0xea: {  	[hbm4b:s0+s3] =	stream.linear.scatter [tilespmem:s31], [sflag:$0x4], $0x8000, $0x38;
	[tilespmem:$0x10080] =	vst v63  }
0xeb: {  	_ =	swait.ge [sflag:s30], $0x8000  }
0xec: {  	[sflag:s30] =	ssyncset.done $0x0  }
0xed: {  	[sflag:s30] =	ssyncadd.s32 $0xFFFF8000  }
0xee: {  	v3 =	vld [tilespmem:$0x50];
	_ =	sdelay $0x4  }
0xef: {  	v61 =	vshll.u32 v3, $0x4  }
0xf0: {  	v3 =	vand.u32 $0x7, v3;
	v4 =	vand.u32 $0xFFFFFF80, v61  }
0xf1: {  	v3 =	vor.u32 v3, v4  }
0xf2: {  	v4 =	vperm.xlane v3, v0;
	_ =	sdelay $0x1  }
0xf3: {  	v4 =	vadd.s32 v1, v4;
	_ =	sdelay $0x4  }
0xf4: {  	[tilespmem:s31], [sflag:$0x2] =	stream.indirect_vreg.gather [hbm4b:s1+s3], $0x80, v4, vm0, $0xb8;
	[tilespmem:$0x10080] =	vst v63  }
0xf5: {  	s13 =	simm.s32 $0x8880  }
0xf6: {  	[tilespmem:s13], [sflag:$0x2] =	stream.indirect_vreg.gather [hbm4b:s5+s3], $0x80, v4, vm0, $0xb8;
	[tilespmem:$0x10080] =	vst v63  }
0xf7: {  	s0 =	simm.s32 $0x9080  }
0xf8: {  	[tilespmem:s0], [sflag:$0x2] =	stream.indirect_vreg.gather [hbm4b:s6+s3], $0x80, v4, vm0, $0xb8;
	[tilespmem:$0x10080] =	vst v63  }
0xf9: {  	s4 =	simm.s32 $0x9880  }
0xfa: {  	[tilespmem:s4], [sflag:$0x2] =	stream.indirect_vreg.gather [hbm4b:s7+s3], $0x80, v4, vm0, $0xb8;
	[tilespmem:$0x10080] =	vst v63  }
0xfb: {  	s23 =	simm.s32 $0xA080  }
0xfc: {  	[tilespmem:s23], [sflag:$0x2] =	stream.indirect_vreg.gather [hbm4b:s8+s3], $0x80, v4, vm0, $0xb8;
	[tilespmem:$0x10080] =	vst v63  }
0xfd: {  	s24 =	simm.s32 $0xA880;
	v3 =	vperm.xlane v3, v2  }
0xfe: {  	[tilespmem:s24], [sflag:$0x2] =	stream.indirect_vreg.gather [hbm4b:s9+s3], $0x80, v4, vm0, $0xb8;
	[tilespmem:$0x10080] =	vst v63  }
0xff: {  	s14 =	simm.s32 $0xB080;
	v3 =	vadd.s32 v1, v3  }
0x100: {  	[tilespmem:s14], [sflag:$0x2] =	stream.indirect_vreg.gather [hbm4b:s10+s3], $0x80, v4, vm0, $0xb8;
	[tilespmem:$0x10080] =	vst v63  }
0x101: {  	s15 =	simm.s32 $0xB880  }
0x102: {  	[tilespmem:s15], [sflag:$0x2] =	stream.indirect_vreg.gather [hbm4b:s11+s3], $0x80, v4, vm0, $0xb8;
	[tilespmem:$0x10080] =	vst v63  }
0x103: {  	s16 =	simm.s32 $0xC080  }
0x104: {  	[tilespmem:s16], [sflag:$0x2] =	stream.indirect_vreg.gather [hbm4b:s1+s3], $0x80, v3, vm0, $0xb8;
	[tilespmem:$0x10080] =	vst v63  }
0x105: {  	s17 =	simm.s32 $0xC880  }
0x106: {  	[tilespmem:s17], [sflag:$0x2] =	stream.indirect_vreg.gather [hbm4b:s5+s3], $0x80, v3, vm0, $0xb8;
	[tilespmem:$0x10080] =	vst v63  }
0x107: {  	s18 =	simm.s32 $0xD080  }
0x108: {  	[tilespmem:s18], [sflag:$0x2] =	stream.indirect_vreg.gather [hbm4b:s6+s3], $0x80, v3, vm0, $0xb8;
	[tilespmem:$0x10080] =	vst v63  }
0x109: {  	s19 =	simm.s32 $0xD880  }
0x10a: {  	[tilespmem:s19], [sflag:$0x2] =	stream.indirect_vreg.gather [hbm4b:s7+s3], $0x80, v3, vm0, $0xb8;
	[tilespmem:$0x10080] =	vst v63  }
0x10b: {  	s20 =	simm.s32 $0xE080  }
0x10c: {  	[tilespmem:s20], [sflag:$0x2] =	stream.indirect_vreg.gather [hbm4b:s8+s3], $0x80, v3, vm0, $0xb8;
	[tilespmem:$0x10080] =	vst v63  }
0x10d: {  	s21 =	simm.s32 $0xE880  }
0x10e: {  	[tilespmem:s21], [sflag:$0x2] =	stream.indirect_vreg.gather [hbm4b:s9+s3], $0x80, v3, vm0, $0xb8;
	[tilespmem:$0x10080] =	vst v63  }
0x10f: {  	s22 =	simm.s32 $0xF080  }
0x110: {  	[tilespmem:s22], [sflag:$0x2] =	stream.indirect_vreg.gather [hbm4b:s10+s3], $0x80, v3, vm0, $0xb8;
	[tilespmem:$0x10080] =	vst v63  }
0x111: {  	s25 =	simm.s32 $0xF880  }
0x112: {  	[tilespmem:s25], [sflag:$0x2] =	stream.indirect_vreg.gather [hbm4b:s11+s3], $0x80, v3, vm0, $0xb8;
	[tilespmem:$0x10080] =	vst v63  }
0x113: {  	_ =	swait.ge [sflag:s26], $0x8000  }
0x114: {  	[sflag:s26] =	ssyncset.done $0x0  }
0x115: {  	s0 =	rddreg [dreg:$0x8];
	[sflag:s26] =	ssyncadd.s32 $0xFFFF8000  }
0x116: {  	[hbm4b:s0+s3] =	stream.linear.scatter [tilespmem:s2], [sflag:$0x3], $0x8000, $0x38;
	[tilespmem:$0x10080] =	vst v63  }
0x117: {  	_ =	swait.ge [sflag:s28], $0x8000  }
0x118: {  	[sflag:s28] =	ssyncset.done $0x0  }
0x119: {  	[sflag:s28] =	ssyncadd.s32 $0xFFFF8000  }
0x11a: {  	v3 =	vld [tilespmem:$0x60];
	_ =	sdelay $0x4  }
0x11b: {  	v62 =	vshll.u32 v3, $0x4  }
0x11c: {  	v3 =	vand.u32 $0x7, v3;
	v4 =	vand.u32 $0xFFFFFF80, v62  }
0x11d: {  	v3 =	vor.u32 v3, v4  }
0x11e: {  	v4 =	vperm.xlane v3, v0;
	_ =	sdelay $0x1  }
0x11f: {  	v4 =	vadd.s32 v1, v4;
	_ =	sdelay $0x4  }
0x120: {  	[tilespmem:s2], [sflag:$0x1] =	stream.indirect_vreg.gather [hbm4b:s1+s3], $0x80, v4, vm0, $0xb8;
	[tilespmem:$0x10080] =	vst v63  }
0x121: {  	s0 =	simm.s32 $0x880  }
0x122: {  	[tilespmem:s0], [sflag:$0x1] =	stream.indirect_vreg.gather [hbm4b:s5+s3], $0x80, v4, vm0, $0xb8;
	[tilespmem:$0x10080] =	vst v63  }
0x123: {  	s0 =	simm.s32 $0x1080  }
0x124: {  	[tilespmem:s0], [sflag:$0x1] =	stream.indirect_vreg.gather [hbm4b:s6+s3], $0x80, v4, vm0, $0xb8;
	[tilespmem:$0x10080] =	vst v63  }
0x125: {  	s0 =	simm.s32 $0x1880  }
0x126: {  	[tilespmem:s0], [sflag:$0x1] =	stream.indirect_vreg.gather [hbm4b:s7+s3], $0x80, v4, vm0, $0xb8;
	[tilespmem:$0x10080] =	vst v63  }
0x127: {  	s0 =	simm.s32 $0x2080  }
0x128: {  	[tilespmem:s0], [sflag:$0x1] =	stream.indirect_vreg.gather [hbm4b:s8+s3], $0x80, v4, vm0, $0xb8;
	[tilespmem:$0x10080] =	vst v63  }
0x129: {  	v3 =	vperm.xlane v3, v2;
	s0 =	simm.s32 $0x2880  }
0x12a: {  	[tilespmem:s0], [sflag:$0x1] =	stream.indirect_vreg.gather [hbm4b:s9+s3], $0x80, v4, vm0, $0xb8;
	[tilespmem:$0x10080] =	vst v63  }
0x12b: {  	v3 =	vadd.s32 v1, v3;
	s0 =	simm.s32 $0x3080  }
0x12c: {  	[tilespmem:s0], [sflag:$0x1] =	stream.indirect_vreg.gather [hbm4b:s10+s3], $0x80, v4, vm0, $0xb8;
	[tilespmem:$0x10080] =	vst v63  }
0x12d: {  	s0 =	simm.s32 $0x3880  }
0x12e: {  	[tilespmem:s0], [sflag:$0x1] =	stream.indirect_vreg.gather [hbm4b:s11+s3], $0x80, v4, vm0, $0xb8;
	[tilespmem:$0x10080] =	vst v63  }
0x12f: {  	s0 =	simm.s32 $0x4080  }
0x130: {  	[tilespmem:s0], [sflag:$0x1] =	stream.indirect_vreg.gather [hbm4b:s1+s3], $0x80, v3, vm0, $0xb8;
	[tilespmem:$0x10080] =	vst v63  }
0x131: {  	s0 =	simm.s32 $0x4880  }
0x132: {  	[tilespmem:s0], [sflag:$0x1] =	stream.indirect_vreg.gather [hbm4b:s5+s3], $0x80, v3, vm0, $0xb8;
	[tilespmem:$0x10080] =	vst v63  }
0x133: {  	s0 =	simm.s32 $0x5080  }
0x134: {  	[tilespmem:s0], [sflag:$0x1] =	stream.indirect_vreg.gather [hbm4b:s6+s3], $0x80, v3, vm0, $0xb8;
	[tilespmem:$0x10080] =	vst v63  }
0x135: {  	s0 =	simm.s32 $0x5880  }
0x136: {  	[tilespmem:s0], [sflag:$0x1] =	stream.indirect_vreg.gather [hbm4b:s7+s3], $0x80, v3, vm0, $0xb8;
	[tilespmem:$0x10080] =	vst v63  }
0x137: {  	s0 =	simm.s32 $0x6080  }
0x138: {  	[tilespmem:s0], [sflag:$0x1] =	stream.indirect_vreg.gather [hbm4b:s8+s3], $0x80, v3, vm0, $0xb8;
	[tilespmem:$0x10080] =	vst v63  }
0x139: {  	s0 =	simm.s32 $0x6880  }
0x13a: {  	[tilespmem:s0], [sflag:$0x1] =	stream.indirect_vreg.gather [hbm4b:s9+s3], $0x80, v3, vm0, $0xb8;
	[tilespmem:$0x10080] =	vst v63  }
0x13b: {  	s0 =	simm.s32 $0x7080  }
0x13c: {  	[tilespmem:s0], [sflag:$0x1] =	stream.indirect_vreg.gather [hbm4b:s10+s3], $0x80, v3, vm0, $0xb8;
	[tilespmem:$0x10080] =	vst v63  }
0x13d: {  	s0 =	simm.s32 $0x7880  }
0x13e: {  	[tilespmem:s0], [sflag:$0x1] =	stream.indirect_vreg.gather [hbm4b:s11+s3], $0x80, v3, vm0, $0xb8;
	[tilespmem:$0x10080] =	vst v63  }
0x13f: {  	_ =	swait.ge [sflag:s29], $0x8000  }
0x140: {  	[sflag:s29] =	ssyncset.done $0x0  }
0x141: {  	s0 =	rddreg [dreg:$0x9];
	[sflag:s29] =	ssyncadd.s32 $0xFFFF8000  }
0x142: {  	[hbm4b:s0+s3] =	stream.linear.scatter [tilespmem:s31], [sflag:$0x4], $0x8000, $0x38;
	[tilespmem:$0x10080] =	vst v63  }
0x143: {  	_ =	swait.ge [sflag:s30], $0x8000  }
0x144: {  	[sflag:s30] =	ssyncset.done $0x0  }
0x145: {  	[sflag:s30] =	ssyncadd.s32 $0xFFFF8000  }
0x146: {  	v3 =	vld [tilespmem:$0x70];
	_ =	sdelay $0x4  }
0x147: {  	v63 =	vshll.u32 v3, $0x4  }
0x148: {  	v3 =	vand.u32 $0x7, v3;
	v4 =	vand.u32 $0xFFFFFF80, v63  }
0x149: {  	v3 =	vor.u32 v3, v4  }
0x14a: {  	v4 =	vperm.xlane v3, v0;
	_ =	sdelay $0x1  }
0x14b: {  	v4 =	vadd.s32 v1, v4;
	_ =	sdelay $0x4  }
0x14c: {  	[tilespmem:s31], [sflag:$0x2] =	stream.indirect_vreg.gather [hbm4b:s1+s3], $0x80, v4, vm0, $0xb8;
	[tilespmem:$0x10080] =	vst v63  }
0x14d: {  	s13 =	simm.s32 $0x8880  }
0x14e: {  	[tilespmem:s13], [sflag:$0x2] =	stream.indirect_vreg.gather [hbm4b:s5+s3], $0x80, v4, vm0, $0xb8;
	[tilespmem:$0x10080] =	vst v63  }
0x14f: {  	s13 =	simm.s32 $0x9080  }
0x150: {  	[tilespmem:s13], [sflag:$0x2] =	stream.indirect_vreg.gather [hbm4b:s6+s3], $0x80, v4, vm0, $0xb8;
	[tilespmem:$0x10080] =	vst v63  }
0x151: {  	s4 =	simm.s32 $0x9880  }
0x152: {  	[tilespmem:s4], [sflag:$0x2] =	stream.indirect_vreg.gather [hbm4b:s7+s3], $0x80, v4, vm0, $0xb8;
	[tilespmem:$0x10080] =	vst v63  }
0x153: {  	s23 =	simm.s32 $0xA080  }
0x154: {  	[tilespmem:s23], [sflag:$0x2] =	stream.indirect_vreg.gather [hbm4b:s8+s3], $0x80, v4, vm0, $0xb8;
	[tilespmem:$0x10080] =	vst v63  }
0x155: {  	s24 =	simm.s32 $0xA880;
	v3 =	vperm.xlane v3, v2  }
0x156: {  	[tilespmem:s24], [sflag:$0x2] =	stream.indirect_vreg.gather [hbm4b:s9+s3], $0x80, v4, vm0, $0xb8;
	[tilespmem:$0x10080] =	vst v63  }
0x157: {  	s14 =	simm.s32 $0xB080;
	v3 =	vadd.s32 v1, v3  }
0x158: {  	[tilespmem:s14], [sflag:$0x2] =	stream.indirect_vreg.gather [hbm4b:s10+s3], $0x80, v4, vm0, $0xb8;
	[tilespmem:$0x10080] =	vst v63  }
0x159: {  	s15 =	simm.s32 $0xB880  }
0x15a: {  	[tilespmem:s15], [sflag:$0x2] =	stream.indirect_vreg.gather [hbm4b:s11+s3], $0x80, v4, vm0, $0xb8;
	[tilespmem:$0x10080] =	vst v63  }
0x15b: {  	s16 =	simm.s32 $0xC080  }
0x15c: {  	[tilespmem:s16], [sflag:$0x2] =	stream.indirect_vreg.gather [hbm4b:s1+s3], $0x80, v3, vm0, $0xb8;
	[tilespmem:$0x10080] =	vst v63  }
0x15d: {  	s17 =	simm.s32 $0xC880  }
0x15e: {  	[tilespmem:s17], [sflag:$0x2] =	stream.indirect_vreg.gather [hbm4b:s5+s3], $0x80, v3, vm0, $0xb8;
	[tilespmem:$0x10080] =	vst v63  }
0x15f: {  	s18 =	simm.s32 $0xD080  }
0x160: {  	[tilespmem:s18], [sflag:$0x2] =	stream.indirect_vreg.gather [hbm4b:s6+s3], $0x80, v3, vm0, $0xb8;
	[tilespmem:$0x10080] =	vst v63  }
0x161: {  	s19 =	simm.s32 $0xD880  }
0x162: {  	[tilespmem:s19], [sflag:$0x2] =	stream.indirect_vreg.gather [hbm4b:s7+s3], $0x80, v3, vm0, $0xb8;
	[tilespmem:$0x10080] =	vst v63  }
0x163: {  	s20 =	simm.s32 $0xE080  }
0x164: {  	[tilespmem:s20], [sflag:$0x2] =	stream.indirect_vreg.gather [hbm4b:s8+s3], $0x80, v3, vm0, $0xb8;
	[tilespmem:$0x10080] =	vst v63  }
0x165: {  	s21 =	simm.s32 $0xE880  }
0x166: {  	[tilespmem:s21], [sflag:$0x2] =	stream.indirect_vreg.gather [hbm4b:s9+s3], $0x80, v3, vm0, $0xb8;
	[tilespmem:$0x10080] =	vst v63  }
0x167: {  	s22 =	simm.s32 $0xF080  }
0x168: {  	[tilespmem:s22], [sflag:$0x2] =	stream.indirect_vreg.gather [hbm4b:s10+s3], $0x80, v3, vm0, $0xb8;
	[tilespmem:$0x10080] =	vst v63  }
0x169: {  	s25 =	simm.s32 $0xF880  }
0x16a: {  	[tilespmem:s25], [sflag:$0x2] =	stream.indirect_vreg.gather [hbm4b:s11+s3], $0x80, v3, vm0, $0xb8;
	[tilespmem:$0x10080] =	vst v63  }
0x16b: {  	_ =	swait.ge [sflag:s26], $0x8000  }
0x16c: {  	[sflag:s26] =	ssyncset.done $0x0  }
0x16d: {  	s24 =	rddreg [dreg:$0xa];
	[sflag:s26] =	ssyncadd.s32 $0xFFFF8000  }
0x16e: {  	[hbm4b:s24+s3] =	stream.linear.scatter [tilespmem:s2], [sflag:$0x3], $0x8000, $0x38;
	[tilespmem:$0x10080] =	vst v63  }
0x16f: {  	_ =	swait.ge [sflag:s29], $0x8000  }
0x170: {  	[sflag:s29] =	ssyncset.done $0x0  }
0x171: {  	s25 =	rddreg [dreg:$0xb];
	[sflag:s29] =	ssyncadd.s32 $0xFFFF8000  }
0x172: {  	[hbm4b:s25+s3] =	stream.linear.scatter [tilespmem:s31], [sflag:$0x4], $0x8000, $0x38;
	[tilespmem:$0x10080] =	vst v63  }
0x173: {  	p0 =	sne.s32 s12, $0x1;
	_ =	swait.ge [sflag:s28], $0x8000  }
.Ltmp0:
0x174: {  	[sflag:s28] =	ssyncset.done $0x0;
	(pc) =	sbr.rel @p0 .LBB2_1-.Ltmp0, $4  }
0x175: {  	[sflag:s28] =	ssyncadd.s32 $0xFFFF8000  }
0x176: {  	_ =	swait.ge [sflag:s30], $0x8000  }
0x177: {  	[sflag:s30] =	ssyncset.done $0x0  }
0x178: {  	s12 =	sadd.s32 $0xFFFFFFFF, s12;
	[sflag:s30] =	ssyncadd.s32 $0xFFFF8000  }
0x179: {  	_ =	sfence.sel $0x180000  }
0x17a: {  	[bflag:$0x0] =	sbarrier.arrive $0xFFFF  }
0x17b: {  	_ =	strace $0x90000047  }
0x17c: {  	s0 =	stileid.u32;
	[bflag:$0x2] =	sbarrier.arrive $0xFFFF  }
0x17d: {  	p0 =	sne.s32 s0, $0x0;
	s0 =	rddreg [dreg:$0x3]  }
0x17e: {  	s0 =	sadd.s32 @!p0 $0x100000, s0  }
0x17f: {  	[sflag:s0] =	ssyncadd.tile.s32 @!p0 $0x1;
	_ =	shalt  }
.Lfunc_end2:
_tile_overlayer_lowered:
.L_overlay_start_2:
0x180: {  	(tag) =	ssettag $0x2  }
0x181: {  	s0 =	rddreg [dreg:$0x0];
	s2 =	stileid.u32  }
0x182: {  	s1 =	rddreg [dreg:$0x1];
	p0 =	sne.s32 s2, $0x0  }
0x183: {  	s3 =	rddreg [dreg:$0x2];
	[bflag:$0x3] =	sbarrier.arrive $0xFFFF;
	s2 =	simm.s32 @!p0 $0x1C05  }
0x184: {  	[timem:s3], [sflag:s2] =	dma.local @!p0 [hbm:s0], s1  }
0x185: {  	s0 =	simm.s32 @!p0 $0x5  }
0x186: {  	_ =	swait.ge @!p0 [sflag:s0], s1  }
0x187: {  	s1 =	ssub.s32 @!p0 $0x0, s1;
	[sflag:s0] =	ssyncset.done @!p0 $0x0  }
0x188: {  	[sflag:s0] =	ssyncadd.s32 @!p0 s1  }
0x189: {  	[bflag:$0x3] =	sbarrier.arrive $0xFFFF  }
0x18a: {  	_ =	shalt  }

// kernel: kernel.8.cloned.1.call-start
scs
__scs_entry_jumppad:
0x0: {  	(pc) =	sbr.rel $0x88, $3  }
0x1: {  	(tag) =	ssettag $0x0;
	lr =	simm.s32 $0x1  }
0x2: {  	[smem:$0x3F9B] =	sst lr;
	_ =	strace $0xD0000000  }
0x3: {  	_ = 	snop  }
0x4: {  	_ = 	snop  }
0x5: {  	_ = 	snop  }
0x6: {  	_ = 	snop  }
0x7: {  	_ = 	snop  }
__scs_overlays_trampoline_lowered:
0x8: {  	[smem:$0x3FAA] =	sst s0  }
0x9: {  	[smem:$0x3FAB] =	sst s1  }
0xa: {  	[smem:$0x3FAC] =	sst s2  }
0xb: {  	[smem:$0x3FAD] =	sst s3  }
0xc: {  	[smem:$0x3FAE] =	sst s4  }
0xd: {  	[smem:$0x3FAF] =	sst s5  }
0xe: {  	[smem:$0x3FB0] =	sst s6  }
0xf: {  	[smem:$0x3FB1] =	sst s7  }
0x10: {  	[smem:$0x3FB2] =	sst s8  }
0x11: {  	[smem:$0x3FB3] =	sst s9;
	s0 =	simm.s32 @!p0 $0x0  }
0x12: {  	s1 =	sld [smem:$0x3F99];
	s0 =	simm.s32 @p0 $0x1  }
0x13: {  	[smem:$0x3FB4] =	sst s0;
	s0 =	simm.s32 @!p1 $0x0  }
0x14: {  	s2 =	sld [smem:$0x3F98];
	s0 =	simm.s32 @p1 $0x1  }
0x15: {  	[smem:$0x3FB5] =	sst s0;
	s0 =	simm.s32 @!p2 $0x0  }
0x16: {  	s3 =	sld [smem:$0x3FDB];
	s0 =	simm.s32 @p2 $0x1  }
0x17: {  	s4 =	simm.s32 $0x1BF5;
	[smem:$0x3FB7] =	sst s0  }
0x18: {  	s0 =	sld [smem:$0x3F9A];
	_ =	swait.ge [sflag:s4], $0x0  }
0x19: {  	s7 =	sld [smem:$0x3F9B]  }
0x1a: {  	s8 =	sadd.s32 $0xFFFFE003, lr  }
0x1b: {  	s9 =	sadd.s32 $0xFFFFFEF7, lr;
	s5 =	simm.s32 $0xFFFFFFFF;
	p2 =	slt.u32 s8, $0xFFFFF086  }
0x1c: {  	p1 =	slt.u32 s9, $0xF7A;
	s5 =	simm.s32 @!p2 $0x0  }
0x1d: {  	s5 =	simm.s32 @p1 $0x1;
	p0 =	seq.s32 s7, s2  }
0x1e: {  	s7 =	smul.u32 @!p0 $0xF7A, s2;
	p2 =	seq.s32 @!p0 s5, $0x0  }
0x1f: {  	s9 =	smul.u32 $0xF7A, s1;
	s8 =	simm.s32 @!p0 $0x1BF5;
	p2 =	por !p2, p0  }
0x20: {  	[sflag:s8] =	ssyncset.s32 @!p0 $0xFFFFF086;
	s6 =	sadd.s32 @!p0 s3, s7;
	s7 =	simm.s32 @!p0 $0x108  }
0x21: {  	s3 =	sadd.s32 s3, s9;
	s6 =	sadd.s32 @!p0 $0x88, s6;
	s7 =	simm.s32 @p2 $0x1082  }
0x22: {  	[simem:s7], [sflag:s8] =	dma.local @!p0 [hbm:s6], $0xF7A  }
0x23: {  	s9 =	sor.u32 $0xD0000000, s2;
	s6 =	simm.s32 $0x108;
	_ =	swait.ge @!p0 [sflag:s8], $0x0  }
0x24: {  	s3 =	sadd.s32 $0x88, s3;
	s6 =	simm.s32 @!p1 $0x1082;
	[sflag:s4] =	ssyncset.s32 $0xFFFFF086  }
0x25: {  	[simem:s6], [sflag:s4] =	dma.local [hbm:s3], $0xF7A  }
0x26: {  	[smem:$0x3F9B] =	sst s1;
	(tag) =	ssettag s2;
	_ =	strace s9  }
0x27: {  	s1 =	sld [smem:$0x3FAB]  }
0x28: {  	s2 =	sld [smem:$0x3FAC]  }
0x29: {  	s4 =	sld [smem:$0x3FAE]  }
0x2a: {  	p0 =	seq.s32 s5, $0x0;
	s5 =	sld [smem:$0x3FAF]  }
0x2b: {  	s6 =	sld [smem:$0x3FB0]  }
0x2c: {  	s7 =	sld [smem:$0x3FB1]  }
0x2d: {  	s3 =	simm.s32 $0x108;
	s8 =	sld [smem:$0x3FB2]  }
0x2e: {  	s3 =	simm.s32 @!p0 $0x1082;
	s9 =	sld [smem:$0x3FB3]  }
0x2f: {  	lr =	sadd.s32 s0, s3;
	s0 =	sld [smem:$0x3FAA]  }
0x30: {  	s3 =	sld [smem:$0x3FAD]  }
0x31: {  	[smem:$0x3FB6] =	sst s10  }
0x32: {  	s10 =	sld [smem:$0x3FB4];
	_ =	sdelay $0x3  }
0x33: {  	p0 =	seq.s32 s10, $0x1;
	s10 =	sld [smem:$0x3FB6];
	_ =	sdelay $0x3  }
0x34: {  	[smem:$0x3FB6] =	sst s10  }
0x35: {  	s10 =	sld [smem:$0x3FB5];
	_ =	sdelay $0x3  }
0x36: {  	p1 =	seq.s32 s10, $0x1;
	s10 =	sld [smem:$0x3FB6];
	_ =	sdelay $0x3  }
0x37: {  	[smem:$0x3FB6] =	sst s10  }
0x38: {  	s10 =	sld [smem:$0x3FB7]  }
0x39: {  	_ = 	snop;
	(pc) =	sbr.ind lr, $3  }
0x3a: {  	_ = 	snop  }
0x3b: {  	_ = 	snop  }
0x3c: {  	p2 =	seq.s32 s10, $0x1;
	s10 =	sld [smem:$0x3FB6]  }
0x3d: {  	_ =	shalt  }
0x3e: {  	_ =	shalt  }
0x3f: {  	_ =	shalt  }
0x40: {  	_ =	shalt  }
0x41: {  	_ =	shalt  }
0x42: {  	_ =	shalt  }
0x43: {  	_ =	shalt  }
0x44: {  	_ =	shalt  }
0x45: {  	_ =	shalt  }
0x46: {  	_ =	shalt  }
0x47: {  	_ =	shalt  }
0x48: {  	_ =	shalt  }
0x49: {  	_ =	shalt  }
0x4a: {  	_ =	shalt  }
0x4b: {  	_ =	shalt  }
0x4c: {  	_ =	shalt  }
0x4d: {  	_ =	shalt  }
0x4e: {  	_ =	shalt  }
0x4f: {  	_ =	shalt  }
0x50: {  	_ =	shalt  }
0x51: {  	_ =	shalt  }
0x52: {  	_ =	shalt  }
0x53: {  	_ =	shalt  }
0x54: {  	_ =	shalt  }
0x55: {  	_ =	shalt  }
0x56: {  	_ =	shalt  }
0x57: {  	_ =	shalt  }
0x58: {  	_ =	shalt  }
0x59: {  	_ =	shalt  }
0x5a: {  	_ =	shalt  }
0x5b: {  	_ =	shalt  }
0x5c: {  	_ =	shalt  }
0x5d: {  	_ =	shalt  }
0x5e: {  	_ =	shalt  }
0x5f: {  	_ =	shalt  }
0x60: {  	_ =	shalt  }
0x61: {  	_ =	shalt  }
0x62: {  	_ =	shalt  }
0x63: {  	_ =	shalt  }
0x64: {  	_ =	shalt  }
0x65: {  	_ =	shalt  }
0x66: {  	_ =	shalt  }
0x67: {  	_ =	shalt  }
0x68: {  	_ =	shalt  }
0x69: {  	_ =	shalt  }
0x6a: {  	_ =	shalt  }
0x6b: {  	_ =	shalt  }
0x6c: {  	_ =	shalt  }
0x6d: {  	_ =	shalt  }
0x6e: {  	_ =	shalt  }
0x6f: {  	_ =	shalt  }
0x70: {  	_ =	shalt  }
0x71: {  	_ =	shalt  }
0x72: {  	_ =	shalt  }
0x73: {  	_ =	shalt  }
0x74: {  	_ =	shalt  }
0x75: {  	_ =	shalt  }
0x76: {  	_ =	shalt  }
0x77: {  	_ =	shalt  }
0x78: {  	_ =	shalt  }
0x79: {  	_ =	shalt  }
0x7a: {  	_ =	shalt  }
0x7b: {  	_ =	shalt  }
0x7c: {  	_ =	shalt  }
0x7d: {  	_ =	shalt  }
0x7e: {  	_ =	shalt  }
0x7f: {  	_ =	shalt  }
0x80: {  	_ =	shalt  }
0x81: {  	_ =	shalt  }
0x82: {  	_ =	shalt  }
0x83: {  	_ =	shalt  }
0x84: {  	_ =	shalt  }
0x85: {  	_ =	shalt  }
0x86: {  	_ =	shalt  }
0x87: {  	_ =	shalt  }
.Lfunc_end0:
.L_simem_size_0:
called_computation.1_lowered:
.L_overlay_start_0:
0x88: {  	s2 =	sld [smem:$0x3FD9]  }
0x89: {  	s3 =	sld [smem:$0x3FFE];
	_ =	sdelay $0x1  }
0x8a: {  	s1 =	srdreg.scid  }
0x8b: {  	s0 =	sand.u32 $0x1, s1  }
0x8c: {  	s17 =	sshll.u32 s0, $0xA;
	s2 =	sadd.s32 s3, s2  }
0x8d: {  	s2 =	sadd.s32 s2, s17  }
0x8e: {  	[smem:$0x3FC2] =	sst s2  }
0x8f: {  	_ = 	snop  }
0x90: {  	s2 =	sld [smem:$0x3FD0];
	(tm) =	ssettm $0x1  }
0x91: {  	s18 =	sld [smem:$0x3FFB];
	_ =	sdelay $0x3  }
0x92: {  	_ =	strace s18  }
0x93: {  	s3 =	sld [smem:$0x3FFC];
	_ =	sdelay $0x3  }
0x94: {  	_ =	strace s3  }
0x95: {  	s3 =	sld [smem:$0x3FFD];
	_ =	sdelay $0x3  }
0x96: {  	_ =	strace s3  }
0x97: {  	_ =	strace $0x8FFFFFFF  }
0x98: {  	s19 =	sld [smem:$0x3FDB];
	_ =	sdelay $0x1  }
0x99: {  	s4 =	simm.s32 $_scs_section_size  }
0x9a: {  	s5 =	simm.s32 $_size__tile_overlayer_lowered;
	s6 =	simm.s32 $_tile_overlayer_lowered  }
0x9b: {  	s22 =	simm.s32 $0x1BFF;
	s21 =	sshll.u32 s6, $0x1;
	s3 =	sadd.s32 s4, s19  }
0x9c: {  	s7 =	simm.s32 $0x0;
	s20 =	sshll.u32 s5, $0x1;
	s5 =	sadd.s32 s21, s3  }
0x9d: {  	[timem:s7], [sflag:s22] =	dma.local [hbm:s5], s20  }
0x9e: {  	_ =	swait.ge [sflag:s22], s20  }
0x9f: {  	s4 =	ssub.s32 $0x0, s20;
	[sflag:s22] =	ssyncset.done $0x0  }
0xa0: {  	[sflag:s22] =	ssyncadd.s32 s4;
	_ =	sdelay $0x1  }
0xa1: {  	s23 =	simm.s32 $0x1B8B  }
0xa2: {  	_ =	swait.ge [sflag:s23], $0x1  }
0xa3: {  	[sflag:s23] =	ssyncset.done $0x0  }
0xa4: {  	s25 =	simm.s32 $0x1B8E;
	s24 =	sld [smem:$0x3FFE];
	[sflag:s23] =	ssyncadd.s32 $0xFFFFFFFF  }
0xa5: {  	s26 =	simm.s32 $execute0_lowered;
	[smem:$0x3FD2] =	sst s25  }
0xa6: {  	s5 =	sshll.u32 s26, $0x1;
	_ =	strace $0x80000049;
	[dreg:$0x1] =	wrdreg $0xFFFFFFFF  }
0xa7: {  	s28 =	simm.s32 $_size_execute0_lowered;
	s3 =	sadd.s32 s3, s5;
	[dreg:$0x0] =	wrdreg $0x0  }
0xa8: {  	s5 =	sshll.u32 s28, $0x1;
	[dreg:$0x2] =	wrdreg s3  }
0xa9: {  	[dreg:$0x3] =	wrdreg s5  }
0xaa: {  	[dreg:$0x4] =	wrdreg $0xC0  }
0xab: {  	_ =	task [dreg:s7], $0x5FFFF  }
0xac: {  	[dreg:$0x1] =	wrdreg $0xFFFFFFFF  }
0xad: {  	[dreg:$0x0] =	wrdreg $0x60  }
0xae: {  	[dreg:$0x2] =	wrdreg s24  }
0xaf: {  	[dreg:$0x3] =	wrdreg s2  }
0xb0: {  	[dreg:$0x4] =	wrdreg $0x9  }
0xb1: {  	_ =	task.clear_ibuf [dreg:s7], $0x5FFFF;
	_ =	strace $0x90000049  }
0xb2: {  	s29 =	simm.s32 $0x9;
	_ =	strace $0x8000004B  }
0xb3: {  	_ =	swait.ge [sflag:s29], $0x1  }
0xb4: {  	[sflag:s29] =	ssyncadd.s32 $0xFFFFFFFF  }
0xb5: {  	_ =	strace $0x9000004B  }
0xb6: {  	_ =	sfence  }
0xb7: {  	s30 =	sld [smem:$0x0];
	_ =	sdelay $0x2  }
0xb8: {  	s31 =	sshll.u32 s1, $0xD;
	s1 =	sshrl.u32 s1, $0x2  }
0xb9: {  	s3 =	sand.u32 $0x4000, s31;
	s1 =	sadd.s32 s1, s30  }
0xba: {  	s0 =	sor.u32 s3, s0;
	s1 =	sshll.u32 s1, $0x11  }
0xbb: {  	s0 =	sor.u32 s1, s0  }
0xbc: {  	s0 =	sadd.s32 $0x8F2B, s0  }
0xbd: {  	[sflag:s0] =	ssyncadd.remote.s32 $0x1  }
0xbe: {  	_ =	sfence.sel $0xFFFF  }
0xbf: {  	[dreg:$0x0] =	wrdreg $0xFFFFFFFF;
	(pc) =	sbr.abs _section_cstart, $3  }
0xc0: {  	[dreg:$0x1] =	wrdreg $0xFFFFFFFF  }
0xc1: {  	_ =	task.clear_ibuf [dreg:s7], $0x2FFFF;
	_ =	strace $0x9FFFFFFF  }
0xc2: {  	(tm) =	ssettm $0x7FFFFFFF  }
0xc3: {  	_ =	shalt  }
tec
execute0_lowered:
.L_overlay_start_1:
0x0: {  	(tag) =	ssettag $0x1  }
0x1: {  	s0 =	rddreg [dreg:$0x0]  }
0x2: {  	s1 =	rddreg [dreg:$0x1];
	s2 =	simm.s32 $0x0;
	s3 =	srdreg.scid  }
0x3: {  	s5 =	stileid.u32;
	s31 =	simm.s32 $0x8080;
	s28 =	simm.s32 $0x3  }
0x4: {  	s29 =	simm.s32 $0x2;
	s30 =	simm.s32 $0x4;
	s4 =	sand.u32 $0x1, s3  }
0x5: {  	[smem:$0x7FF] =	sst s2;
	s5 =	sshll.u32 s5, $0x8;
	s6 =	sshll.u32 s4, $0x7  }
0x6: {  	s3 =	sadd.s32 $0x1000, s0;
	s8 =	sadd.s32 $0x1400, s0;
	s5 =	sor.u32 s6, s5  }
0x7: {  	s9 =	sadd.s32 $0x1500, s0;
	s10 =	sadd.s32 $0x1600, s0;
	s7 =	sshrl.u32 s5, $0x3  }
0x8: {  	s11 =	sadd.s32 $0x1700, s0;
	s5 =	sshll.u32 s5, $0x8;
	s20 =	sadd.s32 s0, s7  }
0x9: {  	_ =	strace $0x8000004A;
	s12 =	sadd.s32 s1, s5;
	[dreg:$0x3] =	wrdreg s20  }
0xa: {  	s4 =	ssub.s32 $0x2, s4;
	s1 =	sadd.s32 $0x1000, s12;
	[dreg:$0xb] =	wrdreg s12  }
0xb: {  	s19 =	sshrl.u32 s4, $0x1;
	s21 =	sadd.s32 $0x2000, s12;
	[dreg:$0x4] =	wrdreg s1  }
0xc: {  	s6 =	sadd.s32 $0x1200, s0;
	s22 =	sadd.s32 $0x3000, s12;
	[dreg:$0x5] =	wrdreg s21  }
0xd: {  	s4 =	ssub.s32 s4, s19;
	s23 =	sadd.s32 $0x4000, s12;
	[dreg:$0x6] =	wrdreg s22  }
0xe: {  	s5 =	sadd.s32 $0x1100, s0;
	s24 =	sadd.s32 $0x5000, s12;
	[dreg:$0x7] =	wrdreg s23  }
0xf: {  	v2 =	vlaneseq.u32;
	s7 =	sadd.s32 $0x1300, s0;
	s25 =	sadd.s32 $0x6000, s12;
	[dreg:$0x8] =	wrdreg s24  }
0x10: {  	vm0 =	vmmov $0xffff;
	v1 =	vshrl.u32 v2, $0x3;
	s26 =	sadd.s32 $0x7000, s12;
	s12 =	smax.u32 s4, $0x1;
	[dreg:$0x9] =	wrdreg s25  }
0x11: {  	v0 =	vand.u32 $0x7, v2;
	v2 =	vor.u32 $0x8, v2;
	v1 =	vmul.u32 $0x8, v1;
	[dreg:$0xa] =	wrdreg s26;
	s26 =	simm.s32 $0x1;
	s1 =	simm.s32 $0x80  }
.LBB2_1:
0x12: {  	s0 =	rddreg [dreg:$0x3];
	s25 =	simm.s32 $0x5  }
0x13: {  	[tilespmem:s2], [sflag:$0x5] =	stream.linear.gather [hbm4b:s0+s2], $0x80, $0x38;
	[tilespmem:$0x10080] =	vst v63  }
0x14: {  	_ =	swait.ge [sflag:s25], $0x80  }
0x15: {  	[sflag:s25] =	ssyncset.done $0x0  }
0x16: {  	[sflag:s25] =	ssyncadd.s32 $0xFFFFFF80  }
0x17: {  	v3 =	vld [tilespmem:$0x0];
	_ =	sdelay $0x4  }
0x18: {  	v4 =	vshll.u32 v3, $0x4  }
0x19: {  	v3 =	vand.u32 $0x7, v3;
	v4 =	vand.u32 $0xFFFFFF80, v4  }
0x1a: {  	v3 =	vor.u32 v3, v4  }
0x1b: {  	v4 =	vperm.xlane v3, v0;
	_ =	sdelay $0x1  }
0x1c: {  	v4 =	vadd.s32 v1, v4;
	_ =	sdelay $0x4  }
0x1d: {  	[tilespmem:s1], [sflag:$0x1] =	stream.indirect_vreg.gather [hbm4b:s3+s2], $0x80, v4, vm0, $0xb8;
	[tilespmem:$0x10080] =	vst v63  }
0x1e: {  	s4 =	simm.s32 $0x880  }
0x1f: {  	[tilespmem:s4], [sflag:$0x1] =	stream.indirect_vreg.gather [hbm4b:s5+s2], $0x80, v4, vm0, $0xb8;
	[tilespmem:$0x10080] =	vst v63  }
0x20: {  	s13 =	simm.s32 $0x1080  }
0x21: {  	[tilespmem:s13], [sflag:$0x1] =	stream.indirect_vreg.gather [hbm4b:s6+s2], $0x80, v4, vm0, $0xb8;
	[tilespmem:$0x10080] =	vst v63  }
0x22: {  	s14 =	simm.s32 $0x1880  }
0x23: {  	[tilespmem:s14], [sflag:$0x1] =	stream.indirect_vreg.gather [hbm4b:s7+s2], $0x80, v4, vm0, $0xb8;
	[tilespmem:$0x10080] =	vst v63  }
0x24: {  	s15 =	simm.s32 $0x2080  }
0x25: {  	[tilespmem:s15], [sflag:$0x1] =	stream.indirect_vreg.gather [hbm4b:s8+s2], $0x80, v4, vm0, $0xb8;
	[tilespmem:$0x10080] =	vst v63  }
0x26: {  	s16 =	simm.s32 $0x2880;
	v3 =	vperm.xlane v3, v2  }
0x27: {  	[tilespmem:s16], [sflag:$0x1] =	stream.indirect_vreg.gather [hbm4b:s9+s2], $0x80, v4, vm0, $0xb8;
	[tilespmem:$0x10080] =	vst v63  }
0x28: {  	s17 =	simm.s32 $0x3080;
	v3 =	vadd.s32 v1, v3  }
0x29: {  	[tilespmem:s17], [sflag:$0x1] =	stream.indirect_vreg.gather [hbm4b:s10+s2], $0x80, v4, vm0, $0xb8;
	[tilespmem:$0x10080] =	vst v63  }
0x2a: {  	s18 =	simm.s32 $0x3880  }
0x2b: {  	[tilespmem:s18], [sflag:$0x1] =	stream.indirect_vreg.gather [hbm4b:s11+s2], $0x80, v4, vm0, $0xb8;
	[tilespmem:$0x10080] =	vst v63  }
0x2c: {  	s19 =	simm.s32 $0x4080  }
0x2d: {  	[tilespmem:s19], [sflag:$0x1] =	stream.indirect_vreg.gather [hbm4b:s3+s2], $0x80, v3, vm0, $0xb8;
	[tilespmem:$0x10080] =	vst v63  }
0x2e: {  	s20 =	simm.s32 $0x4880  }
0x2f: {  	[tilespmem:s20], [sflag:$0x1] =	stream.indirect_vreg.gather [hbm4b:s5+s2], $0x80, v3, vm0, $0xb8;
	[tilespmem:$0x10080] =	vst v63  }
0x30: {  	s21 =	simm.s32 $0x5080  }
0x31: {  	[tilespmem:s21], [sflag:$0x1] =	stream.indirect_vreg.gather [hbm4b:s6+s2], $0x80, v3, vm0, $0xb8;
	[tilespmem:$0x10080] =	vst v63  }
0x32: {  	s22 =	simm.s32 $0x5880  }
0x33: {  	[tilespmem:s22], [sflag:$0x1] =	stream.indirect_vreg.gather [hbm4b:s7+s2], $0x80, v3, vm0, $0xb8;
	[tilespmem:$0x10080] =	vst v63  }
0x34: {  	s23 =	simm.s32 $0x6080  }
0x35: {  	[tilespmem:s23], [sflag:$0x1] =	stream.indirect_vreg.gather [hbm4b:s8+s2], $0x80, v3, vm0, $0xb8;
	[tilespmem:$0x10080] =	vst v63  }
0x36: {  	s24 =	simm.s32 $0x6880  }
0x37: {  	[tilespmem:s24], [sflag:$0x1] =	stream.indirect_vreg.gather [hbm4b:s9+s2], $0x80, v3, vm0, $0xb8;
	[tilespmem:$0x10080] =	vst v63  }
0x38: {  	s25 =	simm.s32 $0x7080  }
0x39: {  	[tilespmem:s25], [sflag:$0x1] =	stream.indirect_vreg.gather [hbm4b:s10+s2], $0x80, v3, vm0, $0xb8;
	[tilespmem:$0x10080] =	vst v63  }
0x3a: {  	s4 =	simm.s32 $0x7880  }
0x3b: {  	[tilespmem:s4], [sflag:$0x1] =	stream.indirect_vreg.gather [hbm4b:s11+s2], $0x80, v3, vm0, $0xb8;
	[tilespmem:$0x10080] =	vst v63  }
0x3c: {  	v3 =	vld [tilespmem:$0x10];
	_ =	sdelay $0x4  }
0x3d: {  	v57 =	vshll.u32 v3, $0x4  }
0x3e: {  	v3 =	vand.u32 $0x7, v3;
	v4 =	vand.u32 $0xFFFFFF80, v57  }
0x3f: {  	v3 =	vor.u32 v3, v4  }
0x40: {  	v4 =	vperm.xlane v3, v0;
	_ =	sdelay $0x1  }
0x41: {  	v4 =	vadd.s32 v1, v4;
	_ =	sdelay $0x4  }
0x42: {  	[tilespmem:s31], [sflag:$0x2] =	stream.indirect_vreg.gather [hbm4b:s3+s2], $0x80, v4, vm0, $0xb8;
	[tilespmem:$0x10080] =	vst v63  }
0x43: {  	s0 =	simm.s32 $0x8880  }
0x44: {  	[tilespmem:s0], [sflag:$0x2] =	stream.indirect_vreg.gather [hbm4b:s5+s2], $0x80, v4, vm0, $0xb8;
	[tilespmem:$0x10080] =	vst v63  }
0x45: {  	s0 =	simm.s32 $0x9080  }
0x46: {  	[tilespmem:s0], [sflag:$0x2] =	stream.indirect_vreg.gather [hbm4b:s6+s2], $0x80, v4, vm0, $0xb8;
	[tilespmem:$0x10080] =	vst v63  }
0x47: {  	s0 =	simm.s32 $0x9880  }
0x48: {  	[tilespmem:s0], [sflag:$0x2] =	stream.indirect_vreg.gather [hbm4b:s7+s2], $0x80, v4, vm0, $0xb8;
	[tilespmem:$0x10080] =	vst v63  }
0x49: {  	s0 =	simm.s32 $0xA080  }
0x4a: {  	[tilespmem:s0], [sflag:$0x2] =	stream.indirect_vreg.gather [hbm4b:s8+s2], $0x80, v4, vm0, $0xb8;
	[tilespmem:$0x10080] =	vst v63  }
0x4b: {  	v3 =	vperm.xlane v3, v2;
	s0 =	simm.s32 $0xA880  }
0x4c: {  	[tilespmem:s0], [sflag:$0x2] =	stream.indirect_vreg.gather [hbm4b:s9+s2], $0x80, v4, vm0, $0xb8;
	[tilespmem:$0x10080] =	vst v63  }
0x4d: {  	v3 =	vadd.s32 v1, v3;
	s0 =	simm.s32 $0xB080  }
0x4e: {  	[tilespmem:s0], [sflag:$0x2] =	stream.indirect_vreg.gather [hbm4b:s10+s2], $0x80, v4, vm0, $0xb8;
	[tilespmem:$0x10080] =	vst v63  }
0x4f: {  	s0 =	simm.s32 $0xB880  }
0x50: {  	[tilespmem:s0], [sflag:$0x2] =	stream.indirect_vreg.gather [hbm4b:s11+s2], $0x80, v4, vm0, $0xb8;
	[tilespmem:$0x10080] =	vst v63  }
0x51: {  	s0 =	simm.s32 $0xC080  }
0x52: {  	[tilespmem:s0], [sflag:$0x2] =	stream.indirect_vreg.gather [hbm4b:s3+s2], $0x80, v3, vm0, $0xb8;
	[tilespmem:$0x10080] =	vst v63  }
0x53: {  	s0 =	simm.s32 $0xC880  }
0x54: {  	[tilespmem:s0], [sflag:$0x2] =	stream.indirect_vreg.gather [hbm4b:s5+s2], $0x80, v3, vm0, $0xb8;
	[tilespmem:$0x10080] =	vst v63  }
0x55: {  	s0 =	simm.s32 $0xD080  }
0x56: {  	[tilespmem:s0], [sflag:$0x2] =	stream.indirect_vreg.gather [hbm4b:s6+s2], $0x80, v3, vm0, $0xb8;
	[tilespmem:$0x10080] =	vst v63  }
0x57: {  	s0 =	simm.s32 $0xD880  }
0x58: {  	[tilespmem:s0], [sflag:$0x2] =	stream.indirect_vreg.gather [hbm4b:s7+s2], $0x80, v3, vm0, $0xb8;
	[tilespmem:$0x10080] =	vst v63  }
0x59: {  	s0 =	simm.s32 $0xE080  }
0x5a: {  	[tilespmem:s0], [sflag:$0x2] =	stream.indirect_vreg.gather [hbm4b:s8+s2], $0x80, v3, vm0, $0xb8;
	[tilespmem:$0x10080] =	vst v63  }
0x5b: {  	s0 =	simm.s32 $0xE880  }
0x5c: {  	[tilespmem:s0], [sflag:$0x2] =	stream.indirect_vreg.gather [hbm4b:s9+s2], $0x80, v3, vm0, $0xb8;
	[tilespmem:$0x10080] =	vst v63  }
0x5d: {  	s0 =	simm.s32 $0xF080  }
0x5e: {  	[tilespmem:s0], [sflag:$0x2] =	stream.indirect_vreg.gather [hbm4b:s10+s2], $0x80, v3, vm0, $0xb8;
	[tilespmem:$0x10080] =	vst v63  }
0x5f: {  	s0 =	simm.s32 $0xF880  }
0x60: {  	[tilespmem:s0], [sflag:$0x2] =	stream.indirect_vreg.gather [hbm4b:s11+s2], $0x80, v3, vm0, $0xb8;
	[tilespmem:$0x10080] =	vst v63  }
0x61: {  	_ =	swait.ge [sflag:s26], $0x8000  }
0x62: {  	[sflag:s26] =	ssyncset.done $0x0  }
0x63: {  	s0 =	rddreg [dreg:$0xb];
	[sflag:s26] =	ssyncadd.s32 $0xFFFF8000  }
0x64: {  	[hbm4b:s0+s2] =	stream.linear.scatter [tilespmem:s1], [sflag:$0x3], $0x8000, $0x38;
	[tilespmem:$0x10080] =	vst v63  }
0x65: {  	_ =	swait.ge [sflag:s28], $0x8000  }
0x66: {  	[sflag:s28] =	ssyncset.done $0x0  }
0x67: {  	[sflag:s28] =	ssyncadd.s32 $0xFFFF8000  }
0x68: {  	v3 =	vld [tilespmem:$0x20];
	_ =	sdelay $0x4  }
0x69: {  	v58 =	vshll.u32 v3, $0x4  }
0x6a: {  	v3 =	vand.u32 $0x7, v3;
	v4 =	vand.u32 $0xFFFFFF80, v58  }
0x6b: {  	v3 =	vor.u32 v3, v4  }
0x6c: {  	v4 =	vperm.xlane v3, v0;
	_ =	sdelay $0x1  }
0x6d: {  	v4 =	vadd.s32 v1, v4;
	_ =	sdelay $0x4  }
0x6e: {  	[tilespmem:s1], [sflag:$0x1] =	stream.indirect_vreg.gather [hbm4b:s3+s2], $0x80, v4, vm0, $0xb8;
	[tilespmem:$0x10080] =	vst v63  }
0x6f: {  	s0 =	simm.s32 $0x880  }
0x70: {  	[tilespmem:s0], [sflag:$0x1] =	stream.indirect_vreg.gather [hbm4b:s5+s2], $0x80, v4, vm0, $0xb8;
	[tilespmem:$0x10080] =	vst v63  }
0x71: {  	s13 =	simm.s32 $0x1080  }
0x72: {  	[tilespmem:s13], [sflag:$0x1] =	stream.indirect_vreg.gather [hbm4b:s6+s2], $0x80, v4, vm0, $0xb8;
	[tilespmem:$0x10080] =	vst v63  }
0x73: {  	s14 =	simm.s32 $0x1880  }
0x74: {  	[tilespmem:s14], [sflag:$0x1] =	stream.indirect_vreg.gather [hbm4b:s7+s2], $0x80, v4, vm0, $0xb8;
	[tilespmem:$0x10080] =	vst v63  }
0x75: {  	s15 =	simm.s32 $0x2080  }
0x76: {  	[tilespmem:s15], [sflag:$0x1] =	stream.indirect_vreg.gather [hbm4b:s8+s2], $0x80, v4, vm0, $0xb8;
	[tilespmem:$0x10080] =	vst v63  }
0x77: {  	s16 =	simm.s32 $0x2880;
	v3 =	vperm.xlane v3, v2  }
0x78: {  	[tilespmem:s16], [sflag:$0x1] =	stream.indirect_vreg.gather [hbm4b:s9+s2], $0x80, v4, vm0, $0xb8;
	[tilespmem:$0x10080] =	vst v63  }
0x79: {  	s17 =	simm.s32 $0x3080;
	v3 =	vadd.s32 v1, v3  }
0x7a: {  	[tilespmem:s17], [sflag:$0x1] =	stream.indirect_vreg.gather [hbm4b:s10+s2], $0x80, v4, vm0, $0xb8;
	[tilespmem:$0x10080] =	vst v63  }
0x7b: {  	s18 =	simm.s32 $0x3880  }
0x7c: {  	[tilespmem:s18], [sflag:$0x1] =	stream.indirect_vreg.gather [hbm4b:s11+s2], $0x80, v4, vm0, $0xb8;
	[tilespmem:$0x10080] =	vst v63  }
0x7d: {  	s19 =	simm.s32 $0x4080  }
0x7e: {  	[tilespmem:s19], [sflag:$0x1] =	stream.indirect_vreg.gather [hbm4b:s3+s2], $0x80, v3, vm0, $0xb8;
	[tilespmem:$0x10080] =	vst v63  }
0x7f: {  	s20 =	simm.s32 $0x4880  }
0x80: {  	[tilespmem:s20], [sflag:$0x1] =	stream.indirect_vreg.gather [hbm4b:s5+s2], $0x80, v3, vm0, $0xb8;
	[tilespmem:$0x10080] =	vst v63  }
0x81: {  	s21 =	simm.s32 $0x5080  }
0x82: {  	[tilespmem:s21], [sflag:$0x1] =	stream.indirect_vreg.gather [hbm4b:s6+s2], $0x80, v3, vm0, $0xb8;
	[tilespmem:$0x10080] =	vst v63  }
0x83: {  	s22 =	simm.s32 $0x5880  }
0x84: {  	[tilespmem:s22], [sflag:$0x1] =	stream.indirect_vreg.gather [hbm4b:s7+s2], $0x80, v3, vm0, $0xb8;
	[tilespmem:$0x10080] =	vst v63  }
0x85: {  	s23 =	simm.s32 $0x6080  }
0x86: {  	[tilespmem:s23], [sflag:$0x1] =	stream.indirect_vreg.gather [hbm4b:s8+s2], $0x80, v3, vm0, $0xb8;
	[tilespmem:$0x10080] =	vst v63  }
0x87: {  	s24 =	simm.s32 $0x6880  }
0x88: {  	[tilespmem:s24], [sflag:$0x1] =	stream.indirect_vreg.gather [hbm4b:s9+s2], $0x80, v3, vm0, $0xb8;
	[tilespmem:$0x10080] =	vst v63  }
0x89: {  	s25 =	simm.s32 $0x7080  }
0x8a: {  	[tilespmem:s25], [sflag:$0x1] =	stream.indirect_vreg.gather [hbm4b:s10+s2], $0x80, v3, vm0, $0xb8;
	[tilespmem:$0x10080] =	vst v63  }
0x8b: {  	s4 =	simm.s32 $0x7880  }
0x8c: {  	[tilespmem:s4], [sflag:$0x1] =	stream.indirect_vreg.gather [hbm4b:s11+s2], $0x80, v3, vm0, $0xb8;
	[tilespmem:$0x10080] =	vst v63  }
0x8d: {  	_ =	swait.ge [sflag:s29], $0x8000  }
0x8e: {  	[sflag:s29] =	ssyncset.done $0x0  }
0x8f: {  	s20 =	rddreg [dreg:$0x4];
	[sflag:s29] =	ssyncadd.s32 $0xFFFF8000  }
0x90: {  	[hbm4b:s20+s2] =	stream.linear.scatter [tilespmem:s31], [sflag:$0x4], $0x8000, $0x38;
	[tilespmem:$0x10080] =	vst v63  }
0x91: {  	_ =	swait.ge [sflag:s30], $0x8000  }
0x92: {  	[sflag:s30] =	ssyncset.done $0x0  }
0x93: {  	[sflag:s30] =	ssyncadd.s32 $0xFFFF8000  }
0x94: {  	v3 =	vld [tilespmem:$0x30];
	_ =	sdelay $0x4  }
0x95: {  	v59 =	vshll.u32 v3, $0x4  }
0x96: {  	v3 =	vand.u32 $0x7, v3;
	v4 =	vand.u32 $0xFFFFFF80, v59  }
0x97: {  	v3 =	vor.u32 v3, v4  }
0x98: {  	v4 =	vperm.xlane v3, v0;
	_ =	sdelay $0x1  }
0x99: {  	v4 =	vadd.s32 v1, v4;
	_ =	sdelay $0x4  }
0x9a: {  	[tilespmem:s31], [sflag:$0x2] =	stream.indirect_vreg.gather [hbm4b:s3+s2], $0x80, v4, vm0, $0xb8;
	[tilespmem:$0x10080] =	vst v63  }
0x9b: {  	s21 =	simm.s32 $0x8880  }
0x9c: {  	[tilespmem:s21], [sflag:$0x2] =	stream.indirect_vreg.gather [hbm4b:s5+s2], $0x80, v4, vm0, $0xb8;
	[tilespmem:$0x10080] =	vst v63  }
0x9d: {  	s22 =	simm.s32 $0x9080  }
0x9e: {  	[tilespmem:s22], [sflag:$0x2] =	stream.indirect_vreg.gather [hbm4b:s6+s2], $0x80, v4, vm0, $0xb8;
	[tilespmem:$0x10080] =	vst v63  }
0x9f: {  	s23 =	simm.s32 $0x9880  }
0xa0: {  	[tilespmem:s23], [sflag:$0x2] =	stream.indirect_vreg.gather [hbm4b:s7+s2], $0x80, v4, vm0, $0xb8;
	[tilespmem:$0x10080] =	vst v63  }
0xa1: {  	s24 =	simm.s32 $0xA080  }
0xa2: {  	[tilespmem:s24], [sflag:$0x2] =	stream.indirect_vreg.gather [hbm4b:s8+s2], $0x80, v4, vm0, $0xb8;
	[tilespmem:$0x10080] =	vst v63  }
0xa3: {  	s25 =	simm.s32 $0xA880;
	v3 =	vperm.xlane v3, v2  }
0xa4: {  	[tilespmem:s25], [sflag:$0x2] =	stream.indirect_vreg.gather [hbm4b:s9+s2], $0x80, v4, vm0, $0xb8;
	[tilespmem:$0x10080] =	vst v63  }
0xa5: {  	s14 =	simm.s32 $0xB080;
	v3 =	vadd.s32 v1, v3  }
0xa6: {  	[tilespmem:s14], [sflag:$0x2] =	stream.indirect_vreg.gather [hbm4b:s10+s2], $0x80, v4, vm0, $0xb8;
	[tilespmem:$0x10080] =	vst v63  }
0xa7: {  	s15 =	simm.s32 $0xB880  }
0xa8: {  	[tilespmem:s15], [sflag:$0x2] =	stream.indirect_vreg.gather [hbm4b:s11+s2], $0x80, v4, vm0, $0xb8;
	[tilespmem:$0x10080] =	vst v63  }
0xa9: {  	s16 =	simm.s32 $0xC080  }
0xaa: {  	[tilespmem:s16], [sflag:$0x2] =	stream.indirect_vreg.gather [hbm4b:s3+s2], $0x80, v3, vm0, $0xb8;
	[tilespmem:$0x10080] =	vst v63  }
0xab: {  	s17 =	simm.s32 $0xC880  }
0xac: {  	[tilespmem:s17], [sflag:$0x2] =	stream.indirect_vreg.gather [hbm4b:s5+s2], $0x80, v3, vm0, $0xb8;
	[tilespmem:$0x10080] =	vst v63  }
0xad: {  	s18 =	simm.s32 $0xD080  }
0xae: {  	[tilespmem:s18], [sflag:$0x2] =	stream.indirect_vreg.gather [hbm4b:s6+s2], $0x80, v3, vm0, $0xb8;
	[tilespmem:$0x10080] =	vst v63  }
0xaf: {  	s19 =	simm.s32 $0xD880  }
0xb0: {  	[tilespmem:s19], [sflag:$0x2] =	stream.indirect_vreg.gather [hbm4b:s7+s2], $0x80, v3, vm0, $0xb8;
	[tilespmem:$0x10080] =	vst v63  }
0xb1: {  	s20 =	simm.s32 $0xE080  }
0xb2: {  	[tilespmem:s20], [sflag:$0x2] =	stream.indirect_vreg.gather [hbm4b:s8+s2], $0x80, v3, vm0, $0xb8;
	[tilespmem:$0x10080] =	vst v63  }
0xb3: {  	s21 =	simm.s32 $0xE880  }
0xb4: {  	[tilespmem:s21], [sflag:$0x2] =	stream.indirect_vreg.gather [hbm4b:s9+s2], $0x80, v3, vm0, $0xb8;
	[tilespmem:$0x10080] =	vst v63  }
0xb5: {  	s22 =	simm.s32 $0xF080  }
0xb6: {  	[tilespmem:s22], [sflag:$0x2] =	stream.indirect_vreg.gather [hbm4b:s10+s2], $0x80, v3, vm0, $0xb8;
	[tilespmem:$0x10080] =	vst v63  }
0xb7: {  	s25 =	simm.s32 $0xF880  }
0xb8: {  	[tilespmem:s25], [sflag:$0x2] =	stream.indirect_vreg.gather [hbm4b:s11+s2], $0x80, v3, vm0, $0xb8;
	[tilespmem:$0x10080] =	vst v63  }
0xb9: {  	_ =	swait.ge [sflag:s26], $0x8000  }
0xba: {  	[sflag:s26] =	ssyncset.done $0x0  }
0xbb: {  	s0 =	rddreg [dreg:$0x5];
	[sflag:s26] =	ssyncadd.s32 $0xFFFF8000  }
0xbc: {  	[hbm4b:s0+s2] =	stream.linear.scatter [tilespmem:s1], [sflag:$0x3], $0x8000, $0x38;
	[tilespmem:$0x10080] =	vst v63  }
0xbd: {  	_ =	swait.ge [sflag:s28], $0x8000  }
0xbe: {  	[sflag:s28] =	ssyncset.done $0x0  }
0xbf: {  	[sflag:s28] =	ssyncadd.s32 $0xFFFF8000  }
0xc0: {  	v3 =	vld [tilespmem:$0x40];
	_ =	sdelay $0x4  }
0xc1: {  	v60 =	vshll.u32 v3, $0x4  }
0xc2: {  	v3 =	vand.u32 $0x7, v3;
	v4 =	vand.u32 $0xFFFFFF80, v60  }
0xc3: {  	v3 =	vor.u32 v3, v4  }
0xc4: {  	v4 =	vperm.xlane v3, v0;
	_ =	sdelay $0x1  }
0xc5: {  	v4 =	vadd.s32 v1, v4;
	_ =	sdelay $0x4  }
0xc6: {  	[tilespmem:s1], [sflag:$0x1] =	stream.indirect_vreg.gather [hbm4b:s3+s2], $0x80, v4, vm0, $0xb8;
	[tilespmem:$0x10080] =	vst v63  }
0xc7: {  	s0 =	simm.s32 $0x880  }
0xc8: {  	[tilespmem:s0], [sflag:$0x1] =	stream.indirect_vreg.gather [hbm4b:s5+s2], $0x80, v4, vm0, $0xb8;
	[tilespmem:$0x10080] =	vst v63  }
0xc9: {  	s0 =	simm.s32 $0x1080  }
0xca: {  	[tilespmem:s0], [sflag:$0x1] =	stream.indirect_vreg.gather [hbm4b:s6+s2], $0x80, v4, vm0, $0xb8;
	[tilespmem:$0x10080] =	vst v63  }
0xcb: {  	s0 =	simm.s32 $0x1880  }
0xcc: {  	[tilespmem:s0], [sflag:$0x1] =	stream.indirect_vreg.gather [hbm4b:s7+s2], $0x80, v4, vm0, $0xb8;
	[tilespmem:$0x10080] =	vst v63  }
0xcd: {  	s0 =	simm.s32 $0x2080  }
0xce: {  	[tilespmem:s0], [sflag:$0x1] =	stream.indirect_vreg.gather [hbm4b:s8+s2], $0x80, v4, vm0, $0xb8;
	[tilespmem:$0x10080] =	vst v63  }
0xcf: {  	v3 =	vperm.xlane v3, v2;
	s0 =	simm.s32 $0x2880  }
0xd0: {  	[tilespmem:s0], [sflag:$0x1] =	stream.indirect_vreg.gather [hbm4b:s9+s2], $0x80, v4, vm0, $0xb8;
	[tilespmem:$0x10080] =	vst v63  }
0xd1: {  	v3 =	vadd.s32 v1, v3;
	s0 =	simm.s32 $0x3080  }
0xd2: {  	[tilespmem:s0], [sflag:$0x1] =	stream.indirect_vreg.gather [hbm4b:s10+s2], $0x80, v4, vm0, $0xb8;
	[tilespmem:$0x10080] =	vst v63  }
0xd3: {  	s0 =	simm.s32 $0x3880  }
0xd4: {  	[tilespmem:s0], [sflag:$0x1] =	stream.indirect_vreg.gather [hbm4b:s11+s2], $0x80, v4, vm0, $0xb8;
	[tilespmem:$0x10080] =	vst v63  }
0xd5: {  	s0 =	simm.s32 $0x4080  }
0xd6: {  	[tilespmem:s0], [sflag:$0x1] =	stream.indirect_vreg.gather [hbm4b:s3+s2], $0x80, v3, vm0, $0xb8;
	[tilespmem:$0x10080] =	vst v63  }
0xd7: {  	s0 =	simm.s32 $0x4880  }
0xd8: {  	[tilespmem:s0], [sflag:$0x1] =	stream.indirect_vreg.gather [hbm4b:s5+s2], $0x80, v3, vm0, $0xb8;
	[tilespmem:$0x10080] =	vst v63  }
0xd9: {  	s0 =	simm.s32 $0x5080  }
0xda: {  	[tilespmem:s0], [sflag:$0x1] =	stream.indirect_vreg.gather [hbm4b:s6+s2], $0x80, v3, vm0, $0xb8;
	[tilespmem:$0x10080] =	vst v63  }
0xdb: {  	s0 =	simm.s32 $0x5880  }
0xdc: {  	[tilespmem:s0], [sflag:$0x1] =	stream.indirect_vreg.gather [hbm4b:s7+s2], $0x80, v3, vm0, $0xb8;
	[tilespmem:$0x10080] =	vst v63  }
0xdd: {  	s0 =	simm.s32 $0x6080  }
0xde: {  	[tilespmem:s0], [sflag:$0x1] =	stream.indirect_vreg.gather [hbm4b:s8+s2], $0x80, v3, vm0, $0xb8;
	[tilespmem:$0x10080] =	vst v63  }
0xdf: {  	s0 =	simm.s32 $0x6880  }
0xe0: {  	[tilespmem:s0], [sflag:$0x1] =	stream.indirect_vreg.gather [hbm4b:s9+s2], $0x80, v3, vm0, $0xb8;
	[tilespmem:$0x10080] =	vst v63  }
0xe1: {  	s0 =	simm.s32 $0x7080  }
0xe2: {  	[tilespmem:s0], [sflag:$0x1] =	stream.indirect_vreg.gather [hbm4b:s10+s2], $0x80, v3, vm0, $0xb8;
	[tilespmem:$0x10080] =	vst v63  }
0xe3: {  	s0 =	simm.s32 $0x7880  }
0xe4: {  	[tilespmem:s0], [sflag:$0x1] =	stream.indirect_vreg.gather [hbm4b:s11+s2], $0x80, v3, vm0, $0xb8;
	[tilespmem:$0x10080] =	vst v63  }
0xe5: {  	_ =	swait.ge [sflag:s29], $0x8000  }
0xe6: {  	[sflag:s29] =	ssyncset.done $0x0  }
0xe7: {  	s0 =	rddreg [dreg:$0x6];
	[sflag:s29] =	ssyncadd.s32 $0xFFFF8000  }
0xe8: {  	[hbm4b:s0+s2] =	stream.linear.scatter [tilespmem:s31], [sflag:$0x4], $0x8000, $0x38;
	[tilespmem:$0x10080] =	vst v63  }
0xe9: {  	_ =	swait.ge [sflag:s30], $0x8000  }
0xea: {  	[sflag:s30] =	ssyncset.done $0x0  }
0xeb: {  	[sflag:s30] =	ssyncadd.s32 $0xFFFF8000  }
0xec: {  	v3 =	vld [tilespmem:$0x50];
	_ =	sdelay $0x4  }
0xed: {  	v61 =	vshll.u32 v3, $0x4  }
0xee: {  	v3 =	vand.u32 $0x7, v3;
	v4 =	vand.u32 $0xFFFFFF80, v61  }
0xef: {  	v3 =	vor.u32 v3, v4  }
0xf0: {  	v4 =	vperm.xlane v3, v0;
	_ =	sdelay $0x1  }
0xf1: {  	v4 =	vadd.s32 v1, v4;
	_ =	sdelay $0x4  }
0xf2: {  	[tilespmem:s31], [sflag:$0x2] =	stream.indirect_vreg.gather [hbm4b:s3+s2], $0x80, v4, vm0, $0xb8;
	[tilespmem:$0x10080] =	vst v63  }
0xf3: {  	s13 =	simm.s32 $0x8880  }
0xf4: {  	[tilespmem:s13], [sflag:$0x2] =	stream.indirect_vreg.gather [hbm4b:s5+s2], $0x80, v4, vm0, $0xb8;
	[tilespmem:$0x10080] =	vst v63  }
0xf5: {  	s0 =	simm.s32 $0x9080  }
0xf6: {  	[tilespmem:s0], [sflag:$0x2] =	stream.indirect_vreg.gather [hbm4b:s6+s2], $0x80, v4, vm0, $0xb8;
	[tilespmem:$0x10080] =	vst v63  }
0xf7: {  	s4 =	simm.s32 $0x9880  }
0xf8: {  	[tilespmem:s4], [sflag:$0x2] =	stream.indirect_vreg.gather [hbm4b:s7+s2], $0x80, v4, vm0, $0xb8;
	[tilespmem:$0x10080] =	vst v63  }
0xf9: {  	s23 =	simm.s32 $0xA080  }
0xfa: {  	[tilespmem:s23], [sflag:$0x2] =	stream.indirect_vreg.gather [hbm4b:s8+s2], $0x80, v4, vm0, $0xb8;
	[tilespmem:$0x10080] =	vst v63  }
0xfb: {  	s24 =	simm.s32 $0xA880;
	v3 =	vperm.xlane v3, v2  }
0xfc: {  	[tilespmem:s24], [sflag:$0x2] =	stream.indirect_vreg.gather [hbm4b:s9+s2], $0x80, v4, vm0, $0xb8;
	[tilespmem:$0x10080] =	vst v63  }
0xfd: {  	s14 =	simm.s32 $0xB080;
	v3 =	vadd.s32 v1, v3  }
0xfe: {  	[tilespmem:s14], [sflag:$0x2] =	stream.indirect_vreg.gather [hbm4b:s10+s2], $0x80, v4, vm0, $0xb8;
	[tilespmem:$0x10080] =	vst v63  }
0xff: {  	s15 =	simm.s32 $0xB880  }
0x100: {  	[tilespmem:s15], [sflag:$0x2] =	stream.indirect_vreg.gather [hbm4b:s11+s2], $0x80, v4, vm0, $0xb8;
	[tilespmem:$0x10080] =	vst v63  }
0x101: {  	s16 =	simm.s32 $0xC080  }
0x102: {  	[tilespmem:s16], [sflag:$0x2] =	stream.indirect_vreg.gather [hbm4b:s3+s2], $0x80, v3, vm0, $0xb8;
	[tilespmem:$0x10080] =	vst v63  }
0x103: {  	s17 =	simm.s32 $0xC880  }
0x104: {  	[tilespmem:s17], [sflag:$0x2] =	stream.indirect_vreg.gather [hbm4b:s5+s2], $0x80, v3, vm0, $0xb8;
	[tilespmem:$0x10080] =	vst v63  }
0x105: {  	s18 =	simm.s32 $0xD080  }
0x106: {  	[tilespmem:s18], [sflag:$0x2] =	stream.indirect_vreg.gather [hbm4b:s6+s2], $0x80, v3, vm0, $0xb8;
	[tilespmem:$0x10080] =	vst v63  }
0x107: {  	s19 =	simm.s32 $0xD880  }
0x108: {  	[tilespmem:s19], [sflag:$0x2] =	stream.indirect_vreg.gather [hbm4b:s7+s2], $0x80, v3, vm0, $0xb8;
	[tilespmem:$0x10080] =	vst v63  }
0x109: {  	s20 =	simm.s32 $0xE080  }
0x10a: {  	[tilespmem:s20], [sflag:$0x2] =	stream.indirect_vreg.gather [hbm4b:s8+s2], $0x80, v3, vm0, $0xb8;
	[tilespmem:$0x10080] =	vst v63  }
0x10b: {  	s21 =	simm.s32 $0xE880  }
0x10c: {  	[tilespmem:s21], [sflag:$0x2] =	stream.indirect_vreg.gather [hbm4b:s9+s2], $0x80, v3, vm0, $0xb8;
	[tilespmem:$0x10080] =	vst v63  }
0x10d: {  	s22 =	simm.s32 $0xF080  }
0x10e: {  	[tilespmem:s22], [sflag:$0x2] =	stream.indirect_vreg.gather [hbm4b:s10+s2], $0x80, v3, vm0, $0xb8;
	[tilespmem:$0x10080] =	vst v63  }
0x10f: {  	s25 =	simm.s32 $0xF880  }
0x110: {  	[tilespmem:s25], [sflag:$0x2] =	stream.indirect_vreg.gather [hbm4b:s11+s2], $0x80, v3, vm0, $0xb8;
	[tilespmem:$0x10080] =	vst v63  }
0x111: {  	_ =	swait.ge [sflag:s26], $0x8000  }
0x112: {  	[sflag:s26] =	ssyncset.done $0x0  }
0x113: {  	s0 =	rddreg [dreg:$0x7];
	[sflag:s26] =	ssyncadd.s32 $0xFFFF8000  }
0x114: {  	[hbm4b:s0+s2] =	stream.linear.scatter [tilespmem:s1], [sflag:$0x3], $0x8000, $0x38;
	[tilespmem:$0x10080] =	vst v63  }
0x115: {  	_ =	swait.ge [sflag:s28], $0x8000  }
0x116: {  	[sflag:s28] =	ssyncset.done $0x0  }
0x117: {  	[sflag:s28] =	ssyncadd.s32 $0xFFFF8000  }
0x118: {  	v3 =	vld [tilespmem:$0x60];
	_ =	sdelay $0x4  }
0x119: {  	v62 =	vshll.u32 v3, $0x4  }
0x11a: {  	v3 =	vand.u32 $0x7, v3;
	v4 =	vand.u32 $0xFFFFFF80, v62  }
0x11b: {  	v3 =	vor.u32 v3, v4  }
0x11c: {  	v4 =	vperm.xlane v3, v0;
	_ =	sdelay $0x1  }
0x11d: {  	v4 =	vadd.s32 v1, v4;
	_ =	sdelay $0x4  }
0x11e: {  	[tilespmem:s1], [sflag:$0x1] =	stream.indirect_vreg.gather [hbm4b:s3+s2], $0x80, v4, vm0, $0xb8;
	[tilespmem:$0x10080] =	vst v63  }
0x11f: {  	s0 =	simm.s32 $0x880  }
0x120: {  	[tilespmem:s0], [sflag:$0x1] =	stream.indirect_vreg.gather [hbm4b:s5+s2], $0x80, v4, vm0, $0xb8;
	[tilespmem:$0x10080] =	vst v63  }
0x121: {  	s0 =	simm.s32 $0x1080  }
0x122: {  	[tilespmem:s0], [sflag:$0x1] =	stream.indirect_vreg.gather [hbm4b:s6+s2], $0x80, v4, vm0, $0xb8;
	[tilespmem:$0x10080] =	vst v63  }
0x123: {  	s0 =	simm.s32 $0x1880  }
0x124: {  	[tilespmem:s0], [sflag:$0x1] =	stream.indirect_vreg.gather [hbm4b:s7+s2], $0x80, v4, vm0, $0xb8;
	[tilespmem:$0x10080] =	vst v63  }
0x125: {  	s0 =	simm.s32 $0x2080  }
0x126: {  	[tilespmem:s0], [sflag:$0x1] =	stream.indirect_vreg.gather [hbm4b:s8+s2], $0x80, v4, vm0, $0xb8;
	[tilespmem:$0x10080] =	vst v63  }
0x127: {  	v3 =	vperm.xlane v3, v2;
	s0 =	simm.s32 $0x2880  }
0x128: {  	[tilespmem:s0], [sflag:$0x1] =	stream.indirect_vreg.gather [hbm4b:s9+s2], $0x80, v4, vm0, $0xb8;
	[tilespmem:$0x10080] =	vst v63  }
0x129: {  	v3 =	vadd.s32 v1, v3;
	s0 =	simm.s32 $0x3080  }
0x12a: {  	[tilespmem:s0], [sflag:$0x1] =	stream.indirect_vreg.gather [hbm4b:s10+s2], $0x80, v4, vm0, $0xb8;
	[tilespmem:$0x10080] =	vst v63  }
0x12b: {  	s0 =	simm.s32 $0x3880  }
0x12c: {  	[tilespmem:s0], [sflag:$0x1] =	stream.indirect_vreg.gather [hbm4b:s11+s2], $0x80, v4, vm0, $0xb8;
	[tilespmem:$0x10080] =	vst v63  }
0x12d: {  	s0 =	simm.s32 $0x4080  }
0x12e: {  	[tilespmem:s0], [sflag:$0x1] =	stream.indirect_vreg.gather [hbm4b:s3+s2], $0x80, v3, vm0, $0xb8;
	[tilespmem:$0x10080] =	vst v63  }
0x12f: {  	s0 =	simm.s32 $0x4880  }
0x130: {  	[tilespmem:s0], [sflag:$0x1] =	stream.indirect_vreg.gather [hbm4b:s5+s2], $0x80, v3, vm0, $0xb8;
	[tilespmem:$0x10080] =	vst v63  }
0x131: {  	s0 =	simm.s32 $0x5080  }
0x132: {  	[tilespmem:s0], [sflag:$0x1] =	stream.indirect_vreg.gather [hbm4b:s6+s2], $0x80, v3, vm0, $0xb8;
	[tilespmem:$0x10080] =	vst v63  }
0x133: {  	s0 =	simm.s32 $0x5880  }
0x134: {  	[tilespmem:s0], [sflag:$0x1] =	stream.indirect_vreg.gather [hbm4b:s7+s2], $0x80, v3, vm0, $0xb8;
	[tilespmem:$0x10080] =	vst v63  }
0x135: {  	s0 =	simm.s32 $0x6080  }
0x136: {  	[tilespmem:s0], [sflag:$0x1] =	stream.indirect_vreg.gather [hbm4b:s8+s2], $0x80, v3, vm0, $0xb8;
	[tilespmem:$0x10080] =	vst v63  }
0x137: {  	s0 =	simm.s32 $0x6880  }
0x138: {  	[tilespmem:s0], [sflag:$0x1] =	stream.indirect_vreg.gather [hbm4b:s9+s2], $0x80, v3, vm0, $0xb8;
	[tilespmem:$0x10080] =	vst v63  }
0x139: {  	s0 =	simm.s32 $0x7080  }
0x13a: {  	[tilespmem:s0], [sflag:$0x1] =	stream.indirect_vreg.gather [hbm4b:s10+s2], $0x80, v3, vm0, $0xb8;
	[tilespmem:$0x10080] =	vst v63  }
0x13b: {  	s0 =	simm.s32 $0x7880  }
0x13c: {  	[tilespmem:s0], [sflag:$0x1] =	stream.indirect_vreg.gather [hbm4b:s11+s2], $0x80, v3, vm0, $0xb8;
	[tilespmem:$0x10080] =	vst v63  }
0x13d: {  	_ =	swait.ge [sflag:s29], $0x8000  }
0x13e: {  	[sflag:s29] =	ssyncset.done $0x0  }
0x13f: {  	s0 =	rddreg [dreg:$0x8];
	[sflag:s29] =	ssyncadd.s32 $0xFFFF8000  }
0x140: {  	[hbm4b:s0+s2] =	stream.linear.scatter [tilespmem:s31], [sflag:$0x4], $0x8000, $0x38;
	[tilespmem:$0x10080] =	vst v63  }
0x141: {  	_ =	swait.ge [sflag:s30], $0x8000  }
0x142: {  	[sflag:s30] =	ssyncset.done $0x0  }
0x143: {  	[sflag:s30] =	ssyncadd.s32 $0xFFFF8000  }
0x144: {  	v3 =	vld [tilespmem:$0x70];
	_ =	sdelay $0x4  }
0x145: {  	v63 =	vshll.u32 v3, $0x4  }
0x146: {  	v3 =	vand.u32 $0x7, v3;
	v4 =	vand.u32 $0xFFFFFF80, v63  }
0x147: {  	v3 =	vor.u32 v3, v4  }
0x148: {  	v4 =	vperm.xlane v3, v0;
	_ =	sdelay $0x1  }
0x149: {  	v4 =	vadd.s32 v1, v4;
	_ =	sdelay $0x4  }
0x14a: {  	[tilespmem:s31], [sflag:$0x2] =	stream.indirect_vreg.gather [hbm4b:s3+s2], $0x80, v4, vm0, $0xb8;
	[tilespmem:$0x10080] =	vst v63  }
0x14b: {  	s13 =	simm.s32 $0x8880  }
0x14c: {  	[tilespmem:s13], [sflag:$0x2] =	stream.indirect_vreg.gather [hbm4b:s5+s2], $0x80, v4, vm0, $0xb8;
	[tilespmem:$0x10080] =	vst v63  }
0x14d: {  	s13 =	simm.s32 $0x9080  }
0x14e: {  	[tilespmem:s13], [sflag:$0x2] =	stream.indirect_vreg.gather [hbm4b:s6+s2], $0x80, v4, vm0, $0xb8;
	[tilespmem:$0x10080] =	vst v63  }
0x14f: {  	s4 =	simm.s32 $0x9880  }
0x150: {  	[tilespmem:s4], [sflag:$0x2] =	stream.indirect_vreg.gather [hbm4b:s7+s2], $0x80, v4, vm0, $0xb8;
	[tilespmem:$0x10080] =	vst v63  }
0x151: {  	s23 =	simm.s32 $0xA080  }
0x152: {  	[tilespmem:s23], [sflag:$0x2] =	stream.indirect_vreg.gather [hbm4b:s8+s2], $0x80, v4, vm0, $0xb8;
	[tilespmem:$0x10080] =	vst v63  }
0x153: {  	s24 =	simm.s32 $0xA880;
	v3 =	vperm.xlane v3, v2  }
0x154: {  	[tilespmem:s24], [sflag:$0x2] =	stream.indirect_vreg.gather [hbm4b:s9+s2], $0x80, v4, vm0, $0xb8;
	[tilespmem:$0x10080] =	vst v63  }
0x155: {  	s14 =	simm.s32 $0xB080;
	v3 =	vadd.s32 v1, v3  }
0x156: {  	[tilespmem:s14], [sflag:$0x2] =	stream.indirect_vreg.gather [hbm4b:s10+s2], $0x80, v4, vm0, $0xb8;
	[tilespmem:$0x10080] =	vst v63  }
0x157: {  	s15 =	simm.s32 $0xB880  }
0x158: {  	[tilespmem:s15], [sflag:$0x2] =	stream.indirect_vreg.gather [hbm4b:s11+s2], $0x80, v4, vm0, $0xb8;
	[tilespmem:$0x10080] =	vst v63  }
0x159: {  	s16 =	simm.s32 $0xC080  }
0x15a: {  	[tilespmem:s16], [sflag:$0x2] =	stream.indirect_vreg.gather [hbm4b:s3+s2], $0x80, v3, vm0, $0xb8;
	[tilespmem:$0x10080] =	vst v63  }
0x15b: {  	s17 =	simm.s32 $0xC880  }
0x15c: {  	[tilespmem:s17], [sflag:$0x2] =	stream.indirect_vreg.gather [hbm4b:s5+s2], $0x80, v3, vm0, $0xb8;
	[tilespmem:$0x10080] =	vst v63  }
0x15d: {  	s18 =	simm.s32 $0xD080  }
0x15e: {  	[tilespmem:s18], [sflag:$0x2] =	stream.indirect_vreg.gather [hbm4b:s6+s2], $0x80, v3, vm0, $0xb8;
	[tilespmem:$0x10080] =	vst v63  }
0x15f: {  	s19 =	simm.s32 $0xD880  }
0x160: {  	[tilespmem:s19], [sflag:$0x2] =	stream.indirect_vreg.gather [hbm4b:s7+s2], $0x80, v3, vm0, $0xb8;
	[tilespmem:$0x10080] =	vst v63  }
0x161: {  	s20 =	simm.s32 $0xE080  }
0x162: {  	[tilespmem:s20], [sflag:$0x2] =	stream.indirect_vreg.gather [hbm4b:s8+s2], $0x80, v3, vm0, $0xb8;
	[tilespmem:$0x10080] =	vst v63  }
0x163: {  	s21 =	simm.s32 $0xE880  }
0x164: {  	[tilespmem:s21], [sflag:$0x2] =	stream.indirect_vreg.gather [hbm4b:s9+s2], $0x80, v3, vm0, $0xb8;
	[tilespmem:$0x10080] =	vst v63  }
0x165: {  	s22 =	simm.s32 $0xF080  }
0x166: {  	[tilespmem:s22], [sflag:$0x2] =	stream.indirect_vreg.gather [hbm4b:s10+s2], $0x80, v3, vm0, $0xb8;
	[tilespmem:$0x10080] =	vst v63  }
0x167: {  	s25 =	simm.s32 $0xF880  }
0x168: {  	[tilespmem:s25], [sflag:$0x2] =	stream.indirect_vreg.gather [hbm4b:s11+s2], $0x80, v3, vm0, $0xb8;
	[tilespmem:$0x10080] =	vst v63  }
0x169: {  	_ =	swait.ge [sflag:s26], $0x8000  }
0x16a: {  	[sflag:s26] =	ssyncset.done $0x0  }
0x16b: {  	s24 =	rddreg [dreg:$0x9];
	[sflag:s26] =	ssyncadd.s32 $0xFFFF8000  }
0x16c: {  	[hbm4b:s24+s2] =	stream.linear.scatter [tilespmem:s1], [sflag:$0x3], $0x8000, $0x38;
	[tilespmem:$0x10080] =	vst v63  }
0x16d: {  	_ =	swait.ge [sflag:s29], $0x8000  }
0x16e: {  	[sflag:s29] =	ssyncset.done $0x0  }
0x16f: {  	s25 =	rddreg [dreg:$0xa];
	[sflag:s29] =	ssyncadd.s32 $0xFFFF8000  }
0x170: {  	[hbm4b:s25+s2] =	stream.linear.scatter [tilespmem:s31], [sflag:$0x4], $0x8000, $0x38;
	[tilespmem:$0x10080] =	vst v63  }
0x171: {  	p0 =	sne.s32 s12, $0x1;
	_ =	swait.ge [sflag:s28], $0x8000  }
.Ltmp0:
0x172: {  	[sflag:s28] =	ssyncset.done $0x0;
	(pc) =	sbr.rel @p0 .LBB2_1-.Ltmp0, $4  }
0x173: {  	[sflag:s28] =	ssyncadd.s32 $0xFFFF8000  }
0x174: {  	_ =	swait.ge [sflag:s30], $0x8000  }
0x175: {  	[sflag:s30] =	ssyncset.done $0x0  }
0x176: {  	s12 =	sadd.s32 $0xFFFFFFFF, s12;
	[sflag:s30] =	ssyncadd.s32 $0xFFFF8000  }
0x177: {  	_ =	sfence.sel $0x180000  }
0x178: {  	[bflag:$0x0] =	sbarrier.arrive $0xFFFF  }
0x179: {  	_ =	strace $0x9000004A  }
0x17a: {  	s0 =	stileid.u32;
	[bflag:$0x2] =	sbarrier.arrive $0xFFFF  }
0x17b: {  	p0 =	sne.s32 s0, $0x0;
	s0 =	rddreg [dreg:$0x2]  }
0x17c: {  	s0 =	sadd.s32 @!p0 $0x100000, s0  }
0x17d: {  	[sflag:s0] =	ssyncadd.tile.s32 @!p0 $0x1;
	_ =	shalt  }
.Lfunc_end2:
_tile_overlayer_lowered:
.L_overlay_start_2:
0x17e: {  	(tag) =	ssettag $0x2  }
0x17f: {  	s0 =	rddreg [dreg:$0x0];
	s2 =	stileid.u32  }
0x180: {  	s1 =	rddreg [dreg:$0x1];
	p0 =	sne.s32 s2, $0x0  }
0x181: {  	s3 =	rddreg [dreg:$0x2];
	[bflag:$0x3] =	sbarrier.arrive $0xFFFF;
	s2 =	simm.s32 @!p0 $0x1C05  }
0x182: {  	[timem:s3], [sflag:s2] =	dma.local @!p0 [hbm:s0], s1  }
0x183: {  	s0 =	simm.s32 @!p0 $0x5  }
0x184: {  	_ =	swait.ge @!p0 [sflag:s0], s1  }
0x185: {  	s1 =	ssub.s32 @!p0 $0x0, s1;
	[sflag:s0] =	ssyncset.done @!p0 $0x0  }
0x186: {  	[sflag:s0] =	ssyncadd.s32 @!p0 s1  }
0x187: {  	[bflag:$0x3] =	sbarrier.arrive $0xFFFF  }
0x188: {  	_ =	shalt  }

</sc_bundles>
